<compile_context>
chip_gen: v7x
topology: tpu7x:2x2x1
jax: 0.10.2.dev20260603
libtpu: 0.0.44.dev20260713+nightly
codegen_flags: <defaults>
</compile_context>

<pallas_src>
import jax
import jax.numpy as jnp
from jax import lax
from jax.experimental import pallas as pl
from jax.experimental.pallas import tpu as pltpu
from jax.experimental.pallas import tpu_sc as plsc

N_FEATURES = 64
BATCH = 4096
SEQ_LEN = 200
VOCAB_ROWS = 100000
VPAD = 100096
ROW_W = 128

NC = 2
NS = 16
NW = NC * NS

C = 128
CW = 256
NTBW = BATCH // CW
GW = SEQ_LEN * NTBW // NW

VBLKS = VPAD // ROW_W
VBLK_FULL = VOCAB_ROWS // ROW_W
VTAIL = VOCAB_ROWS - VBLK_FULL * ROW_W
BLK_PER_W = (VBLKS + NW - 1) // NW


def _transpose_body(tblt_ref, tail_ref, scr_ref, t_in, t_out):
    cid = lax.axis_index("c")
    sid = lax.axis_index("s")
    iota16 = lax.iota(jnp.int32, 16)
    wid = sid * NC + cid

    def transpose_block(v0):
        @plsc.parallel_loop(0, N_FEATURES, unroll=2)
        def _(i):
            d = lax.rem(i, 16)
            f0 = i - d
            frow = ((iota16 + d) & 15) + f0
            for w0 in range(0, ROW_W, 16):
                wcol = iota16 + w0
                vec = plsc.load_gather(t_in, [frow, wcol])
                plsc.store_scatter(t_out, [wcol, frow], vec)
        pltpu.sync_copy(t_out, scr_ref.at[pl.ds(v0, ROW_W)])

    @pl.loop(0, BLK_PER_W)
    def _(g):
        blk = wid * BLK_PER_W + g

        @pl.when(blk < VBLK_FULL)
        def _():
            v0 = blk * ROW_W
            pltpu.sync_copy(tblt_ref.at[:, pl.ds(v0, ROW_W)], t_in)
            transpose_block(v0)

        @pl.when(blk == VBLK_FULL)
        def _():
            v0 = VBLK_FULL * ROW_W
            pltpu.sync_copy(tail_ref, t_out.at[pl.ds(0, VTAIL)])
            pltpu.sync_copy(t_out.at[pl.ds(0, VTAIL)],
                            scr_ref.at[pl.ds(v0, VTAIL)])


def _gather_body(xt_ref, my_rm, post_ref, out_ref, pos_v,
                 idxb, g0, g1, obuf,
                 sem_g1, sem_idx, sem_gat, sem_o0, sem_o1):
    cid = lax.axis_index("c")
    sid = lax.axis_index("s")
    iota16 = lax.iota(jnp.int32, 16)
    gbufs = (g0, g1)

    pltpu.sync_copy(post_ref, pos_v)

    wid = sid * NC + cid
    f0 = wid * GW

    def chunk_sb(f):
        return f // NTBW, lax.rem(f, NTBW)

    def idx_copy(f, b):
        s, tb = chunk_sb(f)
        return pltpu.make_async_copy(xt_ref.at[s, pl.ds(tb * CW, CW)],
                                     idxb.at[b], sem_idx)

    def gat_copies(b):
        sem = sem_g1 if b else sem_gat
        return [
            pltpu.make_async_copy(my_rm.at[idxb.at[b, pl.ds(k * C, C)]],
                                  gbufs[b].at[pl.ds(k * C, C)], sem)
            for k in range(CW // C)
        ]

    def out_copy(f, b):
        s, tb = chunk_sb(f)
        return pltpu.make_async_copy(
            obuf.at[b], out_ref.at[s, :, pl.ds(tb * CW, CW)],
            sem_o1 if b else sem_o0)

    idx_copy(f0, 0).start()
    idx_copy(f0, 0).wait()
    for cp in gat_copies(0):
        cp.start()
    idx_copy(f0 + 1, 1).start()

    @pl.loop(0, GW // 2)
    def _(go):
        for par in range(2):
            g = go * 2 + par
            f = f0 + g

            @pl.when(g + 1 < GW)
            def _():
                idx_copy(f + 1, 1 - par).wait()
                for cp in gat_copies(1 - par):
                    cp.start()

            for cp in gat_copies(par):
                cp.wait()

            @pl.when(g + 2 < GW)
            def _():
                idx_copy(f + 2, par).start()

            @pl.when(g >= 2)
            def _():
                out_copy(f - 2, par).wait()

            s, _ = chunk_sb(f)
            gb = gbufs[par]
            ob = obuf.at[par]
            ssplat = jnp.full((16,), 0, jnp.int32) + s

            @plsc.parallel_loop(0, N_FEATURES, unroll=2)
            def _(i):
                d = lax.rem(i, 16)
                f0 = i - d
                col = ((iota16 + d) & 15) + f0
                pvec = plsc.load_gather(pos_v, [ssplat, col])
                for b0 in range(0, CW, 16):
                    row = iota16 + b0
                    vec = plsc.load_gather(gb, [row, col])
                    plsc.store_scatter(ob, [col, row], vec + pvec)

            out_copy(f, par).start()

    out_copy(f0 + GW - 2, 0).wait()
    out_copy(f0 + GW - 1, 1).wait()


_PARAMS = pltpu.CompilerParams(
    use_tc_tiling_on_sc=True, needs_layout_passes=False)
_MESH = dict(core_axis_name="c", subcore_axis_name="s")


@jax.jit
def _embed(xt, tblt, post, tail):
    run_t = pl.kernel(
        _transpose_body,
        out_type=jax.ShapeDtypeStruct((VPAD, ROW_W), jnp.float32),
        mesh=plsc.VectorSubcoreMesh(**_MESH),
        scratch_types=[
            pltpu.VMEM((N_FEATURES, ROW_W), jnp.float32),
            pltpu.VMEM((ROW_W, ROW_W), jnp.float32),
        ],
        compiler_params=_PARAMS,
    )
    scr = run_t(tblt, tail)
    run_g = pl.kernel(
        _gather_body,
        out_type=jax.ShapeDtypeStruct((SEQ_LEN, N_FEATURES, BATCH),
                                      jnp.float32),
        mesh=plsc.VectorSubcoreMesh(**_MESH),
        scratch_types=[
            pltpu.VMEM((SEQ_LEN, N_FEATURES), jnp.float32),
            pltpu.VMEM((2, CW), jnp.int32),
            pltpu.VMEM((CW, ROW_W), jnp.float32),
            pltpu.VMEM((CW, ROW_W), jnp.float32),
            pltpu.VMEM((2, N_FEATURES, CW), jnp.float32),
            pltpu.SemaphoreType.DMA,
            pltpu.SemaphoreType.DMA,
            pltpu.SemaphoreType.DMA,
            pltpu.SemaphoreType.DMA,
            pltpu.SemaphoreType.DMA,
        ],
        compiler_params=_PARAMS,
    )
    return run_g(xt, scr, post)


def kernel(x, text_embedding_weight, pos_embedding):
    bs, seq_len = x.shape
    xt = x.T.astype(jnp.int32)
    tblt = text_embedding_weight.T
    post = pos_embedding.reshape(-1, pos_embedding.shape[-1])[:seq_len]
    tail = jnp.pad(text_embedding_weight[VBLK_FULL * ROW_W:],
                   ((0, 0), (0, ROW_W - N_FEATURES)))
    out_t = _embed(xt, tblt, post, tail)
    return jnp.transpose(out_t, (2, 0, 1))

# --- scband reference (transcript-rebuilt; emitter-appended) ---
"""Pipeline reference for scband-text-embedding-83932250898833 (READ-ONLY COPY).

The authoritative reference and input builder live on the scoring server;
editing this copy changes nothing except your own understanding.
"""

import jax, jax.numpy as jnp
import numpy as np

VOCAB = 100000
N_FEATURES = 64
BLOCK_SIZE = 200
BATCH = 4096
SEQ_LEN = 200

def setup_inputs(seed: int = 0) -> dict:
    key = jax.random.key(seed)
    k1, k2, k3 = jax.random.split(key, 3)
    x = jax.random.randint(k1, (BATCH, SEQ_LEN), 0, VOCAB, dtype=jnp.int64 if jax.config.jax_enable_x64 else jnp.int32)
    text_embedding_weight = jax.random.normal(k2, (VOCAB, N_FEATURES), dtype=jnp.float32) * 0.02
    pos_embedding = jax.random.normal(k3, (1, BLOCK_SIZE, N_FEATURES), dtype=jnp.float32) * 0.02
    return {"x": x, "text_embedding_weight": text_embedding_weight, "pos_embedding": pos_embedding}

def reference(x, text_embedding_weight, pos_embedding):
    bs, seq_len = x.shape
    # embedding lookup (gather)
    out = jnp.take(text_embedding_weight, x, axis=0)
    # add positional embedding (broadcast over batch)
    out = out + pos_embedding[:, :seq_len]
    # drop_p == 0.0 -> no dropout
    return out

if __name__ == "__main__":
    import jax
    _d = setup_inputs()
    print(jax.jit(kernel)(*tuple(_d.values())))

</pallas_src>

<mosaic_0001>
#map = affine_map<(d0, d1) -> (0, 0)>
module attributes {stable_mosaic.version = 14 : i64} {
  func.func @_transpose_body(%arg0: i32, %arg1: i32, %arg2: memref<64x100000xf32, #tpu.memory_space<hbm>>, %arg3: memref<32x128xf32, #tpu.memory_space<hbm>>, %arg4: memref<100096x128xf32, #tpu.memory_space<hbm>>, %arg5: memref<64x128xf32, #tpu.memory_space<vmem>>, %arg6: memref<128x128xf32, #tpu.memory_space<vmem>>) attributes {dimension_semantics = [#tpu.dimension_semantics<core_parallel>, #tpu.dimension_semantics<subcore_parallel>], iteration_bounds = array<i64: 2, 16>, scalar_prefetch = 0 : i64, scratch_operands = 2 : i64, tpu.core_type = #tpu.core_type<sc_vector_subcore>, window_params = [{transform_indices = #map}, {transform_indices = #map}, {transform_indices = #map}]} {
    %iota3A = tpu.iota {dimensions = array<i32: 0>} : vector<16xi32>
    %mul3A = arith.constant 2 : i32
    %mul3A_0 = arith.muli %arg1, %mul3A : i32
    %add3A = arith.addi %mul3A_0, %arg0 : i32
    %scan3A = arith.constant 0 : i32
    %scan3A_1 = arith.constant 25 : i32
    %scan3A_2 = arith.addi %scan3A, %scan3A_1 : i32
    %scan3A_3 = arith.constant 1 : i32
    scf.for %scan3A_5 = %scan3A to %scan3A_2 step %scan3A_3  : i32 {
      %mul3A_6 = arith.constant 1 : i32
      %mul3A_7 = arith.muli %scan3A_5, %mul3A_6 : i32
      %add3A_8 = arith.constant 0 : i32
      %add3A_9 = arith.addi %add3A_8, %mul3A_7 : i32
      %mul3A_10 = arith.constant 25 : i32
      %mul3A_11 = arith.muli %add3A, %mul3A_10 : i32
      %add3A_12 = arith.addi %mul3A_11, %add3A_9 : i32
      %lt3A = arith.constant 781 : i32
      %lt3A_13 = arith.cmpi slt, %add3A_12, %lt3A : i32
      %convert_element_type3A = arith.extui %lt3A_13 : i1 to i32
      %cond3A = arith.constant 0 : i32
      %cond3A_14 = arith.cmpi ne, %convert_element_type3A, %cond3A : i32
      scf.if %cond3A_14 {
        %mul3A_19 = arith.constant 128 : i32
        %mul3A_20 = arith.muli %add3A_12, %mul3A_19 : i32
        "tpu.region"() ({
          %run_scoped3A = tpu.sem_alloc : memref<!tpu.dma_semaphore, #tpu.memory_space<semaphore_mem>>
          %dma_start3A = arith.constant 0 : i32
          %dma_start3A_23 = tpu.memref_slice %arg2[%dma_start3A, %mul3A_20] : memref<64x100000xf32, #tpu.memory_space<hbm>> -> memref<64x128xf32, #tpu.memory_space<hbm>>
          %dma_start3A_24 = arith.constant 0 : i32
          %dma_start3A_25 = tpu.memref_slice %arg2[%dma_start3A_24, %mul3A_20] : memref<64x100000xf32, #tpu.memory_space<hbm>> -> memref<64x128xf32, #tpu.memory_space<hbm>>
          tpu.enqueue_dma source(%dma_start3A_25 : memref<64x128xf32, #tpu.memory_space<hbm>>) target(%arg5 : memref<64x128xf32, #tpu.memory_space<vmem>>) target_semaphore(%run_scoped3A : memref<!tpu.dma_semaphore, #tpu.memory_space<semaphore_mem>>)
          %dma_wait3A = arith.constant 0 : i32
          %dma_wait3A_26 = tpu.memref_slice %arg2[%dma_wait3A, %mul3A_20] : memref<64x100000xf32, #tpu.memory_space<hbm>> -> memref<64x128xf32, #tpu.memory_space<hbm>>
          %dma_wait3A_27 = arith.constant 0 : i32
          %dma_wait3A_28 = tpu.memref_slice %arg2[%dma_wait3A_27, %mul3A_20] : memref<64x100000xf32, #tpu.memory_space<hbm>> -> memref<64x128xf32, #tpu.memory_space<hbm>>
          tpu.wait_dma2 semaphore(%run_scoped3A : memref<!tpu.dma_semaphore, #tpu.memory_space<semaphore_mem>>) src(%dma_wait3A_28 : memref<64x128xf32, #tpu.memory_space<hbm>>) dst(%arg5 : memref<64x128xf32, #tpu.memory_space<vmem>>)
          tpu.yield
        }) : () -> ()
        %parallel_loop3A = arith.constant 0 : i32
        %parallel_loop3A_21 = arith.constant 64 : i32
        %parallel_loop3A_22 = arith.constant 1 : i32
        scf.for %parallel_loop3A_23 = %parallel_loop3A to %parallel_loop3A_21 step %parallel_loop3A_22  : i32 {
          %parallel_loop3A_24 = arith.constant 16 : i32
          %parallel_loop3A_25 = arith.remsi %parallel_loop3A_23, %parallel_loop3A_24 : i32
          %parallel_loop3A_26 = arith.subi %parallel_loop3A_23, %parallel_loop3A_25 : i32
          %parallel_loop3A_27 = vector.broadcast %parallel_loop3A_25 : i32 to vector<16xi32>
          %parallel_loop3A_28 = arith.addi %iota3A, %parallel_loop3A_27 : vector<16xi32>
          %parallel_loop3A_29 = arith.constant 15 : i32
          %parallel_loop3A_30 = vector.broadcast %parallel_loop3A_29 : i32 to vector<16xi32>
          %parallel_loop3A_31 = arith.andi %parallel_loop3A_28, %parallel_loop3A_30 : vector<16xi32>
          %parallel_loop3A_32 = vector.broadcast %parallel_loop3A_26 : i32 to vector<16xi32>
          %parallel_loop3A_33 = arith.addi %parallel_loop3A_31, %parallel_loop3A_32 : vector<16xi32>
          %parallel_loop3A_34 = arith.constant 0 : i32
          %parallel_loop3A_35 = vector.broadcast %parallel_loop3A_34 : i32 to vector<16xi32>
          %parallel_loop3A_36 = arith.addi %iota3A, %parallel_loop3A_35 : vector<16xi32>
          %parallel_loop3A_37 = tpu.vector_load_idx %arg5[%parallel_loop3A_33, %parallel_loop3A_36] : memref<64x128xf32, #tpu.memory_space<vmem>>[vector<16xi32>, vector<16xi32>], vector<16xf32>,
          tpu.vector_store_idx %arg6[%parallel_loop3A_36, %parallel_loop3A_33], %parallel_loop3A_37 : memref<128x128xf32, #tpu.memory_space<vmem>>[vector<16xi32>, vector<16xi32>], vector<16xf32>,
          %parallel_loop3A_38 = arith.constant 16 : i32
          %parallel_loop3A_39 = vector.broadcast %parallel_loop3A_38 : i32 to vector<16xi32>
          %parallel_loop3A_40 = arith.addi %iota3A, %parallel_loop3A_39 : vector<16xi32>
          %parallel_loop3A_41 = tpu.vector_load_idx %arg5[%parallel_loop3A_33, %parallel_loop3A_40] : memref<64x128xf32, #tpu.memory_space<vmem>>[vector<16xi32>, vector<16xi32>], vector<16xf32>,
          tpu.vector_store_idx %arg6[%parallel_loop3A_40, %parallel_loop3A_33], %parallel_loop3A_41 : memref<128x128xf32, #tpu.memory_space<vmem>>[vector<16xi32>, vector<16xi32>], vector<16xf32>,
          %parallel_loop3A_42 = arith.constant 32 : i32
          %parallel_loop3A_43 = vector.broadcast %parallel_loop3A_42 : i32 to vector<16xi32>
          %parallel_loop3A_44 = arith.addi %iota3A, %parallel_loop3A_43 : vector<16xi32>
          %parallel_loop3A_45 = tpu.vector_load_idx %arg5[%parallel_loop3A_33, %parallel_loop3A_44] : memref<64x128xf32, #tpu.memory_space<vmem>>[vector<16xi32>, vector<16xi32>], vector<16xf32>,
          tpu.vector_store_idx %arg6[%parallel_loop3A_44, %parallel_loop3A_33], %parallel_loop3A_45 : memref<128x128xf32, #tpu.memory_space<vmem>>[vector<16xi32>, vector<16xi32>], vector<16xf32>,
          %parallel_loop3A_46 = arith.constant 48 : i32
          %parallel_loop3A_47 = vector.broadcast %parallel_loop3A_46 : i32 to vector<16xi32>
          %parallel_loop3A_48 = arith.addi %iota3A, %parallel_loop3A_47 : vector<16xi32>
          %parallel_loop3A_49 = tpu.vector_load_idx %arg5[%parallel_loop3A_33, %parallel_loop3A_48] : memref<64x128xf32, #tpu.memory_space<vmem>>[vector<16xi32>, vector<16xi32>], vector<16xf32>,
          tpu.vector_store_idx %arg6[%parallel_loop3A_48, %parallel_loop3A_33], %parallel_loop3A_49 : memref<128x128xf32, #tpu.memory_space<vmem>>[vector<16xi32>, vector<16xi32>], vector<16xf32>,
          %parallel_loop3A_50 = arith.constant 64 : i32
          %parallel_loop3A_51 = vector.broadcast %parallel_loop3A_50 : i32 to vector<16xi32>
          %parallel_loop3A_52 = arith.addi %iota3A, %parallel_loop3A_51 : vector<16xi32>
          %parallel_loop3A_53 = tpu.vector_load_idx %arg5[%parallel_loop3A_33, %parallel_loop3A_52] : memref<64x128xf32, #tpu.memory_space<vmem>>[vector<16xi32>, vector<16xi32>], vector<16xf32>,
          tpu.vector_store_idx %arg6[%parallel_loop3A_52, %parallel_loop3A_33], %parallel_loop3A_53 : memref<128x128xf32, #tpu.memory_space<vmem>>[vector<16xi32>, vector<16xi32>], vector<16xf32>,
          %parallel_loop3A_54 = arith.constant 80 : i32
          %parallel_loop3A_55 = vector.broadcast %parallel_loop3A_54 : i32 to vector<16xi32>
          %parallel_loop3A_56 = arith.addi %iota3A, %parallel_loop3A_55 : vector<16xi32>
          %parallel_loop3A_57 = tpu.vector_load_idx %arg5[%parallel_loop3A_33, %parallel_loop3A_56] : memref<64x128xf32, #tpu.memory_space<vmem>>[vector<16xi32>, vector<16xi32>], vector<16xf32>,
          tpu.vector_store_idx %arg6[%parallel_loop3A_56, %parallel_loop3A_33], %parallel_loop3A_57 : memref<128x128xf32, #tpu.memory_space<vmem>>[vector<16xi32>, vector<16xi32>], vector<16xf32>,
          %parallel_loop3A_58 = arith.constant 96 : i32
          %parallel_loop3A_59 = vector.broadcast %parallel_loop3A_58 : i32 to vector<16xi32>
          %parallel_loop3A_60 = arith.addi %iota3A, %parallel_loop3A_59 : vector<16xi32>
          %parallel_loop3A_61 = tpu.vector_load_idx %arg5[%parallel_loop3A_33, %parallel_loop3A_60] : memref<64x128xf32, #tpu.memory_space<vmem>>[vector<16xi32>, vector<16xi32>], vector<16xf32>,
          tpu.vector_store_idx %arg6[%parallel_loop3A_60, %parallel_loop3A_33], %parallel_loop3A_61 : memref<128x128xf32, #tpu.memory_space<vmem>>[vector<16xi32>, vector<16xi32>], vector<16xf32>,
          %parallel_loop3A_62 = arith.constant 112 : i32
          %parallel_loop3A_63 = vector.broadcast %parallel_loop3A_62 : i32 to vector<16xi32>
          %parallel_loop3A_64 = arith.addi %iota3A, %parallel_loop3A_63 : vector<16xi32>
          %parallel_loop3A_65 = tpu.vector_load_idx %arg5[%parallel_loop3A_33, %parallel_loop3A_64] : memref<64x128xf32, #tpu.memory_space<vmem>>[vector<16xi32>, vector<16xi32>], vector<16xf32>,
          tpu.vector_store_idx %arg6[%parallel_loop3A_64, %parallel_loop3A_33], %parallel_loop3A_65 : memref<128x128xf32, #tpu.memory_space<vmem>>[vector<16xi32>, vector<16xi32>], vector<16xf32>,
        } {sc.loop_unroll_factor = 2 : i64, sc.parallel_access}
        "tpu.region"() ({
          %run_scoped3A = tpu.sem_alloc : memref<!tpu.dma_semaphore, #tpu.memory_space<semaphore_mem>>
          %dma_start3A = arith.constant 0 : i32
          %dma_start3A_23 = tpu.memref_slice %arg4[%mul3A_20, %dma_start3A] : memref<100096x128xf32, #tpu.memory_space<hbm>> -> memref<128x128xf32, #tpu.memory_space<hbm>>
          %dma_start3A_24 = arith.constant 0 : i32
          %dma_start3A_25 = tpu.memref_slice %arg4[%mul3A_20, %dma_start3A_24] : memref<100096x128xf32, #tpu.memory_space<hbm>> -> memref<128x128xf32, #tpu.memory_space<hbm>>
          tpu.enqueue_dma source(%arg6 : memref<128x128xf32, #tpu.memory_space<vmem>>) target(%dma_start3A_25 : memref<128x128xf32, #tpu.memory_space<hbm>>) target_semaphore(%run_scoped3A : memref<!tpu.dma_semaphore, #tpu.memory_space<semaphore_mem>>)
          %dma_wait3A = arith.constant 0 : i32
          %dma_wait3A_26 = tpu.memref_slice %arg4[%mul3A_20, %dma_wait3A] : memref<100096x128xf32, #tpu.memory_space<hbm>> -> memref<128x128xf32, #tpu.memory_space<hbm>>
          %dma_wait3A_27 = arith.constant 0 : i32
          %dma_wait3A_28 = tpu.memref_slice %arg4[%mul3A_20, %dma_wait3A_27] : memref<100096x128xf32, #tpu.memory_space<hbm>> -> memref<128x128xf32, #tpu.memory_space<hbm>>
          tpu.wait_dma2 semaphore(%run_scoped3A : memref<!tpu.dma_semaphore, #tpu.memory_space<semaphore_mem>>) src(%arg6 : memref<128x128xf32, #tpu.memory_space<vmem>>) dst(%dma_wait3A_28 : memref<128x128xf32, #tpu.memory_space<hbm>>)
          tpu.yield
        }) : () -> ()
      } else {
      }
      %eq3A = arith.constant 781 : i32
      %eq3A_15 = arith.cmpi eq, %add3A_12, %eq3A : i32
      %convert_element_type3A_16 = arith.extui %eq3A_15 : i1 to i32
      %cond3A_17 = arith.constant 0 : i32
      %cond3A_18 = arith.cmpi ne, %convert_element_type3A_16, %cond3A_17 : i32
      scf.if %cond3A_18 {
        "tpu.region"() ({
          %run_scoped3A = tpu.sem_alloc : memref<!tpu.dma_semaphore, #tpu.memory_space<semaphore_mem>>
          %dma_start3A = arith.constant 0 : i32
          %dma_start3A_19 = arith.constant 0 : i32
          %dma_start3A_20 = tpu.memref_slice %arg6[%dma_start3A, %dma_start3A_19] : memref<128x128xf32, #tpu.memory_space<vmem>> -> memref<32x128xf32, #tpu.memory_space<vmem>>
          %dma_start3A_21 = arith.constant 0 : i32
          %dma_start3A_22 = arith.constant 0 : i32
          %dma_start3A_23 = tpu.memref_slice %arg6[%dma_start3A_21, %dma_start3A_22] : memref<128x128xf32, #tpu.memory_space<vmem>> -> memref<32x128xf32, #tpu.memory_space<vmem>>
          tpu.enqueue_dma source(%arg3 : memref<32x128xf32, #tpu.memory_space<hbm>>) target(%dma_start3A_23 : memref<32x128xf32, #tpu.memory_space<vmem>>) target_semaphore(%run_scoped3A : memref<!tpu.dma_semaphore, #tpu.memory_space<semaphore_mem>>)
          %dma_wait3A = arith.constant 0 : i32
          %dma_wait3A_24 = arith.constant 0 : i32
          %dma_wait3A_25 = tpu.memref_slice %arg6[%dma_wait3A, %dma_wait3A_24] : memref<128x128xf32, #tpu.memory_space<vmem>> -> memref<32x128xf32, #tpu.memory_space<vmem>>
          %dma_wait3A_26 = arith.constant 0 : i32
          %dma_wait3A_27 = arith.constant 0 : i32
          %dma_wait3A_28 = tpu.memref_slice %arg6[%dma_wait3A_26, %dma_wait3A_27] : memref<128x128xf32, #tpu.memory_space<vmem>> -> memref<32x128xf32, #tpu.memory_space<vmem>>
          tpu.wait_dma2 semaphore(%run_scoped3A : memref<!tpu.dma_semaphore, #tpu.memory_space<semaphore_mem>>) src(%arg3 : memref<32x128xf32, #tpu.memory_space<hbm>>) dst(%dma_wait3A_28 : memref<32x128xf32, #tpu.memory_space<vmem>>)
          tpu.yield
        }) : () -> ()
        "tpu.region"() ({
          %run_scoped3A = tpu.sem_alloc : memref<!tpu.dma_semaphore, #tpu.memory_space<semaphore_mem>>
          %dma_start3A = arith.constant 0 : i32
          %dma_start3A_19 = arith.constant 0 : i32
          %dma_start3A_20 = tpu.memref_slice %arg6[%dma_start3A, %dma_start3A_19] : memref<128x128xf32, #tpu.memory_space<vmem>> -> memref<32x128xf32, #tpu.memory_space<vmem>>
          %dma_start3A_21 = arith.constant 99968 : i32
          %dma_start3A_22 = arith.constant 0 : i32
          %dma_start3A_23 = tpu.memref_slice %arg4[%dma_start3A_21, %dma_start3A_22] : memref<100096x128xf32, #tpu.memory_space<hbm>> -> memref<32x128xf32, #tpu.memory_space<hbm>>
          %dma_start3A_24 = arith.constant 99968 : i32
          %dma_start3A_25 = arith.constant 0 : i32
          %dma_start3A_26 = tpu.memref_slice %arg4[%dma_start3A_24, %dma_start3A_25] : memref<100096x128xf32, #tpu.memory_space<hbm>> -> memref<32x128xf32, #tpu.memory_space<hbm>>
          %dma_start3A_27 = arith.constant 0 : i32
          %dma_start3A_28 = arith.constant 0 : i32
          %dma_start3A_29 = tpu.memref_slice %arg6[%dma_start3A_27, %dma_start3A_28] : memref<128x128xf32, #tpu.memory_space<vmem>> -> memref<32x128xf32, #tpu.memory_space<vmem>>
          tpu.enqueue_dma source(%dma_start3A_29 : memref<32x128xf32, #tpu.memory_space<vmem>>) target(%dma_start3A_26 : memref<32x128xf32, #tpu.memory_space<hbm>>) target_semaphore(%run_scoped3A : memref<!tpu.dma_semaphore, #tpu.memory_space<semaphore_mem>>)
          %dma_wait3A = arith.constant 0 : i32
          %dma_wait3A_30 = arith.constant 0 : i32
          %dma_wait3A_31 = tpu.memref_slice %arg6[%dma_wait3A, %dma_wait3A_30] : memref<128x128xf32, #tpu.memory_space<vmem>> -> memref<32x128xf32, #tpu.memory_space<vmem>>
          %dma_wait3A_32 = arith.constant 99968 : i32
          %dma_wait3A_33 = arith.constant 0 : i32
          %dma_wait3A_34 = tpu.memref_slice %arg4[%dma_wait3A_32, %dma_wait3A_33] : memref<100096x128xf32, #tpu.memory_space<hbm>> -> memref<32x128xf32, #tpu.memory_space<hbm>>
          %dma_wait3A_35 = arith.constant 99968 : i32
          %dma_wait3A_36 = arith.constant 0 : i32
          %dma_wait3A_37 = tpu.memref_slice %arg4[%dma_wait3A_35, %dma_wait3A_36] : memref<100096x128xf32, #tpu.memory_space<hbm>> -> memref<32x128xf32, #tpu.memory_space<hbm>>
          %dma_wait3A_38 = arith.constant 0 : i32
          %dma_wait3A_39 = arith.constant 0 : i32
          %dma_wait3A_40 = tpu.memref_slice %arg6[%dma_wait3A_38, %dma_wait3A_39] : memref<128x128xf32, #tpu.memory_space<vmem>> -> memref<32x128xf32, #tpu.memory_space<vmem>>
          tpu.wait_dma2 semaphore(%run_scoped3A : memref<!tpu.dma_semaphore, #tpu.memory_space<semaphore_mem>>) src(%dma_wait3A_40 : memref<32x128xf32, #tpu.memory_space<vmem>>) dst(%dma_wait3A_37 : memref<32x128xf32, #tpu.memory_space<hbm>>)
          tpu.yield
        }) : () -> ()
      } else {
      }
    }
    %scan3A_4 = arith.constant 25 : i32
    return
  }
}

#map = affine_map<(d0, d1) -> (0, 0)>
#map1 = affine_map<(d0, d1) -> (0, 0, 0)>
module attributes {stable_mosaic.version = 14 : i64} {
  func.func @_gather_body(%arg0: i32, %arg1: i32, %arg2: memref<200x4096xi32, #tpu.memory_space<hbm>>, %arg3: memref<100096x128xf32, #tpu.memory_space<hbm>>, %arg4: memref<200x64xf32, #tpu.memory_space<hbm>>, %arg5: memref<200x64x4096xf32, #tpu.memory_space<hbm>>, %arg6: memref<200x64xf32, #tpu.memory_space<vmem>>, %arg7: memref<2x256xi32, #tpu.memory_space<vmem>>, %arg8: memref<256x128xf32, #tpu.memory_space<vmem>>, %arg9: memref<256x128xf32, #tpu.memory_space<vmem>>, %arg10: memref<2x64x256xf32, #tpu.memory_space<vmem>>, %arg11: memref<!tpu.dma_semaphore, #tpu.memory_space<semaphore_mem>>, %arg12: memref<!tpu.dma_semaphore, #tpu.memory_space<semaphore_mem>>, %arg13: memref<!tpu.dma_semaphore, #tpu.memory_space<semaphore_mem>>, %arg14: memref<!tpu.dma_semaphore, #tpu.memory_space<semaphore_mem>>, %arg15: memref<!tpu.dma_semaphore, #tpu.memory_space<semaphore_mem>>) attributes {dimension_semantics = [#tpu.dimension_semantics<core_parallel>, #tpu.dimension_semantics<subcore_parallel>], iteration_bounds = array<i64: 2, 16>, scalar_prefetch = 0 : i64, scratch_operands = 10 : i64, tpu.core_type = #tpu.core_type<sc_vector_subcore>, window_params = [{transform_indices = #map}, {transform_indices = #map}, {transform_indices = #map}, {transform_indices = #map1}]} {
    %iota3A = tpu.iota {dimensions = array<i32: 0>} : vector<16xi32>
    "tpu.region"() ({
      %run_scoped3A = tpu.sem_alloc : memref<!tpu.dma_semaphore, #tpu.memory_space<semaphore_mem>>
      tpu.enqueue_dma source(%arg4 : memref<200x64xf32, #tpu.memory_space<hbm>>) target(%arg6 : memref<200x64xf32, #tpu.memory_space<vmem>>) target_semaphore(%run_scoped3A : memref<!tpu.dma_semaphore, #tpu.memory_space<semaphore_mem>>)
      tpu.wait_dma2 semaphore(%run_scoped3A : memref<!tpu.dma_semaphore, #tpu.memory_space<semaphore_mem>>) src(%arg4 : memref<200x64xf32, #tpu.memory_space<hbm>>) dst(%arg6 : memref<200x64xf32, #tpu.memory_space<vmem>>)
      tpu.yield
    }) : () -> ()
    %mul3A = arith.constant 2 : i32
    %mul3A_0 = arith.muli %arg1, %mul3A : i32
    %add3A = arith.addi %mul3A_0, %arg0 : i32
    %mul3A_1 = arith.constant 100 : i32
    %mul3A_2 = arith.muli %add3A, %mul3A_1 : i32
    %jit3A = arith.constant 16 : i32
    %div3A = arith.divsi %mul3A_2, %jit3A : i32
    %sign3A = arith.constant 0 : i32
    %sign3A_3 = arith.cmpi sgt, %mul3A_2, %sign3A : i32
    %sign3A_4 = arith.extui %sign3A_3 : i1 to i32
    %sign3A_5 = arith.constant 0 : i32
    %sign3A_6 = arith.cmpi slt, %mul3A_2, %sign3A_5 : i32
    %sign3A_7 = arith.extui %sign3A_6 : i1 to i32
    %sign3A_8 = arith.subi %sign3A_4, %sign3A_7 : i32
    %sign3A_9 = arith.constant 0 : i32
    %sign3A_10 = arith.cmpi sgt, %jit3A, %sign3A_9 : i32
    %sign3A_11 = arith.extui %sign3A_10 : i1 to i32
    %sign3A_12 = arith.constant 0 : i32
    %sign3A_13 = arith.cmpi slt, %jit3A, %sign3A_12 : i32
    %sign3A_14 = arith.extui %sign3A_13 : i1 to i32
    %sign3A_15 = arith.subi %sign3A_11, %sign3A_14 : i32
    %ne3A = arith.cmpi ne, %sign3A_8, %sign3A_15 : i32
    %rem3A = arith.remsi %mul3A_2, %jit3A : i32
    %ne3A_16 = arith.constant 0 : i32
    %ne3A_17 = arith.cmpi ne, %rem3A, %ne3A_16 : i32
    %and3A = arith.andi %ne3A, %ne3A_17 : i1
    %sub3A = arith.constant 1 : i32
    %sub3A_18 = arith.subi %div3A, %sub3A : i32
    %select_n3A = arith.select %and3A, %sub3A_18, %div3A : i32
    %rem3A_19 = arith.constant 16 : i32
    %rem3A_20 = arith.remsi %mul3A_2, %rem3A_19 : i32
    %mul3A_21 = arith.constant 256 : i32
    %mul3A_22 = arith.muli %rem3A_20, %mul3A_21 : i32
    %dma_start3A = arith.constant 0 : i32
    %dma_start3A_23 = arith.constant 0 : i32
    %dma_start3A_24 = tpu.memref_slice %arg7[%dma_start3A, %dma_start3A_23] : memref<2x256xi32, #tpu.memory_space<vmem>> -> memref<1x256xi32, #tpu.memory_space<vmem>>
    %dma_start3A_25 = tpu.memref_squeeze %dma_start3A_24 : memref<1x256xi32, #tpu.memory_space<vmem>> -> memref<256xi32, #tpu.memory_space<vmem>>
    %dma_start3A_26 = tpu.memref_slice %arg2[%select_n3A, %mul3A_22] : memref<200x4096xi32, #tpu.memory_space<hbm>> -> memref<1x256xi32, #tpu.memory_space<hbm>>
    %dma_start3A_27 = tpu.memref_squeeze %dma_start3A_26 : memref<1x256xi32, #tpu.memory_space<hbm>> -> memref<256xi32, #tpu.memory_space<hbm>>
    %dma_start3A_28 = arith.constant 0 : i32
    %dma_start3A_29 = tpu.memref_slice %arg7[%dma_start3A, %dma_start3A_28] : memref<2x256xi32, #tpu.memory_space<vmem>> -> memref<1x256xi32, #tpu.memory_space<vmem>>
    %dma_start3A_30 = tpu.memref_squeeze %dma_start3A_29 : memref<1x256xi32, #tpu.memory_space<vmem>> -> memref<256xi32, #tpu.memory_space<vmem>>
    %dma_start3A_31 = tpu.memref_slice %arg2[%select_n3A, %mul3A_22] : memref<200x4096xi32, #tpu.memory_space<hbm>> -> memref<1x256xi32, #tpu.memory_space<hbm>>
    %dma_start3A_32 = tpu.memref_squeeze %dma_start3A_31 : memref<1x256xi32, #tpu.memory_space<hbm>> -> memref<256xi32, #tpu.memory_space<hbm>>
    tpu.enqueue_dma source(%dma_start3A_32 : memref<256xi32, #tpu.memory_space<hbm>>) target(%dma_start3A_30 : memref<256xi32, #tpu.memory_space<vmem>>) target_semaphore(%arg12 : memref<!tpu.dma_semaphore, #tpu.memory_space<semaphore_mem>>)
    %jit3A_33 = arith.constant 16 : i32
    %div3A_34 = arith.divsi %mul3A_2, %jit3A_33 : i32
    %sign3A_35 = arith.constant 0 : i32
    %sign3A_36 = arith.cmpi sgt, %mul3A_2, %sign3A_35 : i32
    %sign3A_37 = arith.extui %sign3A_36 : i1 to i32
    %sign3A_38 = arith.constant 0 : i32
    %sign3A_39 = arith.cmpi slt, %mul3A_2, %sign3A_38 : i32
    %sign3A_40 = arith.extui %sign3A_39 : i1 to i32
    %sign3A_41 = arith.subi %sign3A_37, %sign3A_40 : i32
    %sign3A_42 = arith.constant 0 : i32
    %sign3A_43 = arith.cmpi sgt, %jit3A_33, %sign3A_42 : i32
    %sign3A_44 = arith.extui %sign3A_43 : i1 to i32
    %sign3A_45 = arith.constant 0 : i32
    %sign3A_46 = arith.cmpi slt, %jit3A_33, %sign3A_45 : i32
    %sign3A_47 = arith.extui %sign3A_46 : i1 to i32
    %sign3A_48 = arith.subi %sign3A_44, %sign3A_47 : i32
    %ne3A_49 = arith.cmpi ne, %sign3A_41, %sign3A_48 : i32
    %rem3A_50 = arith.remsi %mul3A_2, %jit3A_33 : i32
    %ne3A_51 = arith.constant 0 : i32
    %ne3A_52 = arith.cmpi ne, %rem3A_50, %ne3A_51 : i32
    %and3A_53 = arith.andi %ne3A_49, %ne3A_52 : i1
    %sub3A_54 = arith.constant 1 : i32
    %sub3A_55 = arith.subi %div3A_34, %sub3A_54 : i32
    %select_n3A_56 = arith.select %and3A_53, %sub3A_55, %div3A_34 : i32
    %rem3A_57 = arith.constant 16 : i32
    %rem3A_58 = arith.remsi %mul3A_2, %rem3A_57 : i32
    %mul3A_59 = arith.constant 256 : i32
    %mul3A_60 = arith.muli %rem3A_58, %mul3A_59 : i32
    %dma_wait3A = arith.constant 0 : i32
    %dma_wait3A_61 = arith.constant 0 : i32
    %dma_wait3A_62 = tpu.memref_slice %arg7[%dma_wait3A, %dma_wait3A_61] : memref<2x256xi32, #tpu.memory_space<vmem>> -> memref<1x256xi32, #tpu.memory_space<vmem>>
    %dma_wait3A_63 = tpu.memref_squeeze %dma_wait3A_62 : memref<1x256xi32, #tpu.memory_space<vmem>> -> memref<256xi32, #tpu.memory_space<vmem>>
    %dma_wait3A_64 = tpu.memref_slice %arg2[%select_n3A_56, %mul3A_60] : memref<200x4096xi32, #tpu.memory_space<hbm>> -> memref<1x256xi32, #tpu.memory_space<hbm>>
    %dma_wait3A_65 = tpu.memref_squeeze %dma_wait3A_64 : memref<1x256xi32, #tpu.memory_space<hbm>> -> memref<256xi32, #tpu.memory_space<hbm>>
    %dma_wait3A_66 = arith.constant 0 : i32
    %dma_wait3A_67 = tpu.memref_slice %arg7[%dma_wait3A, %dma_wait3A_66] : memref<2x256xi32, #tpu.memory_space<vmem>> -> memref<1x256xi32, #tpu.memory_space<vmem>>
    %dma_wait3A_68 = tpu.memref_squeeze %dma_wait3A_67 : memref<1x256xi32, #tpu.memory_space<vmem>> -> memref<256xi32, #tpu.memory_space<vmem>>
    %dma_wait3A_69 = tpu.memref_slice %arg2[%select_n3A_56, %mul3A_60] : memref<200x4096xi32, #tpu.memory_space<hbm>> -> memref<1x256xi32, #tpu.memory_space<hbm>>
    %dma_wait3A_70 = tpu.memref_squeeze %dma_wait3A_69 : memref<1x256xi32, #tpu.memory_space<hbm>> -> memref<256xi32, #tpu.memory_space<hbm>>
    tpu.wait_dma2 semaphore(%arg12 : memref<!tpu.dma_semaphore, #tpu.memory_space<semaphore_mem>>) src(%dma_wait3A_70 : memref<256xi32, #tpu.memory_space<hbm>>) dst(%dma_wait3A_68 : memref<256xi32, #tpu.memory_space<vmem>>)
    %dma_start3A_71 = arith.constant 0 : i32
    %dma_start3A_72 = arith.constant 0 : i32
    %dma_start3A_73 = arith.constant 0 : i32
    %dma_start3A_74 = tpu.memref_slice %arg8[%dma_start3A_72, %dma_start3A_73] : memref<256x128xf32, #tpu.memory_space<vmem>> -> memref<128x128xf32, #tpu.memory_space<vmem>>
    %dma_start3A_75 = arith.constant 0 : i32
    %dma_start3A_76 = tpu.memref_slice %arg7[%dma_start3A_71, %dma_start3A_75] : memref<2x256xi32, #tpu.memory_space<vmem>> -> memref<1x128xi32, #tpu.memory_space<vmem>>
    %dma_start3A_77 = tpu.memref_squeeze %dma_start3A_76 : memref<1x128xi32, #tpu.memory_space<vmem>> -> memref<128xi32, #tpu.memory_space<vmem>>
    %dma_start3A_78 = arith.constant 0 : i32
    %dma_start3A_79 = arith.constant 0 : i32
    %dma_start3A_80 = tpu.memref_slice %arg3[%dma_start3A_78, %dma_start3A_79] : memref<100096x128xf32, #tpu.memory_space<hbm>> -> memref<100096x128xf32, #tpu.memory_space<hbm>>
    tpu.enqueue_indirect_dma source(%dma_start3A_80 : memref<100096x128xf32, #tpu.memory_space<hbm>>) target(%dma_start3A_74 : memref<128x128xf32, #tpu.memory_space<vmem>>) offsets(%dma_start3A_77 : memref<128xi32, #tpu.memory_space<vmem>>) semaphore(%arg13 : memref<!tpu.dma_semaphore, #tpu.memory_space<semaphore_mem>>)
    %dma_start3A_81 = arith.constant 0 : i32
    %dma_start3A_82 = arith.constant 128 : i32
    %dma_start3A_83 = arith.constant 0 : i32
    %dma_start3A_84 = tpu.memref_slice %arg8[%dma_start3A_82, %dma_start3A_83] : memref<256x128xf32, #tpu.memory_space<vmem>> -> memref<128x128xf32, #tpu.memory_space<vmem>>
    %dma_start3A_85 = arith.constant 128 : i32
    %dma_start3A_86 = tpu.memref_slice %arg7[%dma_start3A_81, %dma_start3A_85] : memref<2x256xi32, #tpu.memory_space<vmem>> -> memref<1x128xi32, #tpu.memory_space<vmem>>
    %dma_start3A_87 = tpu.memref_squeeze %dma_start3A_86 : memref<1x128xi32, #tpu.memory_space<vmem>> -> memref<128xi32, #tpu.memory_space<vmem>>
    %dma_start3A_88 = arith.constant 0 : i32
    %dma_start3A_89 = arith.constant 0 : i32
    %dma_start3A_90 = tpu.memref_slice %arg3[%dma_start3A_88, %dma_start3A_89] : memref<100096x128xf32, #tpu.memory_space<hbm>> -> memref<100096x128xf32, #tpu.memory_space<hbm>>
    tpu.enqueue_indirect_dma source(%dma_start3A_90 : memref<100096x128xf32, #tpu.memory_space<hbm>>) target(%dma_start3A_84 : memref<128x128xf32, #tpu.memory_space<vmem>>) offsets(%dma_start3A_87 : memref<128xi32, #tpu.memory_space<vmem>>) semaphore(%arg13 : memref<!tpu.dma_semaphore, #tpu.memory_space<semaphore_mem>>)
    %add3A_91 = arith.constant 1 : i32
    %add3A_92 = arith.addi %mul3A_2, %add3A_91 : i32
    %jit3A_93 = arith.constant 16 : i32
    %div3A_94 = arith.divsi %add3A_92, %jit3A_93 : i32
    %sign3A_95 = arith.constant 0 : i32
    %sign3A_96 = arith.cmpi sgt, %add3A_92, %sign3A_95 : i32
    %sign3A_97 = arith.extui %sign3A_96 : i1 to i32
    %sign3A_98 = arith.constant 0 : i32
    %sign3A_99 = arith.cmpi slt, %add3A_92, %sign3A_98 : i32
    %sign3A_100 = arith.extui %sign3A_99 : i1 to i32
    %sign3A_101 = arith.subi %sign3A_97, %sign3A_100 : i32
    %sign3A_102 = arith.constant 0 : i32
    %sign3A_103 = arith.cmpi sgt, %jit3A_93, %sign3A_102 : i32
    %sign3A_104 = arith.extui %sign3A_103 : i1 to i32
    %sign3A_105 = arith.constant 0 : i32
    %sign3A_106 = arith.cmpi slt, %jit3A_93, %sign3A_105 : i32
    %sign3A_107 = arith.extui %sign3A_106 : i1 to i32
    %sign3A_108 = arith.subi %sign3A_104, %sign3A_107 : i32
    %ne3A_109 = arith.cmpi ne, %sign3A_101, %sign3A_108 : i32
    %rem3A_110 = arith.remsi %add3A_92, %jit3A_93 : i32
    %ne3A_111 = arith.constant 0 : i32
    %ne3A_112 = arith.cmpi ne, %rem3A_110, %ne3A_111 : i32
    %and3A_113 = arith.andi %ne3A_109, %ne3A_112 : i1
    %sub3A_114 = arith.constant 1 : i32
    %sub3A_115 = arith.subi %div3A_94, %sub3A_114 : i32
    %select_n3A_116 = arith.select %and3A_113, %sub3A_115, %div3A_94 : i32
    %rem3A_117 = arith.constant 16 : i32
    %rem3A_118 = arith.remsi %add3A_92, %rem3A_117 : i32
    %mul3A_119 = arith.constant 256 : i32
    %mul3A_120 = arith.muli %rem3A_118, %mul3A_119 : i32
    %dma_start3A_121 = arith.constant 1 : i32
    %dma_start3A_122 = arith.constant 0 : i32
    %dma_start3A_123 = tpu.memref_slice %arg7[%dma_start3A_121, %dma_start3A_122] : memref<2x256xi32, #tpu.memory_space<vmem>> -> memref<1x256xi32, #tpu.memory_space<vmem>>
    %dma_start3A_124 = tpu.memref_squeeze %dma_start3A_123 : memref<1x256xi32, #tpu.memory_space<vmem>> -> memref<256xi32, #tpu.memory_space<vmem>>
    %dma_start3A_125 = tpu.memref_slice %arg2[%select_n3A_116, %mul3A_120] : memref<200x4096xi32, #tpu.memory_space<hbm>> -> memref<1x256xi32, #tpu.memory_space<hbm>>
    %dma_start3A_126 = tpu.memref_squeeze %dma_start3A_125 : memref<1x256xi32, #tpu.memory_space<hbm>> -> memref<256xi32, #tpu.memory_space<hbm>>
    %dma_start3A_127 = arith.constant 0 : i32
    %dma_start3A_128 = tpu.memref_slice %arg7[%dma_start3A_121, %dma_start3A_127] : memref<2x256xi32, #tpu.memory_space<vmem>> -> memref<1x256xi32, #tpu.memory_space<vmem>>
    %dma_start3A_129 = tpu.memref_squeeze %dma_start3A_128 : memref<1x256xi32, #tpu.memory_space<vmem>> -> memref<256xi32, #tpu.memory_space<vmem>>
    %dma_start3A_130 = tpu.memref_slice %arg2[%select_n3A_116, %mul3A_120] : memref<200x4096xi32, #tpu.memory_space<hbm>> -> memref<1x256xi32, #tpu.memory_space<hbm>>
    %dma_start3A_131 = tpu.memref_squeeze %dma_start3A_130 : memref<1x256xi32, #tpu.memory_space<hbm>> -> memref<256xi32, #tpu.memory_space<hbm>>
    tpu.enqueue_dma source(%dma_start3A_131 : memref<256xi32, #tpu.memory_space<hbm>>) target(%dma_start3A_129 : memref<256xi32, #tpu.memory_space<vmem>>) target_semaphore(%arg12 : memref<!tpu.dma_semaphore, #tpu.memory_space<semaphore_mem>>)
    %scan3A = arith.constant 0 : i32
    %scan3A_132 = arith.constant 50 : i32
    %scan3A_133 = arith.addi %scan3A, %scan3A_132 : i32
    %scan3A_134 = arith.constant 1 : i32
    scf.for %scan3A_230 = %scan3A to %scan3A_133 step %scan3A_134  : i32 {
      %mul3A_231 = arith.constant 1 : i32
      %mul3A_232 = arith.muli %scan3A_230, %mul3A_231 : i32
      %add3A_233 = arith.constant 0 : i32
      %add3A_234 = arith.addi %add3A_233, %mul3A_232 : i32
      %mul3A_235 = arith.constant 2 : i32
      %mul3A_236 = arith.muli %add3A_234, %mul3A_235 : i32
      %add3A_237 = arith.constant 0 : i32
      %add3A_238 = arith.addi %mul3A_236, %add3A_237 : i32
      %add3A_239 = arith.addi %mul3A_2, %add3A_238 : i32
      %add3A_240 = arith.constant 1 : i32
      %add3A_241 = arith.addi %add3A_238, %add3A_240 : i32
      %lt3A = arith.constant 100 : i32
      %lt3A_242 = arith.cmpi slt, %add3A_241, %lt3A : i32
      %convert_element_type3A = arith.extui %lt3A_242 : i1 to i32
      %cond3A = arith.constant 0 : i32
      %cond3A_243 = arith.cmpi ne, %convert_element_type3A, %cond3A : i32
      scf.if %cond3A_243 {
        %add3A_471 = arith.constant 1 : i32
        %add3A_472 = arith.addi %add3A_239, %add3A_471 : i32
        %jit3A_473 = arith.constant 16 : i32
        %div3A_474 = arith.divsi %add3A_472, %jit3A_473 : i32
        %sign3A_475 = arith.constant 0 : i32
        %sign3A_476 = arith.cmpi sgt, %add3A_472, %sign3A_475 : i32
        %sign3A_477 = arith.extui %sign3A_476 : i1 to i32
        %sign3A_478 = arith.constant 0 : i32
        %sign3A_479 = arith.cmpi slt, %add3A_472, %sign3A_478 : i32
        %sign3A_480 = arith.extui %sign3A_479 : i1 to i32
        %sign3A_481 = arith.subi %sign3A_477, %sign3A_480 : i32
        %sign3A_482 = arith.constant 0 : i32
        %sign3A_483 = arith.cmpi sgt, %jit3A_473, %sign3A_482 : i32
        %sign3A_484 = arith.extui %sign3A_483 : i1 to i32
        %sign3A_485 = arith.constant 0 : i32
        %sign3A_486 = arith.cmpi slt, %jit3A_473, %sign3A_485 : i32
        %sign3A_487 = arith.extui %sign3A_486 : i1 to i32
        %sign3A_488 = arith.subi %sign3A_484, %sign3A_487 : i32
        %ne3A_489 = arith.cmpi ne, %sign3A_481, %sign3A_488 : i32
        %rem3A_490 = arith.remsi %add3A_472, %jit3A_473 : i32
        %ne3A_491 = arith.constant 0 : i32
        %ne3A_492 = arith.cmpi ne, %rem3A_490, %ne3A_491 : i32
        %and3A_493 = arith.andi %ne3A_489, %ne3A_492 : i1
        %sub3A_494 = arith.constant 1 : i32
        %sub3A_495 = arith.subi %div3A_474, %sub3A_494 : i32
        %select_n3A_496 = arith.select %and3A_493, %sub3A_495, %div3A_474 : i32
        %rem3A_497 = arith.constant 16 : i32
        %rem3A_498 = arith.remsi %add3A_472, %rem3A_497 : i32
        %mul3A_499 = arith.constant 256 : i32
        %mul3A_500 = arith.muli %rem3A_498, %mul3A_499 : i32
        %dma_wait3A_501 = arith.constant 1 : i32
        %dma_wait3A_502 = arith.constant 0 : i32
        %dma_wait3A_503 = tpu.memref_slice %arg7[%dma_wait3A_501, %dma_wait3A_502] : memref<2x256xi32, #tpu.memory_space<vmem>> -> memref<1x256xi32, #tpu.memory_space<vmem>>
        %dma_wait3A_504 = tpu.memref_squeeze %dma_wait3A_503 : memref<1x256xi32, #tpu.memory_space<vmem>> -> memref<256xi32, #tpu.memory_space<vmem>>
        %dma_wait3A_505 = tpu.memref_slice %arg2[%select_n3A_496, %mul3A_500] : memref<200x4096xi32, #tpu.memory_space<hbm>> -> memref<1x256xi32, #tpu.memory_space<hbm>>
        %dma_wait3A_506 = tpu.memref_squeeze %dma_wait3A_505 : memref<1x256xi32, #tpu.memory_space<hbm>> -> memref<256xi32, #tpu.memory_space<hbm>>
        %dma_wait3A_507 = arith.constant 0 : i32
        %dma_wait3A_508 = tpu.memref_slice %arg7[%dma_wait3A_501, %dma_wait3A_507] : memref<2x256xi32, #tpu.memory_space<vmem>> -> memref<1x256xi32, #tpu.memory_space<vmem>>
        %dma_wait3A_509 = tpu.memref_squeeze %dma_wait3A_508 : memref<1x256xi32, #tpu.memory_space<vmem>> -> memref<256xi32, #tpu.memory_space<vmem>>
        %dma_wait3A_510 = tpu.memref_slice %arg2[%select_n3A_496, %mul3A_500] : memref<200x4096xi32, #tpu.memory_space<hbm>> -> memref<1x256xi32, #tpu.memory_space<hbm>>
        %dma_wait3A_511 = tpu.memref_squeeze %dma_wait3A_510 : memref<1x256xi32, #tpu.memory_space<hbm>> -> memref<256xi32, #tpu.memory_space<hbm>>
        tpu.wait_dma2 semaphore(%arg12 : memref<!tpu.dma_semaphore, #tpu.memory_space<semaphore_mem>>) src(%dma_wait3A_511 : memref<256xi32, #tpu.memory_space<hbm>>) dst(%dma_wait3A_509 : memref<256xi32, #tpu.memory_space<vmem>>)
        %dma_start3A_512 = arith.constant 1 : i32
        %dma_start3A_513 = arith.constant 0 : i32
        %dma_start3A_514 = arith.constant 0 : i32
        %dma_start3A_515 = tpu.memref_slice %arg9[%dma_start3A_513, %dma_start3A_514] : memref<256x128xf32, #tpu.memory_space<vmem>> -> memref<128x128xf32, #tpu.memory_space<vmem>>
        %dma_start3A_516 = arith.constant 0 : i32
        %dma_start3A_517 = tpu.memref_slice %arg7[%dma_start3A_512, %dma_start3A_516] : memref<2x256xi32, #tpu.memory_space<vmem>> -> memref<1x128xi32, #tpu.memory_space<vmem>>
        %dma_start3A_518 = tpu.memref_squeeze %dma_start3A_517 : memref<1x128xi32, #tpu.memory_space<vmem>> -> memref<128xi32, #tpu.memory_space<vmem>>
        %dma_start3A_519 = arith.constant 0 : i32
        %dma_start3A_520 = arith.constant 0 : i32
        %dma_start3A_521 = tpu.memref_slice %arg3[%dma_start3A_519, %dma_start3A_520] : memref<100096x128xf32, #tpu.memory_space<hbm>> -> memref<100096x128xf32, #tpu.memory_space<hbm>>
        tpu.enqueue_indirect_dma source(%dma_start3A_521 : memref<100096x128xf32, #tpu.memory_space<hbm>>) target(%dma_start3A_515 : memref<128x128xf32, #tpu.memory_space<vmem>>) offsets(%dma_start3A_518 : memref<128xi32, #tpu.memory_space<vmem>>) semaphore(%arg11 : memref<!tpu.dma_semaphore, #tpu.memory_space<semaphore_mem>>)
        %dma_start3A_522 = arith.constant 1 : i32
        %dma_start3A_523 = arith.constant 128 : i32
        %dma_start3A_524 = arith.constant 0 : i32
        %dma_start3A_525 = tpu.memref_slice %arg9[%dma_start3A_523, %dma_start3A_524] : memref<256x128xf32, #tpu.memory_space<vmem>> -> memref<128x128xf32, #tpu.memory_space<vmem>>
        %dma_start3A_526 = arith.constant 128 : i32
        %dma_start3A_527 = tpu.memref_slice %arg7[%dma_start3A_522, %dma_start3A_526] : memref<2x256xi32, #tpu.memory_space<vmem>> -> memref<1x128xi32, #tpu.memory_space<vmem>>
        %dma_start3A_528 = tpu.memref_squeeze %dma_start3A_527 : memref<1x128xi32, #tpu.memory_space<vmem>> -> memref<128xi32, #tpu.memory_space<vmem>>
        %dma_start3A_529 = arith.constant 0 : i32
        %dma_start3A_530 = arith.constant 0 : i32
        %dma_start3A_531 = tpu.memref_slice %arg3[%dma_start3A_529, %dma_start3A_530] : memref<100096x128xf32, #tpu.memory_space<hbm>> -> memref<100096x128xf32, #tpu.memory_space<hbm>>
        tpu.enqueue_indirect_dma source(%dma_start3A_531 : memref<100096x128xf32, #tpu.memory_space<hbm>>) target(%dma_start3A_525 : memref<128x128xf32, #tpu.memory_space<vmem>>) offsets(%dma_start3A_528 : memref<128xi32, #tpu.memory_space<vmem>>) semaphore(%arg11 : memref<!tpu.dma_semaphore, #tpu.memory_space<semaphore_mem>>)
      } else {
      }
      %dma_wait3A_244 = arith.constant 0 : i32
      %dma_wait3A_245 = arith.constant 0 : i32
      %dma_wait3A_246 = arith.constant 0 : i32
      %dma_wait3A_247 = tpu.memref_slice %arg8[%dma_wait3A_245, %dma_wait3A_246] : memref<256x128xf32, #tpu.memory_space<vmem>> -> memref<128x128xf32, #tpu.memory_space<vmem>>
      %dma_wait3A_248 = arith.constant 0 : i32
      %dma_wait3A_249 = tpu.memref_slice %arg7[%dma_wait3A_244, %dma_wait3A_248] : memref<2x256xi32, #tpu.memory_space<vmem>> -> memref<1x128xi32, #tpu.memory_space<vmem>>
      %dma_wait3A_250 = tpu.memref_squeeze %dma_wait3A_249 : memref<1x128xi32, #tpu.memory_space<vmem>> -> memref<128xi32, #tpu.memory_space<vmem>>
      %dma_wait3A_251 = arith.constant 0 : i32
      %dma_wait3A_252 = arith.constant 0 : i32
      %dma_wait3A_253 = tpu.memref_slice %arg3[%dma_wait3A_251, %dma_wait3A_252] : memref<100096x128xf32, #tpu.memory_space<hbm>> -> memref<100096x128xf32, #tpu.memory_space<hbm>>
      tpu.wait_indirect_dma semaphore(%arg13 : memref<!tpu.dma_semaphore, #tpu.memory_space<semaphore_mem>>) src(%dma_wait3A_253 : memref<100096x128xf32, #tpu.memory_space<hbm>>) dst(%dma_wait3A_247 : memref<128x128xf32, #tpu.memory_space<vmem>>)
      %dma_wait3A_254 = arith.constant 0 : i32
      %dma_wait3A_255 = arith.constant 128 : i32
      %dma_wait3A_256 = arith.constant 0 : i32
      %dma_wait3A_257 = tpu.memref_slice %arg8[%dma_wait3A_255, %dma_wait3A_256] : memref<256x128xf32, #tpu.memory_space<vmem>> -> memref<128x128xf32, #tpu.memory_space<vmem>>
      %dma_wait3A_258 = arith.constant 128 : i32
      %dma_wait3A_259 = tpu.memref_slice %arg7[%dma_wait3A_254, %dma_wait3A_258] : memref<2x256xi32, #tpu.memory_space<vmem>> -> memref<1x128xi32, #tpu.memory_space<vmem>>
      %dma_wait3A_260 = tpu.memref_squeeze %dma_wait3A_259 : memref<1x128xi32, #tpu.memory_space<vmem>> -> memref<128xi32, #tpu.memory_space<vmem>>
      %dma_wait3A_261 = arith.constant 0 : i32
      %dma_wait3A_262 = arith.constant 0 : i32
      %dma_wait3A_263 = tpu.memref_slice %arg3[%dma_wait3A_261, %dma_wait3A_262] : memref<100096x128xf32, #tpu.memory_space<hbm>> -> memref<100096x128xf32, #tpu.memory_space<hbm>>
      tpu.wait_indirect_dma semaphore(%arg13 : memref<!tpu.dma_semaphore, #tpu.memory_space<semaphore_mem>>) src(%dma_wait3A_263 : memref<100096x128xf32, #tpu.memory_space<hbm>>) dst(%dma_wait3A_257 : memref<128x128xf32, #tpu.memory_space<vmem>>)
      %add3A_264 = arith.constant 2 : i32
      %add3A_265 = arith.addi %add3A_238, %add3A_264 : i32
      %lt3A_266 = arith.constant 100 : i32
      %lt3A_267 = arith.cmpi slt, %add3A_265, %lt3A_266 : i32
      %convert_element_type3A_268 = arith.extui %lt3A_267 : i1 to i32
      %cond3A_269 = arith.constant 0 : i32
      %cond3A_270 = arith.cmpi ne, %convert_element_type3A_268, %cond3A_269 : i32
      scf.if %cond3A_270 {
        %add3A_471 = arith.constant 2 : i32
        %add3A_472 = arith.addi %add3A_239, %add3A_471 : i32
        %jit3A_473 = arith.constant 16 : i32
        %div3A_474 = arith.divsi %add3A_472, %jit3A_473 : i32
        %sign3A_475 = arith.constant 0 : i32
        %sign3A_476 = arith.cmpi sgt, %add3A_472, %sign3A_475 : i32
        %sign3A_477 = arith.extui %sign3A_476 : i1 to i32
        %sign3A_478 = arith.constant 0 : i32
        %sign3A_479 = arith.cmpi slt, %add3A_472, %sign3A_478 : i32
        %sign3A_480 = arith.extui %sign3A_479 : i1 to i32
        %sign3A_481 = arith.subi %sign3A_477, %sign3A_480 : i32
        %sign3A_482 = arith.constant 0 : i32
        %sign3A_483 = arith.cmpi sgt, %jit3A_473, %sign3A_482 : i32
        %sign3A_484 = arith.extui %sign3A_483 : i1 to i32
        %sign3A_485 = arith.constant 0 : i32
        %sign3A_486 = arith.cmpi slt, %jit3A_473, %sign3A_485 : i32
        %sign3A_487 = arith.extui %sign3A_486 : i1 to i32
        %sign3A_488 = arith.subi %sign3A_484, %sign3A_487 : i32
        %ne3A_489 = arith.cmpi ne, %sign3A_481, %sign3A_488 : i32
        %rem3A_490 = arith.remsi %add3A_472, %jit3A_473 : i32
        %ne3A_491 = arith.constant 0 : i32
        %ne3A_492 = arith.cmpi ne, %rem3A_490, %ne3A_491 : i32
        %and3A_493 = arith.andi %ne3A_489, %ne3A_492 : i1
        %sub3A_494 = arith.constant 1 : i32
        %sub3A_495 = arith.subi %div3A_474, %sub3A_494 : i32
        %select_n3A_496 = arith.select %and3A_493, %sub3A_495, %div3A_474 : i32
        %rem3A_497 = arith.constant 16 : i32
        %rem3A_498 = arith.remsi %add3A_472, %rem3A_497 : i32
        %mul3A_499 = arith.constant 256 : i32
        %mul3A_500 = arith.muli %rem3A_498, %mul3A_499 : i32
        %dma_start3A_501 = arith.constant 0 : i32
        %dma_start3A_502 = arith.constant 0 : i32
        %dma_start3A_503 = tpu.memref_slice %arg7[%dma_start3A_501, %dma_start3A_502] : memref<2x256xi32, #tpu.memory_space<vmem>> -> memref<1x256xi32, #tpu.memory_space<vmem>>
        %dma_start3A_504 = tpu.memref_squeeze %dma_start3A_503 : memref<1x256xi32, #tpu.memory_space<vmem>> -> memref<256xi32, #tpu.memory_space<vmem>>
        %dma_start3A_505 = tpu.memref_slice %arg2[%select_n3A_496, %mul3A_500] : memref<200x4096xi32, #tpu.memory_space<hbm>> -> memref<1x256xi32, #tpu.memory_space<hbm>>
        %dma_start3A_506 = tpu.memref_squeeze %dma_start3A_505 : memref<1x256xi32, #tpu.memory_space<hbm>> -> memref<256xi32, #tpu.memory_space<hbm>>
        %dma_start3A_507 = arith.constant 0 : i32
        %dma_start3A_508 = tpu.memref_slice %arg7[%dma_start3A_501, %dma_start3A_507] : memref<2x256xi32, #tpu.memory_space<vmem>> -> memref<1x256xi32, #tpu.memory_space<vmem>>
        %dma_start3A_509 = tpu.memref_squeeze %dma_start3A_508 : memref<1x256xi32, #tpu.memory_space<vmem>> -> memref<256xi32, #tpu.memory_space<vmem>>
        %dma_start3A_510 = tpu.memref_slice %arg2[%select_n3A_496, %mul3A_500] : memref<200x4096xi32, #tpu.memory_space<hbm>> -> memref<1x256xi32, #tpu.memory_space<hbm>>
        %dma_start3A_511 = tpu.memref_squeeze %dma_start3A_510 : memref<1x256xi32, #tpu.memory_space<hbm>> -> memref<256xi32, #tpu.memory_space<hbm>>
        tpu.enqueue_dma source(%dma_start3A_511 : memref<256xi32, #tpu.memory_space<hbm>>) target(%dma_start3A_509 : memref<256xi32, #tpu.memory_space<vmem>>) target_semaphore(%arg12 : memref<!tpu.dma_semaphore, #tpu.memory_space<semaphore_mem>>)
      } else {
      }
      %ge3A = arith.constant 2 : i32
      %ge3A_271 = arith.cmpi sge, %add3A_238, %ge3A : i32
      %convert_element_type3A_272 = arith.extui %ge3A_271 : i1 to i32
      %cond3A_273 = arith.constant 0 : i32
      %cond3A_274 = arith.cmpi ne, %convert_element_type3A_272, %cond3A_273 : i32
      scf.if %cond3A_274 {
        %sub3A_471 = arith.constant 2 : i32
        %sub3A_472 = arith.subi %add3A_239, %sub3A_471 : i32
        %jit3A_473 = arith.constant 16 : i32
        %div3A_474 = arith.divsi %sub3A_472, %jit3A_473 : i32
        %sign3A_475 = arith.constant 0 : i32
        %sign3A_476 = arith.cmpi sgt, %sub3A_472, %sign3A_475 : i32
        %sign3A_477 = arith.extui %sign3A_476 : i1 to i32
        %sign3A_478 = arith.constant 0 : i32
        %sign3A_479 = arith.cmpi slt, %sub3A_472, %sign3A_478 : i32
        %sign3A_480 = arith.extui %sign3A_479 : i1 to i32
        %sign3A_481 = arith.subi %sign3A_477, %sign3A_480 : i32
        %sign3A_482 = arith.constant 0 : i32
        %sign3A_483 = arith.cmpi sgt, %jit3A_473, %sign3A_482 : i32
        %sign3A_484 = arith.extui %sign3A_483 : i1 to i32
        %sign3A_485 = arith.constant 0 : i32
        %sign3A_486 = arith.cmpi slt, %jit3A_473, %sign3A_485 : i32
        %sign3A_487 = arith.extui %sign3A_486 : i1 to i32
        %sign3A_488 = arith.subi %sign3A_484, %sign3A_487 : i32
        %ne3A_489 = arith.cmpi ne, %sign3A_481, %sign3A_488 : i32
        %rem3A_490 = arith.remsi %sub3A_472, %jit3A_473 : i32
        %ne3A_491 = arith.constant 0 : i32
        %ne3A_492 = arith.cmpi ne, %rem3A_490, %ne3A_491 : i32
        %and3A_493 = arith.andi %ne3A_489, %ne3A_492 : i1
        %sub3A_494 = arith.constant 1 : i32
        %sub3A_495 = arith.subi %div3A_474, %sub3A_494 : i32
        %select_n3A_496 = arith.select %and3A_493, %sub3A_495, %div3A_474 : i32
        %rem3A_497 = arith.constant 16 : i32
        %rem3A_498 = arith.remsi %sub3A_472, %rem3A_497 : i32
        %mul3A_499 = arith.constant 256 : i32
        %mul3A_500 = arith.muli %rem3A_498, %mul3A_499 : i32
        %dma_wait3A_501 = arith.constant 0 : i32
        %dma_wait3A_502 = arith.constant 0 : i32
        %dma_wait3A_503 = arith.constant 0 : i32
        %dma_wait3A_504 = tpu.memref_slice %arg10[%dma_wait3A_501, %dma_wait3A_502, %dma_wait3A_503] : memref<2x64x256xf32, #tpu.memory_space<vmem>> -> memref<1x64x256xf32, #tpu.memory_space<vmem>>
        %dma_wait3A_505 = tpu.memref_squeeze %dma_wait3A_504 : memref<1x64x256xf32, #tpu.memory_space<vmem>> -> memref<64x256xf32, #tpu.memory_space<vmem>>
        %dma_wait3A_506 = arith.constant 0 : i32
        %dma_wait3A_507 = tpu.memref_slice %arg5[%select_n3A_496, %dma_wait3A_506, %mul3A_500] : memref<200x64x4096xf32, #tpu.memory_space<hbm>> -> memref<1x64x256xf32, #tpu.memory_space<hbm>>
        %dma_wait3A_508 = tpu.memref_squeeze %dma_wait3A_507 : memref<1x64x256xf32, #tpu.memory_space<hbm>> -> memref<64x256xf32, #tpu.memory_space<hbm>>
        %dma_wait3A_509 = arith.constant 0 : i32
        %dma_wait3A_510 = tpu.memref_slice %arg5[%select_n3A_496, %dma_wait3A_509, %mul3A_500] : memref<200x64x4096xf32, #tpu.memory_space<hbm>> -> memref<1x64x256xf32, #tpu.memory_space<hbm>>
        %dma_wait3A_511 = tpu.memref_squeeze %dma_wait3A_510 : memref<1x64x256xf32, #tpu.memory_space<hbm>> -> memref<64x256xf32, #tpu.memory_space<hbm>>
        %dma_wait3A_512 = arith.constant 0 : i32
        %dma_wait3A_513 = arith.constant 0 : i32
        %dma_wait3A_514 = tpu.memref_slice %arg10[%dma_wait3A_501, %dma_wait3A_512, %dma_wait3A_513] : memref<2x64x256xf32, #tpu.memory_space<vmem>> -> memref<1x64x256xf32, #tpu.memory_space<vmem>>
        %dma_wait3A_515 = tpu.memref_squeeze %dma_wait3A_514 : memref<1x64x256xf32, #tpu.memory_space<vmem>> -> memref<64x256xf32, #tpu.memory_space<vmem>>
        tpu.wait_dma2 semaphore(%arg14 : memref<!tpu.dma_semaphore, #tpu.memory_space<semaphore_mem>>) src(%dma_wait3A_515 : memref<64x256xf32, #tpu.memory_space<vmem>>) dst(%dma_wait3A_511 : memref<64x256xf32, #tpu.memory_space<hbm>>)
      } else {
      }
      %jit3A_275 = arith.constant 16 : i32
      %div3A_276 = arith.divsi %add3A_239, %jit3A_275 : i32
      %sign3A_277 = arith.constant 0 : i32
      %sign3A_278 = arith.cmpi sgt, %add3A_239, %sign3A_277 : i32
      %sign3A_279 = arith.extui %sign3A_278 : i1 to i32
      %sign3A_280 = arith.constant 0 : i32
      %sign3A_281 = arith.cmpi slt, %add3A_239, %sign3A_280 : i32
      %sign3A_282 = arith.extui %sign3A_281 : i1 to i32
      %sign3A_283 = arith.subi %sign3A_279, %sign3A_282 : i32
      %sign3A_284 = arith.constant 0 : i32
      %sign3A_285 = arith.cmpi sgt, %jit3A_275, %sign3A_284 : i32
      %sign3A_286 = arith.extui %sign3A_285 : i1 to i32
      %sign3A_287 = arith.constant 0 : i32
      %sign3A_288 = arith.cmpi slt, %jit3A_275, %sign3A_287 : i32
      %sign3A_289 = arith.extui %sign3A_288 : i1 to i32
      %sign3A_290 = arith.subi %sign3A_286, %sign3A_289 : i32
      %ne3A_291 = arith.cmpi ne, %sign3A_283, %sign3A_290 : i32
      %rem3A_292 = arith.remsi %add3A_239, %jit3A_275 : i32
      %ne3A_293 = arith.constant 0 : i32
      %ne3A_294 = arith.cmpi ne, %rem3A_292, %ne3A_293 : i32
      %and3A_295 = arith.andi %ne3A_291, %ne3A_294 : i1
      %sub3A_296 = arith.constant 1 : i32
      %sub3A_297 = arith.subi %div3A_276, %sub3A_296 : i32
      %select_n3A_298 = arith.select %and3A_295, %sub3A_297, %div3A_276 : i32
      %rem3A_299 = arith.constant 16 : i32
      %rem3A_300 = arith.remsi %add3A_239, %rem3A_299 : i32
      %broadcast_in_dim3A = arith.constant 0 : i32
      %broadcast_in_dim3A_301 = vector.broadcast %broadcast_in_dim3A : i32 to vector<16xi32>
      %add3A_302 = vector.broadcast %select_n3A_298 : i32 to vector<16xi32>
      %add3A_303 = arith.addi %broadcast_in_dim3A_301, %add3A_302 : vector<16xi32>
      %parallel_loop3A = arith.constant 0 : i32
      %parallel_loop3A_304 = arith.constant 64 : i32
      %parallel_loop3A_305 = arith.constant 1 : i32
      %parallel_loop3A_306 = arith.constant 0 : i32
      scf.for %parallel_loop3A_471 = %parallel_loop3A to %parallel_loop3A_304 step %parallel_loop3A_305  : i32 {
        %parallel_loop3A_472 = arith.constant 16 : i32
        %parallel_loop3A_473 = arith.remsi %parallel_loop3A_471, %parallel_loop3A_472 : i32
        %parallel_loop3A_474 = arith.subi %parallel_loop3A_471, %parallel_loop3A_473 : i32
        %parallel_loop3A_475 = vector.broadcast %parallel_loop3A_473 : i32 to vector<16xi32>
        %parallel_loop3A_476 = arith.addi %iota3A, %parallel_loop3A_475 : vector<16xi32>
        %parallel_loop3A_477 = arith.constant 15 : i32
        %parallel_loop3A_478 = vector.broadcast %parallel_loop3A_477 : i32 to vector<16xi32>
        %parallel_loop3A_479 = arith.andi %parallel_loop3A_476, %parallel_loop3A_478 : vector<16xi32>
        %parallel_loop3A_480 = vector.broadcast %parallel_loop3A_474 : i32 to vector<16xi32>
        %parallel_loop3A_481 = arith.addi %parallel_loop3A_479, %parallel_loop3A_480 : vector<16xi32>
        %parallel_loop3A_482 = tpu.vector_load_idx %arg6[%add3A_303, %parallel_loop3A_481] : memref<200x64xf32, #tpu.memory_space<vmem>>[vector<16xi32>, vector<16xi32>], vector<16xf32>,
        %parallel_loop3A_483 = arith.constant 0 : i32
        %parallel_loop3A_484 = vector.broadcast %parallel_loop3A_483 : i32 to vector<16xi32>
        %parallel_loop3A_485 = arith.addi %iota3A, %parallel_loop3A_484 : vector<16xi32>
        %parallel_loop3A_486 = tpu.vector_load_idx %arg8[%parallel_loop3A_485, %parallel_loop3A_481] : memref<256x128xf32, #tpu.memory_space<vmem>>[vector<16xi32>, vector<16xi32>], vector<16xf32>,
        %parallel_loop3A_487 = arith.addf %parallel_loop3A_486, %parallel_loop3A_482 : vector<16xf32>
        %parallel_loop3A_488 = arith.constant 0 : i32
        %parallel_loop3A_489 = arith.constant 0 : i32
        %parallel_loop3A_490 = tpu.memref_slice %arg10[%parallel_loop3A_306, %parallel_loop3A_488, %parallel_loop3A_489] : memref<2x64x256xf32, #tpu.memory_space<vmem>> -> memref<1x64x256xf32, #tpu.memory_space<vmem>>
        %parallel_loop3A_491 = tpu.memref_squeeze %parallel_loop3A_490 : memref<1x64x256xf32, #tpu.memory_space<vmem>> -> memref<64x256xf32, #tpu.memory_space<vmem>>
        tpu.vector_store_idx %parallel_loop3A_491[%parallel_loop3A_481, %parallel_loop3A_485], %parallel_loop3A_487 : memref<64x256xf32, #tpu.memory_space<vmem>>[vector<16xi32>, vector<16xi32>], vector<16xf32>,
        %parallel_loop3A_492 = arith.constant 16 : i32
        %parallel_loop3A_493 = vector.broadcast %parallel_loop3A_492 : i32 to vector<16xi32>
        %parallel_loop3A_494 = arith.addi %iota3A, %parallel_loop3A_493 : vector<16xi32>
        %parallel_loop3A_495 = tpu.vector_load_idx %arg8[%parallel_loop3A_494, %parallel_loop3A_481] : memref<256x128xf32, #tpu.memory_space<vmem>>[vector<16xi32>, vector<16xi32>], vector<16xf32>,
        %parallel_loop3A_496 = arith.addf %parallel_loop3A_495, %parallel_loop3A_482 : vector<16xf32>
        %parallel_loop3A_497 = arith.constant 0 : i32
        %parallel_loop3A_498 = arith.constant 0 : i32
        %parallel_loop3A_499 = tpu.memref_slice %arg10[%parallel_loop3A_306, %parallel_loop3A_497, %parallel_loop3A_498] : memref<2x64x256xf32, #tpu.memory_space<vmem>> -> memref<1x64x256xf32, #tpu.memory_space<vmem>>
        %parallel_loop3A_500 = tpu.memref_squeeze %parallel_loop3A_499 : memref<1x64x256xf32, #tpu.memory_space<vmem>> -> memref<64x256xf32, #tpu.memory_space<vmem>>
        tpu.vector_store_idx %parallel_loop3A_500[%parallel_loop3A_481, %parallel_loop3A_494], %parallel_loop3A_496 : memref<64x256xf32, #tpu.memory_space<vmem>>[vector<16xi32>, vector<16xi32>], vector<16xf32>,
        %parallel_loop3A_501 = arith.constant 32 : i32
        %parallel_loop3A_502 = vector.broadcast %parallel_loop3A_501 : i32 to vector<16xi32>
        %parallel_loop3A_503 = arith.addi %iota3A, %parallel_loop3A_502 : vector<16xi32>
        %parallel_loop3A_504 = tpu.vector_load_idx %arg8[%parallel_loop3A_503, %parallel_loop3A_481] : memref<256x128xf32, #tpu.memory_space<vmem>>[vector<16xi32>, vector<16xi32>], vector<16xf32>,
        %parallel_loop3A_505 = arith.addf %parallel_loop3A_504, %parallel_loop3A_482 : vector<16xf32>
        %parallel_loop3A_506 = arith.constant 0 : i32
        %parallel_loop3A_507 = arith.constant 0 : i32
        %parallel_loop3A_508 = tpu.memref_slice %arg10[%parallel_loop3A_306, %parallel_loop3A_506, %parallel_loop3A_507] : memref<2x64x256xf32, #tpu.memory_space<vmem>> -> memref<1x64x256xf32, #tpu.memory_space<vmem>>
        %parallel_loop3A_509 = tpu.memref_squeeze %parallel_loop3A_508 : memref<1x64x256xf32, #tpu.memory_space<vmem>> -> memref<64x256xf32, #tpu.memory_space<vmem>>
        tpu.vector_store_idx %parallel_loop3A_509[%parallel_loop3A_481, %parallel_loop3A_503], %parallel_loop3A_505 : memref<64x256xf32, #tpu.memory_space<vmem>>[vector<16xi32>, vector<16xi32>], vector<16xf32>,
        %parallel_loop3A_510 = arith.constant 48 : i32
        %parallel_loop3A_511 = vector.broadcast %parallel_loop3A_510 : i32 to vector<16xi32>
        %parallel_loop3A_512 = arith.addi %iota3A, %parallel_loop3A_511 : vector<16xi32>
        %parallel_loop3A_513 = tpu.vector_load_idx %arg8[%parallel_loop3A_512, %parallel_loop3A_481] : memref<256x128xf32, #tpu.memory_space<vmem>>[vector<16xi32>, vector<16xi32>], vector<16xf32>,
        %parallel_loop3A_514 = arith.addf %parallel_loop3A_513, %parallel_loop3A_482 : vector<16xf32>
        %parallel_loop3A_515 = arith.constant 0 : i32
        %parallel_loop3A_516 = arith.constant 0 : i32
        %parallel_loop3A_517 = tpu.memref_slice %arg10[%parallel_loop3A_306, %parallel_loop3A_515, %parallel_loop3A_516] : memref<2x64x256xf32, #tpu.memory_space<vmem>> -> memref<1x64x256xf32, #tpu.memory_space<vmem>>
        %parallel_loop3A_518 = tpu.memref_squeeze %parallel_loop3A_517 : memref<1x64x256xf32, #tpu.memory_space<vmem>> -> memref<64x256xf32, #tpu.memory_space<vmem>>
        tpu.vector_store_idx %parallel_loop3A_518[%parallel_loop3A_481, %parallel_loop3A_512], %parallel_loop3A_514 : memref<64x256xf32, #tpu.memory_space<vmem>>[vector<16xi32>, vector<16xi32>], vector<16xf32>,
        %parallel_loop3A_519 = arith.constant 64 : i32
        %parallel_loop3A_520 = vector.broadcast %parallel_loop3A_519 : i32 to vector<16xi32>
        %parallel_loop3A_521 = arith.addi %iota3A, %parallel_loop3A_520 : vector<16xi32>
        %parallel_loop3A_522 = tpu.vector_load_idx %arg8[%parallel_loop3A_521, %parallel_loop3A_481] : memref<256x128xf32, #tpu.memory_space<vmem>>[vector<16xi32>, vector<16xi32>], vector<16xf32>,
        %parallel_loop3A_523 = arith.addf %parallel_loop3A_522, %parallel_loop3A_482 : vector<16xf32>
        %parallel_loop3A_524 = arith.constant 0 : i32
        %parallel_loop3A_525 = arith.constant 0 : i32
        %parallel_loop3A_526 = tpu.memref_slice %arg10[%parallel_loop3A_306, %parallel_loop3A_524, %parallel_loop3A_525] : memref<2x64x256xf32, #tpu.memory_space<vmem>> -> memref<1x64x256xf32, #tpu.memory_space<vmem>>
        %parallel_loop3A_527 = tpu.memref_squeeze %parallel_loop3A_526 : memref<1x64x256xf32, #tpu.memory_space<vmem>> -> memref<64x256xf32, #tpu.memory_space<vmem>>
        tpu.vector_store_idx %parallel_loop3A_527[%parallel_loop3A_481, %parallel_loop3A_521], %parallel_loop3A_523 : memref<64x256xf32, #tpu.memory_space<vmem>>[vector<16xi32>, vector<16xi32>], vector<16xf32>,
        %parallel_loop3A_528 = arith.constant 80 : i32
        %parallel_loop3A_529 = vector.broadcast %parallel_loop3A_528 : i32 to vector<16xi32>
        %parallel_loop3A_530 = arith.addi %iota3A, %parallel_loop3A_529 : vector<16xi32>
        %parallel_loop3A_531 = tpu.vector_load_idx %arg8[%parallel_loop3A_530, %parallel_loop3A_481] : memref<256x128xf32, #tpu.memory_space<vmem>>[vector<16xi32>, vector<16xi32>], vector<16xf32>,
        %parallel_loop3A_532 = arith.addf %parallel_loop3A_531, %parallel_loop3A_482 : vector<16xf32>
        %parallel_loop3A_533 = arith.constant 0 : i32
        %parallel_loop3A_534 = arith.constant 0 : i32
        %parallel_loop3A_535 = tpu.memref_slice %arg10[%parallel_loop3A_306, %parallel_loop3A_533, %parallel_loop3A_534] : memref<2x64x256xf32, #tpu.memory_space<vmem>> -> memref<1x64x256xf32, #tpu.memory_space<vmem>>
        %parallel_loop3A_536 = tpu.memref_squeeze %parallel_loop3A_535 : memref<1x64x256xf32, #tpu.memory_space<vmem>> -> memref<64x256xf32, #tpu.memory_space<vmem>>
        tpu.vector_store_idx %parallel_loop3A_536[%parallel_loop3A_481, %parallel_loop3A_530], %parallel_loop3A_532 : memref<64x256xf32, #tpu.memory_space<vmem>>[vector<16xi32>, vector<16xi32>], vector<16xf32>,
        %parallel_loop3A_537 = arith.constant 96 : i32
        %parallel_loop3A_538 = vector.broadcast %parallel_loop3A_537 : i32 to vector<16xi32>
        %parallel_loop3A_539 = arith.addi %iota3A, %parallel_loop3A_538 : vector<16xi32>
        %parallel_loop3A_540 = tpu.vector_load_idx %arg8[%parallel_loop3A_539, %parallel_loop3A_481] : memref<256x128xf32, #tpu.memory_space<vmem>>[vector<16xi32>, vector<16xi32>], vector<16xf32>,
        %parallel_loop3A_541 = arith.addf %parallel_loop3A_540, %parallel_loop3A_482 : vector<16xf32>
        %parallel_loop3A_542 = arith.constant 0 : i32
        %parallel_loop3A_543 = arith.constant 0 : i32
        %parallel_loop3A_544 = tpu.memref_slice %arg10[%parallel_loop3A_306, %parallel_loop3A_542, %parallel_loop3A_543] : memref<2x64x256xf32, #tpu.memory_space<vmem>> -> memref<1x64x256xf32, #tpu.memory_space<vmem>>
        %parallel_loop3A_545 = tpu.memref_squeeze %parallel_loop3A_544 : memref<1x64x256xf32, #tpu.memory_space<vmem>> -> memref<64x256xf32, #tpu.memory_space<vmem>>
        tpu.vector_store_idx %parallel_loop3A_545[%parallel_loop3A_481, %parallel_loop3A_539], %parallel_loop3A_541 : memref<64x256xf32, #tpu.memory_space<vmem>>[vector<16xi32>, vector<16xi32>], vector<16xf32>,
        %parallel_loop3A_546 = arith.constant 112 : i32
        %parallel_loop3A_547 = vector.broadcast %parallel_loop3A_546 : i32 to vector<16xi32>
        %parallel_loop3A_548 = arith.addi %iota3A, %parallel_loop3A_547 : vector<16xi32>
        %parallel_loop3A_549 = tpu.vector_load_idx %arg8[%parallel_loop3A_548, %parallel_loop3A_481] : memref<256x128xf32, #tpu.memory_space<vmem>>[vector<16xi32>, vector<16xi32>], vector<16xf32>,
        %parallel_loop3A_550 = arith.addf %parallel_loop3A_549, %parallel_loop3A_482 : vector<16xf32>
        %parallel_loop3A_551 = arith.constant 0 : i32
        %parallel_loop3A_552 = arith.constant 0 : i32
        %parallel_loop3A_553 = tpu.memref_slice %arg10[%parallel_loop3A_306, %parallel_loop3A_551, %parallel_loop3A_552] : memref<2x64x256xf32, #tpu.memory_space<vmem>> -> memref<1x64x256xf32, #tpu.memory_space<vmem>>
        %parallel_loop3A_554 = tpu.memref_squeeze %parallel_loop3A_553 : memref<1x64x256xf32, #tpu.memory_space<vmem>> -> memref<64x256xf32, #tpu.memory_space<vmem>>
        tpu.vector_store_idx %parallel_loop3A_554[%parallel_loop3A_481, %parallel_loop3A_548], %parallel_loop3A_550 : memref<64x256xf32, #tpu.memory_space<vmem>>[vector<16xi32>, vector<16xi32>], vector<16xf32>,
        %parallel_loop3A_555 = arith.constant 128 : i32
        %parallel_loop3A_556 = vector.broadcast %parallel_loop3A_555 : i32 to vector<16xi32>
        %parallel_loop3A_557 = arith.addi %iota3A, %parallel_loop3A_556 : vector<16xi32>
        %parallel_loop3A_558 = tpu.vector_load_idx %arg8[%parallel_loop3A_557, %parallel_loop3A_481] : memref<256x128xf32, #tpu.memory_space<vmem>>[vector<16xi32>, vector<16xi32>], vector<16xf32>,
        %parallel_loop3A_559 = arith.addf %parallel_loop3A_558, %parallel_loop3A_482 : vector<16xf32>
        %parallel_loop3A_560 = arith.constant 0 : i32
        %parallel_loop3A_561 = arith.constant 0 : i32
        %parallel_loop3A_562 = tpu.memref_slice %arg10[%parallel_loop3A_306, %parallel_loop3A_560, %parallel_loop3A_561] : memref<2x64x256xf32, #tpu.memory_space<vmem>> -> memref<1x64x256xf32, #tpu.memory_space<vmem>>
        %parallel_loop3A_563 = tpu.memref_squeeze %parallel_loop3A_562 : memref<1x64x256xf32, #tpu.memory_space<vmem>> -> memref<64x256xf32, #tpu.memory_space<vmem>>
        tpu.vector_store_idx %parallel_loop3A_563[%parallel_loop3A_481, %parallel_loop3A_557], %parallel_loop3A_559 : memref<64x256xf32, #tpu.memory_space<vmem>>[vector<16xi32>, vector<16xi32>], vector<16xf32>,
        %parallel_loop3A_564 = arith.constant 144 : i32
        %parallel_loop3A_565 = vector.broadcast %parallel_loop3A_564 : i32 to vector<16xi32>
        %parallel_loop3A_566 = arith.addi %iota3A, %parallel_loop3A_565 : vector<16xi32>
        %parallel_loop3A_567 = tpu.vector_load_idx %arg8[%parallel_loop3A_566, %parallel_loop3A_481] : memref<256x128xf32, #tpu.memory_space<vmem>>[vector<16xi32>, vector<16xi32>], vector<16xf32>,
        %parallel_loop3A_568 = arith.addf %parallel_loop3A_567, %parallel_loop3A_482 : vector<16xf32>
        %parallel_loop3A_569 = arith.constant 0 : i32
        %parallel_loop3A_570 = arith.constant 0 : i32
        %parallel_loop3A_571 = tpu.memref_slice %arg10[%parallel_loop3A_306, %parallel_loop3A_569, %parallel_loop3A_570] : memref<2x64x256xf32, #tpu.memory_space<vmem>> -> memref<1x64x256xf32, #tpu.memory_space<vmem>>
        %parallel_loop3A_572 = tpu.memref_squeeze %parallel_loop3A_571 : memref<1x64x256xf32, #tpu.memory_space<vmem>> -> memref<64x256xf32, #tpu.memory_space<vmem>>
        tpu.vector_store_idx %parallel_loop3A_572[%parallel_loop3A_481, %parallel_loop3A_566], %parallel_loop3A_568 : memref<64x256xf32, #tpu.memory_space<vmem>>[vector<16xi32>, vector<16xi32>], vector<16xf32>,
        %parallel_loop3A_573 = arith.constant 160 : i32
        %parallel_loop3A_574 = vector.broadcast %parallel_loop3A_573 : i32 to vector<16xi32>
        %parallel_loop3A_575 = arith.addi %iota3A, %parallel_loop3A_574 : vector<16xi32>
        %parallel_loop3A_576 = tpu.vector_load_idx %arg8[%parallel_loop3A_575, %parallel_loop3A_481] : memref<256x128xf32, #tpu.memory_space<vmem>>[vector<16xi32>, vector<16xi32>], vector<16xf32>,
        %parallel_loop3A_577 = arith.addf %parallel_loop3A_576, %parallel_loop3A_482 : vector<16xf32>
        %parallel_loop3A_578 = arith.constant 0 : i32
        %parallel_loop3A_579 = arith.constant 0 : i32
        %parallel_loop3A_580 = tpu.memref_slice %arg10[%parallel_loop3A_306, %parallel_loop3A_578, %parallel_loop3A_579] : memref<2x64x256xf32, #tpu.memory_space<vmem>> -> memref<1x64x256xf32, #tpu.memory_space<vmem>>
        %parallel_loop3A_581 = tpu.memref_squeeze %parallel_loop3A_580 : memref<1x64x256xf32, #tpu.memory_space<vmem>> -> memref<64x256xf32, #tpu.memory_space<vmem>>
        tpu.vector_store_idx %parallel_loop3A_581[%parallel_loop3A_481, %parallel_loop3A_575], %parallel_loop3A_577 : memref<64x256xf32, #tpu.memory_space<vmem>>[vector<16xi32>, vector<16xi32>], vector<16xf32>,
        %parallel_loop3A_582 = arith.constant 176 : i32
        %parallel_loop3A_583 = vector.broadcast %parallel_loop3A_582 : i32 to vector<16xi32>
        %parallel_loop3A_584 = arith.addi %iota3A, %parallel_loop3A_583 : vector<16xi32>
        %parallel_loop3A_585 = tpu.vector_load_idx %arg8[%parallel_loop3A_584, %parallel_loop3A_481] : memref<256x128xf32, #tpu.memory_space<vmem>>[vector<16xi32>, vector<16xi32>], vector<16xf32>,
        %parallel_loop3A_586 = arith.addf %parallel_loop3A_585, %parallel_loop3A_482 : vector<16xf32>
        %parallel_loop3A_587 = arith.constant 0 : i32
        %parallel_loop3A_588 = arith.constant 0 : i32
        %parallel_loop3A_589 = tpu.memref_slice %arg10[%parallel_loop3A_306, %parallel_loop3A_587, %parallel_loop3A_588] : memref<2x64x256xf32, #tpu.memory_space<vmem>> -> memref<1x64x256xf32, #tpu.memory_space<vmem>>
        %parallel_loop3A_590 = tpu.memref_squeeze %parallel_loop3A_589 : memref<1x64x256xf32, #tpu.memory_space<vmem>> -> memref<64x256xf32, #tpu.memory_space<vmem>>
        tpu.vector_store_idx %parallel_loop3A_590[%parallel_loop3A_481, %parallel_loop3A_584], %parallel_loop3A_586 : memref<64x256xf32, #tpu.memory_space<vmem>>[vector<16xi32>, vector<16xi32>], vector<16xf32>,
        %parallel_loop3A_591 = arith.constant 192 : i32
        %parallel_loop3A_592 = vector.broadcast %parallel_loop3A_591 : i32 to vector<16xi32>
        %parallel_loop3A_593 = arith.addi %iota3A, %parallel_loop3A_592 : vector<16xi32>
        %parallel_loop3A_594 = tpu.vector_load_idx %arg8[%parallel_loop3A_593, %parallel_loop3A_481] : memref<256x128xf32, #tpu.memory_space<vmem>>[vector<16xi32>, vector<16xi32>], vector<16xf32>,
        %parallel_loop3A_595 = arith.addf %parallel_loop3A_594, %parallel_loop3A_482 : vector<16xf32>
        %parallel_loop3A_596 = arith.constant 0 : i32
        %parallel_loop3A_597 = arith.constant 0 : i32
        %parallel_loop3A_598 = tpu.memref_slice %arg10[%parallel_loop3A_306, %parallel_loop3A_596, %parallel_loop3A_597] : memref<2x64x256xf32, #tpu.memory_space<vmem>> -> memref<1x64x256xf32, #tpu.memory_space<vmem>>
        %parallel_loop3A_599 = tpu.memref_squeeze %parallel_loop3A_598 : memref<1x64x256xf32, #tpu.memory_space<vmem>> -> memref<64x256xf32, #tpu.memory_space<vmem>>
        tpu.vector_store_idx %parallel_loop3A_599[%parallel_loop3A_481, %parallel_loop3A_593], %parallel_loop3A_595 : memref<64x256xf32, #tpu.memory_space<vmem>>[vector<16xi32>, vector<16xi32>], vector<16xf32>,
        %parallel_loop3A_600 = arith.constant 208 : i32
        %parallel_loop3A_601 = vector.broadcast %parallel_loop3A_600 : i32 to vector<16xi32>
        %parallel_loop3A_602 = arith.addi %iota3A, %parallel_loop3A_601 : vector<16xi32>
        %parallel_loop3A_603 = tpu.vector_load_idx %arg8[%parallel_loop3A_602, %parallel_loop3A_481] : memref<256x128xf32, #tpu.memory_space<vmem>>[vector<16xi32>, vector<16xi32>], vector<16xf32>,
        %parallel_loop3A_604 = arith.addf %parallel_loop3A_603, %parallel_loop3A_482 : vector<16xf32>
        %parallel_loop3A_605 = arith.constant 0 : i32
        %parallel_loop3A_606 = arith.constant 0 : i32
        %parallel_loop3A_607 = tpu.memref_slice %arg10[%parallel_loop3A_306, %parallel_loop3A_605, %parallel_loop3A_606] : memref<2x64x256xf32, #tpu.memory_space<vmem>> -> memref<1x64x256xf32, #tpu.memory_space<vmem>>
        %parallel_loop3A_608 = tpu.memref_squeeze %parallel_loop3A_607 : memref<1x64x256xf32, #tpu.memory_space<vmem>> -> memref<64x256xf32, #tpu.memory_space<vmem>>
        tpu.vector_store_idx %parallel_loop3A_608[%parallel_loop3A_481, %parallel_loop3A_602], %parallel_loop3A_604 : memref<64x256xf32, #tpu.memory_space<vmem>>[vector<16xi32>, vector<16xi32>], vector<16xf32>,
        %parallel_loop3A_609 = arith.constant 224 : i32
        %parallel_loop3A_610 = vector.broadcast %parallel_loop3A_609 : i32 to vector<16xi32>
        %parallel_loop3A_611 = arith.addi %iota3A, %parallel_loop3A_610 : vector<16xi32>
        %parallel_loop3A_612 = tpu.vector_load_idx %arg8[%parallel_loop3A_611, %parallel_loop3A_481] : memref<256x128xf32, #tpu.memory_space<vmem>>[vector<16xi32>, vector<16xi32>], vector<16xf32>,
        %parallel_loop3A_613 = arith.addf %parallel_loop3A_612, %parallel_loop3A_482 : vector<16xf32>
        %parallel_loop3A_614 = arith.constant 0 : i32
        %parallel_loop3A_615 = arith.constant 0 : i32
        %parallel_loop3A_616 = tpu.memref_slice %arg10[%parallel_loop3A_306, %parallel_loop3A_614, %parallel_loop3A_615] : memref<2x64x256xf32, #tpu.memory_space<vmem>> -> memref<1x64x256xf32, #tpu.memory_space<vmem>>
        %parallel_loop3A_617 = tpu.memref_squeeze %parallel_loop3A_616 : memref<1x64x256xf32, #tpu.memory_space<vmem>> -> memref<64x256xf32, #tpu.memory_space<vmem>>
        tpu.vector_store_idx %parallel_loop3A_617[%parallel_loop3A_481, %parallel_loop3A_611], %parallel_loop3A_613 : memref<64x256xf32, #tpu.memory_space<vmem>>[vector<16xi32>, vector<16xi32>], vector<16xf32>,
        %parallel_loop3A_618 = arith.constant 240 : i32
        %parallel_loop3A_619 = vector.broadcast %parallel_loop3A_618 : i32 to vector<16xi32>
        %parallel_loop3A_620 = arith.addi %iota3A, %parallel_loop3A_619 : vector<16xi32>
        %parallel_loop3A_621 = tpu.vector_load_idx %arg8[%parallel_loop3A_620, %parallel_loop3A_481] : memref<256x128xf32, #tpu.memory_space<vmem>>[vector<16xi32>, vector<16xi32>], vector<16xf32>,
        %parallel_loop3A_622 = arith.addf %parallel_loop3A_621, %parallel_loop3A_482 : vector<16xf32>
        %parallel_loop3A_623 = arith.constant 0 : i32
        %parallel_loop3A_624 = arith.constant 0 : i32
        %parallel_loop3A_625 = tpu.memref_slice %arg10[%parallel_loop3A_306, %parallel_loop3A_623, %parallel_loop3A_624] : memref<2x64x256xf32, #tpu.memory_space<vmem>> -> memref<1x64x256xf32, #tpu.memory_space<vmem>>
        %parallel_loop3A_626 = tpu.memref_squeeze %parallel_loop3A_625 : memref<1x64x256xf32, #tpu.memory_space<vmem>> -> memref<64x256xf32, #tpu.memory_space<vmem>>
        tpu.vector_store_idx %parallel_loop3A_626[%parallel_loop3A_481, %parallel_loop3A_620], %parallel_loop3A_622 : memref<64x256xf32, #tpu.memory_space<vmem>>[vector<16xi32>, vector<16xi32>], vector<16xf32>,
      } {sc.loop_unroll_factor = 2 : i64, sc.parallel_access}
      %jit3A_307 = arith.constant 16 : i32
      %div3A_308 = arith.divsi %add3A_239, %jit3A_307 : i32
      %sign3A_309 = arith.constant 0 : i32
      %sign3A_310 = arith.cmpi sgt, %add3A_239, %sign3A_309 : i32
      %sign3A_311 = arith.extui %sign3A_310 : i1 to i32
      %sign3A_312 = arith.constant 0 : i32
      %sign3A_313 = arith.cmpi slt, %add3A_239, %sign3A_312 : i32
      %sign3A_314 = arith.extui %sign3A_313 : i1 to i32
      %sign3A_315 = arith.subi %sign3A_311, %sign3A_314 : i32
      %sign3A_316 = arith.constant 0 : i32
      %sign3A_317 = arith.cmpi sgt, %jit3A_307, %sign3A_316 : i32
      %sign3A_318 = arith.extui %sign3A_317 : i1 to i32
      %sign3A_319 = arith.constant 0 : i32
      %sign3A_320 = arith.cmpi slt, %jit3A_307, %sign3A_319 : i32
      %sign3A_321 = arith.extui %sign3A_320 : i1 to i32
      %sign3A_322 = arith.subi %sign3A_318, %sign3A_321 : i32
      %ne3A_323 = arith.cmpi ne, %sign3A_315, %sign3A_322 : i32
      %rem3A_324 = arith.remsi %add3A_239, %jit3A_307 : i32
      %ne3A_325 = arith.constant 0 : i32
      %ne3A_326 = arith.cmpi ne, %rem3A_324, %ne3A_325 : i32
      %and3A_327 = arith.andi %ne3A_323, %ne3A_326 : i1
      %sub3A_328 = arith.constant 1 : i32
      %sub3A_329 = arith.subi %div3A_308, %sub3A_328 : i32
      %select_n3A_330 = arith.select %and3A_327, %sub3A_329, %div3A_308 : i32
      %rem3A_331 = arith.constant 16 : i32
      %rem3A_332 = arith.remsi %add3A_239, %rem3A_331 : i32
      %mul3A_333 = arith.constant 256 : i32
      %mul3A_334 = arith.muli %rem3A_332, %mul3A_333 : i32
      %dma_start3A_335 = arith.constant 0 : i32
      %dma_start3A_336 = arith.constant 0 : i32
      %dma_start3A_337 = arith.constant 0 : i32
      %dma_start3A_338 = tpu.memref_slice %arg10[%dma_start3A_335, %dma_start3A_336, %dma_start3A_337] : memref<2x64x256xf32, #tpu.memory_space<vmem>> -> memref<1x64x256xf32, #tpu.memory_space<vmem>>
      %dma_start3A_339 = tpu.memref_squeeze %dma_start3A_338 : memref<1x64x256xf32, #tpu.memory_space<vmem>> -> memref<64x256xf32, #tpu.memory_space<vmem>>
      %dma_start3A_340 = arith.constant 0 : i32
      %dma_start3A_341 = tpu.memref_slice %arg5[%select_n3A_330, %dma_start3A_340, %mul3A_334] : memref<200x64x4096xf32, #tpu.memory_space<hbm>> -> memref<1x64x256xf32, #tpu.memory_space<hbm>>
      %dma_start3A_342 = tpu.memref_squeeze %dma_start3A_341 : memref<1x64x256xf32, #tpu.memory_space<hbm>> -> memref<64x256xf32, #tpu.memory_space<hbm>>
      %dma_start3A_343 = arith.constant 0 : i32
      %dma_start3A_344 = tpu.memref_slice %arg5[%select_n3A_330, %dma_start3A_343, %mul3A_334] : memref<200x64x4096xf32, #tpu.memory_space<hbm>> -> memref<1x64x256xf32, #tpu.memory_space<hbm>>
      %dma_start3A_345 = tpu.memref_squeeze %dma_start3A_344 : memref<1x64x256xf32, #tpu.memory_space<hbm>> -> memref<64x256xf32, #tpu.memory_space<hbm>>
      %dma_start3A_346 = arith.constant 0 : i32
      %dma_start3A_347 = arith.constant 0 : i32
      %dma_start3A_348 = tpu.memref_slice %arg10[%dma_start3A_335, %dma_start3A_346, %dma_start3A_347] : memref<2x64x256xf32, #tpu.memory_space<vmem>> -> memref<1x64x256xf32, #tpu.memory_space<vmem>>
      %dma_start3A_349 = tpu.memref_squeeze %dma_start3A_348 : memref<1x64x256xf32, #tpu.memory_space<vmem>> -> memref<64x256xf32, #tpu.memory_space<vmem>>
      tpu.enqueue_dma source(%dma_start3A_349 : memref<64x256xf32, #tpu.memory_space<vmem>>) target(%dma_start3A_345 : memref<64x256xf32, #tpu.memory_space<hbm>>) target_semaphore(%arg14 : memref<!tpu.dma_semaphore, #tpu.memory_space<semaphore_mem>>)
      %mul3A_350 = arith.constant 2 : i32
      %mul3A_351 = arith.muli %add3A_234, %mul3A_350 : i32
      %add3A_352 = arith.constant 1 : i32
      %add3A_353 = arith.addi %mul3A_351, %add3A_352 : i32
      %add3A_354 = arith.addi %mul3A_2, %add3A_353 : i32
      %add3A_355 = arith.constant 1 : i32
      %add3A_356 = arith.addi %add3A_353, %add3A_355 : i32
      %lt3A_357 = arith.constant 100 : i32
      %lt3A_358 = arith.cmpi slt, %add3A_356, %lt3A_357 : i32
      %convert_element_type3A_359 = arith.extui %lt3A_358 : i1 to i32
      %cond3A_360 = arith.constant 0 : i32
      %cond3A_361 = arith.cmpi ne, %convert_element_type3A_359, %cond3A_360 : i32
      scf.if %cond3A_361 {
        %add3A_471 = arith.constant 1 : i32
        %add3A_472 = arith.addi %add3A_354, %add3A_471 : i32
        %jit3A_473 = arith.constant 16 : i32
        %div3A_474 = arith.divsi %add3A_472, %jit3A_473 : i32
        %sign3A_475 = arith.constant 0 : i32
        %sign3A_476 = arith.cmpi sgt, %add3A_472, %sign3A_475 : i32
        %sign3A_477 = arith.extui %sign3A_476 : i1 to i32
        %sign3A_478 = arith.constant 0 : i32
        %sign3A_479 = arith.cmpi slt, %add3A_472, %sign3A_478 : i32
        %sign3A_480 = arith.extui %sign3A_479 : i1 to i32
        %sign3A_481 = arith.subi %sign3A_477, %sign3A_480 : i32
        %sign3A_482 = arith.constant 0 : i32
        %sign3A_483 = arith.cmpi sgt, %jit3A_473, %sign3A_482 : i32
        %sign3A_484 = arith.extui %sign3A_483 : i1 to i32
        %sign3A_485 = arith.constant 0 : i32
        %sign3A_486 = arith.cmpi slt, %jit3A_473, %sign3A_485 : i32
        %sign3A_487 = arith.extui %sign3A_486 : i1 to i32
        %sign3A_488 = arith.subi %sign3A_484, %sign3A_487 : i32
        %ne3A_489 = arith.cmpi ne, %sign3A_481, %sign3A_488 : i32
        %rem3A_490 = arith.remsi %add3A_472, %jit3A_473 : i32
        %ne3A_491 = arith.constant 0 : i32
        %ne3A_492 = arith.cmpi ne, %rem3A_490, %ne3A_491 : i32
        %and3A_493 = arith.andi %ne3A_489, %ne3A_492 : i1
        %sub3A_494 = arith.constant 1 : i32
        %sub3A_495 = arith.subi %div3A_474, %sub3A_494 : i32
        %select_n3A_496 = arith.select %and3A_493, %sub3A_495, %div3A_474 : i32
        %rem3A_497 = arith.constant 16 : i32
        %rem3A_498 = arith.remsi %add3A_472, %rem3A_497 : i32
        %mul3A_499 = arith.constant 256 : i32
        %mul3A_500 = arith.muli %rem3A_498, %mul3A_499 : i32
        %dma_wait3A_501 = arith.constant 0 : i32
        %dma_wait3A_502 = arith.constant 0 : i32
        %dma_wait3A_503 = tpu.memref_slice %arg7[%dma_wait3A_501, %dma_wait3A_502] : memref<2x256xi32, #tpu.memory_space<vmem>> -> memref<1x256xi32, #tpu.memory_space<vmem>>
        %dma_wait3A_504 = tpu.memref_squeeze %dma_wait3A_503 : memref<1x256xi32, #tpu.memory_space<vmem>> -> memref<256xi32, #tpu.memory_space<vmem>>
        %dma_wait3A_505 = tpu.memref_slice %arg2[%select_n3A_496, %mul3A_500] : memref<200x4096xi32, #tpu.memory_space<hbm>> -> memref<1x256xi32, #tpu.memory_space<hbm>>
        %dma_wait3A_506 = tpu.memref_squeeze %dma_wait3A_505 : memref<1x256xi32, #tpu.memory_space<hbm>> -> memref<256xi32, #tpu.memory_space<hbm>>
        %dma_wait3A_507 = arith.constant 0 : i32
        %dma_wait3A_508 = tpu.memref_slice %arg7[%dma_wait3A_501, %dma_wait3A_507] : memref<2x256xi32, #tpu.memory_space<vmem>> -> memref<1x256xi32, #tpu.memory_space<vmem>>
        %dma_wait3A_509 = tpu.memref_squeeze %dma_wait3A_508 : memref<1x256xi32, #tpu.memory_space<vmem>> -> memref<256xi32, #tpu.memory_space<vmem>>
        %dma_wait3A_510 = tpu.memref_slice %arg2[%select_n3A_496, %mul3A_500] : memref<200x4096xi32, #tpu.memory_space<hbm>> -> memref<1x256xi32, #tpu.memory_space<hbm>>
        %dma_wait3A_511 = tpu.memref_squeeze %dma_wait3A_510 : memref<1x256xi32, #tpu.memory_space<hbm>> -> memref<256xi32, #tpu.memory_space<hbm>>
        tpu.wait_dma2 semaphore(%arg12 : memref<!tpu.dma_semaphore, #tpu.memory_space<semaphore_mem>>) src(%dma_wait3A_511 : memref<256xi32, #tpu.memory_space<hbm>>) dst(%dma_wait3A_509 : memref<256xi32, #tpu.memory_space<vmem>>)
        %dma_start3A_512 = arith.constant 0 : i32
        %dma_start3A_513 = arith.constant 0 : i32
        %dma_start3A_514 = arith.constant 0 : i32
        %dma_start3A_515 = tpu.memref_slice %arg8[%dma_start3A_513, %dma_start3A_514] : memref<256x128xf32, #tpu.memory_space<vmem>> -> memref<128x128xf32, #tpu.memory_space<vmem>>
        %dma_start3A_516 = arith.constant 0 : i32
        %dma_start3A_517 = tpu.memref_slice %arg7[%dma_start3A_512, %dma_start3A_516] : memref<2x256xi32, #tpu.memory_space<vmem>> -> memref<1x128xi32, #tpu.memory_space<vmem>>
        %dma_start3A_518 = tpu.memref_squeeze %dma_start3A_517 : memref<1x128xi32, #tpu.memory_space<vmem>> -> memref<128xi32, #tpu.memory_space<vmem>>
        %dma_start3A_519 = arith.constant 0 : i32
        %dma_start3A_520 = arith.constant 0 : i32
        %dma_start3A_521 = tpu.memref_slice %arg3[%dma_start3A_519, %dma_start3A_520] : memref<100096x128xf32, #tpu.memory_space<hbm>> -> memref<100096x128xf32, #tpu.memory_space<hbm>>
        tpu.enqueue_indirect_dma source(%dma_start3A_521 : memref<100096x128xf32, #tpu.memory_space<hbm>>) target(%dma_start3A_515 : memref<128x128xf32, #tpu.memory_space<vmem>>) offsets(%dma_start3A_518 : memref<128xi32, #tpu.memory_space<vmem>>) semaphore(%arg13 : memref<!tpu.dma_semaphore, #tpu.memory_space<semaphore_mem>>)
        %dma_start3A_522 = arith.constant 0 : i32
        %dma_start3A_523 = arith.constant 128 : i32
        %dma_start3A_524 = arith.constant 0 : i32
        %dma_start3A_525 = tpu.memref_slice %arg8[%dma_start3A_523, %dma_start3A_524] : memref<256x128xf32, #tpu.memory_space<vmem>> -> memref<128x128xf32, #tpu.memory_space<vmem>>
        %dma_start3A_526 = arith.constant 128 : i32
        %dma_start3A_527 = tpu.memref_slice %arg7[%dma_start3A_522, %dma_start3A_526] : memref<2x256xi32, #tpu.memory_space<vmem>> -> memref<1x128xi32, #tpu.memory_space<vmem>>
        %dma_start3A_528 = tpu.memref_squeeze %dma_start3A_527 : memref<1x128xi32, #tpu.memory_space<vmem>> -> memref<128xi32, #tpu.memory_space<vmem>>
        %dma_start3A_529 = arith.constant 0 : i32
        %dma_start3A_530 = arith.constant 0 : i32
        %dma_start3A_531 = tpu.memref_slice %arg3[%dma_start3A_529, %dma_start3A_530] : memref<100096x128xf32, #tpu.memory_space<hbm>> -> memref<100096x128xf32, #tpu.memory_space<hbm>>
        tpu.enqueue_indirect_dma source(%dma_start3A_531 : memref<100096x128xf32, #tpu.memory_space<hbm>>) target(%dma_start3A_525 : memref<128x128xf32, #tpu.memory_space<vmem>>) offsets(%dma_start3A_528 : memref<128xi32, #tpu.memory_space<vmem>>) semaphore(%arg13 : memref<!tpu.dma_semaphore, #tpu.memory_space<semaphore_mem>>)
      } else {
      }
      %dma_wait3A_362 = arith.constant 1 : i32
      %dma_wait3A_363 = arith.constant 0 : i32
      %dma_wait3A_364 = arith.constant 0 : i32
      %dma_wait3A_365 = tpu.memref_slice %arg9[%dma_wait3A_363, %dma_wait3A_364] : memref<256x128xf32, #tpu.memory_space<vmem>> -> memref<128x128xf32, #tpu.memory_space<vmem>>
      %dma_wait3A_366 = arith.constant 0 : i32
      %dma_wait3A_367 = tpu.memref_slice %arg7[%dma_wait3A_362, %dma_wait3A_366] : memref<2x256xi32, #tpu.memory_space<vmem>> -> memref<1x128xi32, #tpu.memory_space<vmem>>
      %dma_wait3A_368 = tpu.memref_squeeze %dma_wait3A_367 : memref<1x128xi32, #tpu.memory_space<vmem>> -> memref<128xi32, #tpu.memory_space<vmem>>
      %dma_wait3A_369 = arith.constant 0 : i32
      %dma_wait3A_370 = arith.constant 0 : i32
      %dma_wait3A_371 = tpu.memref_slice %arg3[%dma_wait3A_369, %dma_wait3A_370] : memref<100096x128xf32, #tpu.memory_space<hbm>> -> memref<100096x128xf32, #tpu.memory_space<hbm>>
      tpu.wait_indirect_dma semaphore(%arg11 : memref<!tpu.dma_semaphore, #tpu.memory_space<semaphore_mem>>) src(%dma_wait3A_371 : memref<100096x128xf32, #tpu.memory_space<hbm>>) dst(%dma_wait3A_365 : memref<128x128xf32, #tpu.memory_space<vmem>>)
      %dma_wait3A_372 = arith.constant 1 : i32
      %dma_wait3A_373 = arith.constant 128 : i32
      %dma_wait3A_374 = arith.constant 0 : i32
      %dma_wait3A_375 = tpu.memref_slice %arg9[%dma_wait3A_373, %dma_wait3A_374] : memref<256x128xf32, #tpu.memory_space<vmem>> -> memref<128x128xf32, #tpu.memory_space<vmem>>
      %dma_wait3A_376 = arith.constant 128 : i32
      %dma_wait3A_377 = tpu.memref_slice %arg7[%dma_wait3A_372, %dma_wait3A_376] : memref<2x256xi32, #tpu.memory_space<vmem>> -> memref<1x128xi32, #tpu.memory_space<vmem>>
      %dma_wait3A_378 = tpu.memref_squeeze %dma_wait3A_377 : memref<1x128xi32, #tpu.memory_space<vmem>> -> memref<128xi32, #tpu.memory_space<vmem>>
      %dma_wait3A_379 = arith.constant 0 : i32
      %dma_wait3A_380 = arith.constant 0 : i32
      %dma_wait3A_381 = tpu.memref_slice %arg3[%dma_wait3A_379, %dma_wait3A_380] : memref<100096x128xf32, #tpu.memory_space<hbm>> -> memref<100096x128xf32, #tpu.memory_space<hbm>>
      tpu.wait_indirect_dma semaphore(%arg11 : memref<!tpu.dma_semaphore, #tpu.memory_space<semaphore_mem>>) src(%dma_wait3A_381 : memref<100096x128xf32, #tpu.memory_space<hbm>>) dst(%dma_wait3A_375 : memref<128x128xf32, #tpu.memory_space<vmem>>)
      %add3A_382 = arith.constant 2 : i32
      %add3A_383 = arith.addi %add3A_353, %add3A_382 : i32
      %lt3A_384 = arith.constant 100 : i32
      %lt3A_385 = arith.cmpi slt, %add3A_383, %lt3A_384 : i32
      %convert_element_type3A_386 = arith.extui %lt3A_385 : i1 to i32
      %cond3A_387 = arith.constant 0 : i32
      %cond3A_388 = arith.cmpi ne, %convert_element_type3A_386, %cond3A_387 : i32
      scf.if %cond3A_388 {
        %add3A_471 = arith.constant 2 : i32
        %add3A_472 = arith.addi %add3A_354, %add3A_471 : i32
        %jit3A_473 = arith.constant 16 : i32
        %div3A_474 = arith.divsi %add3A_472, %jit3A_473 : i32
        %sign3A_475 = arith.constant 0 : i32
        %sign3A_476 = arith.cmpi sgt, %add3A_472, %sign3A_475 : i32
        %sign3A_477 = arith.extui %sign3A_476 : i1 to i32
        %sign3A_478 = arith.constant 0 : i32
        %sign3A_479 = arith.cmpi slt, %add3A_472, %sign3A_478 : i32
        %sign3A_480 = arith.extui %sign3A_479 : i1 to i32
        %sign3A_481 = arith.subi %sign3A_477, %sign3A_480 : i32
        %sign3A_482 = arith.constant 0 : i32
        %sign3A_483 = arith.cmpi sgt, %jit3A_473, %sign3A_482 : i32
        %sign3A_484 = arith.extui %sign3A_483 : i1 to i32
        %sign3A_485 = arith.constant 0 : i32
        %sign3A_486 = arith.cmpi slt, %jit3A_473, %sign3A_485 : i32
        %sign3A_487 = arith.extui %sign3A_486 : i1 to i32
        %sign3A_488 = arith.subi %sign3A_484, %sign3A_487 : i32
        %ne3A_489 = arith.cmpi ne, %sign3A_481, %sign3A_488 : i32
        %rem3A_490 = arith.remsi %add3A_472, %jit3A_473 : i32
        %ne3A_491 = arith.constant 0 : i32
        %ne3A_492 = arith.cmpi ne, %rem3A_490, %ne3A_491 : i32
        %and3A_493 = arith.andi %ne3A_489, %ne3A_492 : i1
        %sub3A_494 = arith.constant 1 : i32
        %sub3A_495 = arith.subi %div3A_474, %sub3A_494 : i32
        %select_n3A_496 = arith.select %and3A_493, %sub3A_495, %div3A_474 : i32
        %rem3A_497 = arith.constant 16 : i32
        %rem3A_498 = arith.remsi %add3A_472, %rem3A_497 : i32
        %mul3A_499 = arith.constant 256 : i32
        %mul3A_500 = arith.muli %rem3A_498, %mul3A_499 : i32
        %dma_start3A_501 = arith.constant 1 : i32
        %dma_start3A_502 = arith.constant 0 : i32
        %dma_start3A_503 = tpu.memref_slice %arg7[%dma_start3A_501, %dma_start3A_502] : memref<2x256xi32, #tpu.memory_space<vmem>> -> memref<1x256xi32, #tpu.memory_space<vmem>>
        %dma_start3A_504 = tpu.memref_squeeze %dma_start3A_503 : memref<1x256xi32, #tpu.memory_space<vmem>> -> memref<256xi32, #tpu.memory_space<vmem>>
        %dma_start3A_505 = tpu.memref_slice %arg2[%select_n3A_496, %mul3A_500] : memref<200x4096xi32, #tpu.memory_space<hbm>> -> memref<1x256xi32, #tpu.memory_space<hbm>>
        %dma_start3A_506 = tpu.memref_squeeze %dma_start3A_505 : memref<1x256xi32, #tpu.memory_space<hbm>> -> memref<256xi32, #tpu.memory_space<hbm>>
        %dma_start3A_507 = arith.constant 0 : i32
        %dma_start3A_508 = tpu.memref_slice %arg7[%dma_start3A_501, %dma_start3A_507] : memref<2x256xi32, #tpu.memory_space<vmem>> -> memref<1x256xi32, #tpu.memory_space<vmem>>
        %dma_start3A_509 = tpu.memref_squeeze %dma_start3A_508 : memref<1x256xi32, #tpu.memory_space<vmem>> -> memref<256xi32, #tpu.memory_space<vmem>>
        %dma_start3A_510 = tpu.memref_slice %arg2[%select_n3A_496, %mul3A_500] : memref<200x4096xi32, #tpu.memory_space<hbm>> -> memref<1x256xi32, #tpu.memory_space<hbm>>
        %dma_start3A_511 = tpu.memref_squeeze %dma_start3A_510 : memref<1x256xi32, #tpu.memory_space<hbm>> -> memref<256xi32, #tpu.memory_space<hbm>>
        tpu.enqueue_dma source(%dma_start3A_511 : memref<256xi32, #tpu.memory_space<hbm>>) target(%dma_start3A_509 : memref<256xi32, #tpu.memory_space<vmem>>) target_semaphore(%arg12 : memref<!tpu.dma_semaphore, #tpu.memory_space<semaphore_mem>>)
      } else {
      }
      %ge3A_389 = arith.constant 2 : i32
      %ge3A_390 = arith.cmpi sge, %add3A_353, %ge3A_389 : i32
      %convert_element_type3A_391 = arith.extui %ge3A_390 : i1 to i32
      %cond3A_392 = arith.constant 0 : i32
      %cond3A_393 = arith.cmpi ne, %convert_element_type3A_391, %cond3A_392 : i32
      scf.if %cond3A_393 {
        %sub3A_471 = arith.constant 2 : i32
        %sub3A_472 = arith.subi %add3A_354, %sub3A_471 : i32
        %jit3A_473 = arith.constant 16 : i32
        %div3A_474 = arith.divsi %sub3A_472, %jit3A_473 : i32
        %sign3A_475 = arith.constant 0 : i32
        %sign3A_476 = arith.cmpi sgt, %sub3A_472, %sign3A_475 : i32
        %sign3A_477 = arith.extui %sign3A_476 : i1 to i32
        %sign3A_478 = arith.constant 0 : i32
        %sign3A_479 = arith.cmpi slt, %sub3A_472, %sign3A_478 : i32
        %sign3A_480 = arith.extui %sign3A_479 : i1 to i32
        %sign3A_481 = arith.subi %sign3A_477, %sign3A_480 : i32
        %sign3A_482 = arith.constant 0 : i32
        %sign3A_483 = arith.cmpi sgt, %jit3A_473, %sign3A_482 : i32
        %sign3A_484 = arith.extui %sign3A_483 : i1 to i32
        %sign3A_485 = arith.constant 0 : i32
        %sign3A_486 = arith.cmpi slt, %jit3A_473, %sign3A_485 : i32
        %sign3A_487 = arith.extui %sign3A_486 : i1 to i32
        %sign3A_488 = arith.subi %sign3A_484, %sign3A_487 : i32
        %ne3A_489 = arith.cmpi ne, %sign3A_481, %sign3A_488 : i32
        %rem3A_490 = arith.remsi %sub3A_472, %jit3A_473 : i32
        %ne3A_491 = arith.constant 0 : i32
        %ne3A_492 = arith.cmpi ne, %rem3A_490, %ne3A_491 : i32
        %and3A_493 = arith.andi %ne3A_489, %ne3A_492 : i1
        %sub3A_494 = arith.constant 1 : i32
        %sub3A_495 = arith.subi %div3A_474, %sub3A_494 : i32
        %select_n3A_496 = arith.select %and3A_493, %sub3A_495, %div3A_474 : i32
        %rem3A_497 = arith.constant 16 : i32
        %rem3A_498 = arith.remsi %sub3A_472, %rem3A_497 : i32
        %mul3A_499 = arith.constant 256 : i32
        %mul3A_500 = arith.muli %rem3A_498, %mul3A_499 : i32
        %dma_wait3A_501 = arith.constant 1 : i32
        %dma_wait3A_502 = arith.constant 0 : i32
        %dma_wait3A_503 = arith.constant 0 : i32
        %dma_wait3A_504 = tpu.memref_slice %arg10[%dma_wait3A_501, %dma_wait3A_502, %dma_wait3A_503] : memref<2x64x256xf32, #tpu.memory_space<vmem>> -> memref<1x64x256xf32, #tpu.memory_space<vmem>>
        %dma_wait3A_505 = tpu.memref_squeeze %dma_wait3A_504 : memref<1x64x256xf32, #tpu.memory_space<vmem>> -> memref<64x256xf32, #tpu.memory_space<vmem>>
        %dma_wait3A_506 = arith.constant 0 : i32
        %dma_wait3A_507 = tpu.memref_slice %arg5[%select_n3A_496, %dma_wait3A_506, %mul3A_500] : memref<200x64x4096xf32, #tpu.memory_space<hbm>> -> memref<1x64x256xf32, #tpu.memory_space<hbm>>
        %dma_wait3A_508 = tpu.memref_squeeze %dma_wait3A_507 : memref<1x64x256xf32, #tpu.memory_space<hbm>> -> memref<64x256xf32, #tpu.memory_space<hbm>>
        %dma_wait3A_509 = arith.constant 0 : i32
        %dma_wait3A_510 = tpu.memref_slice %arg5[%select_n3A_496, %dma_wait3A_509, %mul3A_500] : memref<200x64x4096xf32, #tpu.memory_space<hbm>> -> memref<1x64x256xf32, #tpu.memory_space<hbm>>
        %dma_wait3A_511 = tpu.memref_squeeze %dma_wait3A_510 : memref<1x64x256xf32, #tpu.memory_space<hbm>> -> memref<64x256xf32, #tpu.memory_space<hbm>>
        %dma_wait3A_512 = arith.constant 0 : i32
        %dma_wait3A_513 = arith.constant 0 : i32
        %dma_wait3A_514 = tpu.memref_slice %arg10[%dma_wait3A_501, %dma_wait3A_512, %dma_wait3A_513] : memref<2x64x256xf32, #tpu.memory_space<vmem>> -> memref<1x64x256xf32, #tpu.memory_space<vmem>>
        %dma_wait3A_515 = tpu.memref_squeeze %dma_wait3A_514 : memref<1x64x256xf32, #tpu.memory_space<vmem>> -> memref<64x256xf32, #tpu.memory_space<vmem>>
        tpu.wait_dma2 semaphore(%arg15 : memref<!tpu.dma_semaphore, #tpu.memory_space<semaphore_mem>>) src(%dma_wait3A_515 : memref<64x256xf32, #tpu.memory_space<vmem>>) dst(%dma_wait3A_511 : memref<64x256xf32, #tpu.memory_space<hbm>>)
      } else {
      }
      %jit3A_394 = arith.constant 16 : i32
      %div3A_395 = arith.divsi %add3A_354, %jit3A_394 : i32
      %sign3A_396 = arith.constant 0 : i32
      %sign3A_397 = arith.cmpi sgt, %add3A_354, %sign3A_396 : i32
      %sign3A_398 = arith.extui %sign3A_397 : i1 to i32
      %sign3A_399 = arith.constant 0 : i32
      %sign3A_400 = arith.cmpi slt, %add3A_354, %sign3A_399 : i32
      %sign3A_401 = arith.extui %sign3A_400 : i1 to i32
      %sign3A_402 = arith.subi %sign3A_398, %sign3A_401 : i32
      %sign3A_403 = arith.constant 0 : i32
      %sign3A_404 = arith.cmpi sgt, %jit3A_394, %sign3A_403 : i32
      %sign3A_405 = arith.extui %sign3A_404 : i1 to i32
      %sign3A_406 = arith.constant 0 : i32
      %sign3A_407 = arith.cmpi slt, %jit3A_394, %sign3A_406 : i32
      %sign3A_408 = arith.extui %sign3A_407 : i1 to i32
      %sign3A_409 = arith.subi %sign3A_405, %sign3A_408 : i32
      %ne3A_410 = arith.cmpi ne, %sign3A_402, %sign3A_409 : i32
      %rem3A_411 = arith.remsi %add3A_354, %jit3A_394 : i32
      %ne3A_412 = arith.constant 0 : i32
      %ne3A_413 = arith.cmpi ne, %rem3A_411, %ne3A_412 : i32
      %and3A_414 = arith.andi %ne3A_410, %ne3A_413 : i1
      %sub3A_415 = arith.constant 1 : i32
      %sub3A_416 = arith.subi %div3A_395, %sub3A_415 : i32
      %select_n3A_417 = arith.select %and3A_414, %sub3A_416, %div3A_395 : i32
      %rem3A_418 = arith.constant 16 : i32
      %rem3A_419 = arith.remsi %add3A_354, %rem3A_418 : i32
      %broadcast_in_dim3A_420 = arith.constant 0 : i32
      %broadcast_in_dim3A_421 = vector.broadcast %broadcast_in_dim3A_420 : i32 to vector<16xi32>
      %add3A_422 = vector.broadcast %select_n3A_417 : i32 to vector<16xi32>
      %add3A_423 = arith.addi %broadcast_in_dim3A_421, %add3A_422 : vector<16xi32>
      %parallel_loop3A_424 = arith.constant 0 : i32
      %parallel_loop3A_425 = arith.constant 64 : i32
      %parallel_loop3A_426 = arith.constant 1 : i32
      %parallel_loop3A_427 = arith.constant 1 : i32
      scf.for %parallel_loop3A_471 = %parallel_loop3A_424 to %parallel_loop3A_425 step %parallel_loop3A_426  : i32 {
        %parallel_loop3A_472 = arith.constant 16 : i32
        %parallel_loop3A_473 = arith.remsi %parallel_loop3A_471, %parallel_loop3A_472 : i32
        %parallel_loop3A_474 = arith.subi %parallel_loop3A_471, %parallel_loop3A_473 : i32
        %parallel_loop3A_475 = vector.broadcast %parallel_loop3A_473 : i32 to vector<16xi32>
        %parallel_loop3A_476 = arith.addi %iota3A, %parallel_loop3A_475 : vector<16xi32>
        %parallel_loop3A_477 = arith.constant 15 : i32
        %parallel_loop3A_478 = vector.broadcast %parallel_loop3A_477 : i32 to vector<16xi32>
        %parallel_loop3A_479 = arith.andi %parallel_loop3A_476, %parallel_loop3A_478 : vector<16xi32>
        %parallel_loop3A_480 = vector.broadcast %parallel_loop3A_474 : i32 to vector<16xi32>
        %parallel_loop3A_481 = arith.addi %parallel_loop3A_479, %parallel_loop3A_480 : vector<16xi32>
        %parallel_loop3A_482 = tpu.vector_load_idx %arg6[%add3A_423, %parallel_loop3A_481] : memref<200x64xf32, #tpu.memory_space<vmem>>[vector<16xi32>, vector<16xi32>], vector<16xf32>,
        %parallel_loop3A_483 = arith.constant 0 : i32
        %parallel_loop3A_484 = vector.broadcast %parallel_loop3A_483 : i32 to vector<16xi32>
        %parallel_loop3A_485 = arith.addi %iota3A, %parallel_loop3A_484 : vector<16xi32>
        %parallel_loop3A_486 = tpu.vector_load_idx %arg9[%parallel_loop3A_485, %parallel_loop3A_481] : memref<256x128xf32, #tpu.memory_space<vmem>>[vector<16xi32>, vector<16xi32>], vector<16xf32>,
        %parallel_loop3A_487 = arith.addf %parallel_loop3A_486, %parallel_loop3A_482 : vector<16xf32>
        %parallel_loop3A_488 = arith.constant 0 : i32
        %parallel_loop3A_489 = arith.constant 0 : i32
        %parallel_loop3A_490 = tpu.memref_slice %arg10[%parallel_loop3A_427, %parallel_loop3A_488, %parallel_loop3A_489] : memref<2x64x256xf32, #tpu.memory_space<vmem>> -> memref<1x64x256xf32, #tpu.memory_space<vmem>>
        %parallel_loop3A_491 = tpu.memref_squeeze %parallel_loop3A_490 : memref<1x64x256xf32, #tpu.memory_space<vmem>> -> memref<64x256xf32, #tpu.memory_space<vmem>>
        tpu.vector_store_idx %parallel_loop3A_491[%parallel_loop3A_481, %parallel_loop3A_485], %parallel_loop3A_487 : memref<64x256xf32, #tpu.memory_space<vmem>>[vector<16xi32>, vector<16xi32>], vector<16xf32>,
        %parallel_loop3A_492 = arith.constant 16 : i32
        %parallel_loop3A_493 = vector.broadcast %parallel_loop3A_492 : i32 to vector<16xi32>
        %parallel_loop3A_494 = arith.addi %iota3A, %parallel_loop3A_493 : vector<16xi32>
        %parallel_loop3A_495 = tpu.vector_load_idx %arg9[%parallel_loop3A_494, %parallel_loop3A_481] : memref<256x128xf32, #tpu.memory_space<vmem>>[vector<16xi32>, vector<16xi32>], vector<16xf32>,
        %parallel_loop3A_496 = arith.addf %parallel_loop3A_495, %parallel_loop3A_482 : vector<16xf32>
        %parallel_loop3A_497 = arith.constant 0 : i32
        %parallel_loop3A_498 = arith.constant 0 : i32
        %parallel_loop3A_499 = tpu.memref_slice %arg10[%parallel_loop3A_427, %parallel_loop3A_497, %parallel_loop3A_498] : memref<2x64x256xf32, #tpu.memory_space<vmem>> -> memref<1x64x256xf32, #tpu.memory_space<vmem>>
        %parallel_loop3A_500 = tpu.memref_squeeze %parallel_loop3A_499 : memref<1x64x256xf32, #tpu.memory_space<vmem>> -> memref<64x256xf32, #tpu.memory_space<vmem>>
        tpu.vector_store_idx %parallel_loop3A_500[%parallel_loop3A_481, %parallel_loop3A_494], %parallel_loop3A_496 : memref<64x256xf32, #tpu.memory_space<vmem>>[vector<16xi32>, vector<16xi32>], vector<16xf32>,
        %parallel_loop3A_501 = arith.constant 32 : i32
        %parallel_loop3A_502 = vector.broadcast %parallel_loop3A_501 : i32 to vector<16xi32>
        %parallel_loop3A_503 = arith.addi %iota3A, %parallel_loop3A_502 : vector<16xi32>
        %parallel_loop3A_504 = tpu.vector_load_idx %arg9[%parallel_loop3A_503, %parallel_loop3A_481] : memref<256x128xf32, #tpu.memory_space<vmem>>[vector<16xi32>, vector<16xi32>], vector<16xf32>,
        %parallel_loop3A_505 = arith.addf %parallel_loop3A_504, %parallel_loop3A_482 : vector<16xf32>
        %parallel_loop3A_506 = arith.constant 0 : i32
        %parallel_loop3A_507 = arith.constant 0 : i32
        %parallel_loop3A_508 = tpu.memref_slice %arg10[%parallel_loop3A_427, %parallel_loop3A_506, %parallel_loop3A_507] : memref<2x64x256xf32, #tpu.memory_space<vmem>> -> memref<1x64x256xf32, #tpu.memory_space<vmem>>
        %parallel_loop3A_509 = tpu.memref_squeeze %parallel_loop3A_508 : memref<1x64x256xf32, #tpu.memory_space<vmem>> -> memref<64x256xf32, #tpu.memory_space<vmem>>
        tpu.vector_store_idx %parallel_loop3A_509[%parallel_loop3A_481, %parallel_loop3A_503], %parallel_loop3A_505 : memref<64x256xf32, #tpu.memory_space<vmem>>[vector<16xi32>, vector<16xi32>], vector<16xf32>,
        %parallel_loop3A_510 = arith.constant 48 : i32
        %parallel_loop3A_511 = vector.broadcast %parallel_loop3A_510 : i32 to vector<16xi32>
        %parallel_loop3A_512 = arith.addi %iota3A, %parallel_loop3A_511 : vector<16xi32>
        %parallel_loop3A_513 = tpu.vector_load_idx %arg9[%parallel_loop3A_512, %parallel_loop3A_481] : memref<256x128xf32, #tpu.memory_space<vmem>>[vector<16xi32>, vector<16xi32>], vector<16xf32>,
        %parallel_loop3A_514 = arith.addf %parallel_loop3A_513, %parallel_loop3A_482 : vector<16xf32>
        %parallel_loop3A_515 = arith.constant 0 : i32
        %parallel_loop3A_516 = arith.constant 0 : i32
        %parallel_loop3A_517 = tpu.memref_slice %arg10[%parallel_loop3A_427, %parallel_loop3A_515, %parallel_loop3A_516] : memref<2x64x256xf32, #tpu.memory_space<vmem>> -> memref<1x64x256xf32, #tpu.memory_space<vmem>>
        %parallel_loop3A_518 = tpu.memref_squeeze %parallel_loop3A_517 : memref<1x64x256xf32, #tpu.memory_space<vmem>> -> memref<64x256xf32, #tpu.memory_space<vmem>>
        tpu.vector_store_idx %parallel_loop3A_518[%parallel_loop3A_481, %parallel_loop3A_512], %parallel_loop3A_514 : memref<64x256xf32, #tpu.memory_space<vmem>>[vector<16xi32>, vector<16xi32>], vector<16xf32>,
        %parallel_loop3A_519 = arith.constant 64 : i32
        %parallel_loop3A_520 = vector.broadcast %parallel_loop3A_519 : i32 to vector<16xi32>
        %parallel_loop3A_521 = arith.addi %iota3A, %parallel_loop3A_520 : vector<16xi32>
        %parallel_loop3A_522 = tpu.vector_load_idx %arg9[%parallel_loop3A_521, %parallel_loop3A_481] : memref<256x128xf32, #tpu.memory_space<vmem>>[vector<16xi32>, vector<16xi32>], vector<16xf32>,
        %parallel_loop3A_523 = arith.addf %parallel_loop3A_522, %parallel_loop3A_482 : vector<16xf32>
        %parallel_loop3A_524 = arith.constant 0 : i32
        %parallel_loop3A_525 = arith.constant 0 : i32
        %parallel_loop3A_526 = tpu.memref_slice %arg10[%parallel_loop3A_427, %parallel_loop3A_524, %parallel_loop3A_525] : memref<2x64x256xf32, #tpu.memory_space<vmem>> -> memref<1x64x256xf32, #tpu.memory_space<vmem>>
        %parallel_loop3A_527 = tpu.memref_squeeze %parallel_loop3A_526 : memref<1x64x256xf32, #tpu.memory_space<vmem>> -> memref<64x256xf32, #tpu.memory_space<vmem>>
        tpu.vector_store_idx %parallel_loop3A_527[%parallel_loop3A_481, %parallel_loop3A_521], %parallel_loop3A_523 : memref<64x256xf32, #tpu.memory_space<vmem>>[vector<16xi32>, vector<16xi32>], vector<16xf32>,
        %parallel_loop3A_528 = arith.constant 80 : i32
        %parallel_loop3A_529 = vector.broadcast %parallel_loop3A_528 : i32 to vector<16xi32>
        %parallel_loop3A_530 = arith.addi %iota3A, %parallel_loop3A_529 : vector<16xi32>
        %parallel_loop3A_531 = tpu.vector_load_idx %arg9[%parallel_loop3A_530, %parallel_loop3A_481] : memref<256x128xf32, #tpu.memory_space<vmem>>[vector<16xi32>, vector<16xi32>], vector<16xf32>,
        %parallel_loop3A_532 = arith.addf %parallel_loop3A_531, %parallel_loop3A_482 : vector<16xf32>
        %parallel_loop3A_533 = arith.constant 0 : i32
        %parallel_loop3A_534 = arith.constant 0 : i32
        %parallel_loop3A_535 = tpu.memref_slice %arg10[%parallel_loop3A_427, %parallel_loop3A_533, %parallel_loop3A_534] : memref<2x64x256xf32, #tpu.memory_space<vmem>> -> memref<1x64x256xf32, #tpu.memory_space<vmem>>
        %parallel_loop3A_536 = tpu.memref_squeeze %parallel_loop3A_535 : memref<1x64x256xf32, #tpu.memory_space<vmem>> -> memref<64x256xf32, #tpu.memory_space<vmem>>
        tpu.vector_store_idx %parallel_loop3A_536[%parallel_loop3A_481, %parallel_loop3A_530], %parallel_loop3A_532 : memref<64x256xf32, #tpu.memory_space<vmem>>[vector<16xi32>, vector<16xi32>], vector<16xf32>,
        %parallel_loop3A_537 = arith.constant 96 : i32
        %parallel_loop3A_538 = vector.broadcast %parallel_loop3A_537 : i32 to vector<16xi32>
        %parallel_loop3A_539 = arith.addi %iota3A, %parallel_loop3A_538 : vector<16xi32>
        %parallel_loop3A_540 = tpu.vector_load_idx %arg9[%parallel_loop3A_539, %parallel_loop3A_481] : memref<256x128xf32, #tpu.memory_space<vmem>>[vector<16xi32>, vector<16xi32>], vector<16xf32>,
        %parallel_loop3A_541 = arith.addf %parallel_loop3A_540, %parallel_loop3A_482 : vector<16xf32>
        %parallel_loop3A_542 = arith.constant 0 : i32
        %parallel_loop3A_543 = arith.constant 0 : i32
        %parallel_loop3A_544 = tpu.memref_slice %arg10[%parallel_loop3A_427, %parallel_loop3A_542, %parallel_loop3A_543] : memref<2x64x256xf32, #tpu.memory_space<vmem>> -> memref<1x64x256xf32, #tpu.memory_space<vmem>>
        %parallel_loop3A_545 = tpu.memref_squeeze %parallel_loop3A_544 : memref<1x64x256xf32, #tpu.memory_space<vmem>> -> memref<64x256xf32, #tpu.memory_space<vmem>>
        tpu.vector_store_idx %parallel_loop3A_545[%parallel_loop3A_481, %parallel_loop3A_539], %parallel_loop3A_541 : memref<64x256xf32, #tpu.memory_space<vmem>>[vector<16xi32>, vector<16xi32>], vector<16xf32>,
        %parallel_loop3A_546 = arith.constant 112 : i32
        %parallel_loop3A_547 = vector.broadcast %parallel_loop3A_546 : i32 to vector<16xi32>
        %parallel_loop3A_548 = arith.addi %iota3A, %parallel_loop3A_547 : vector<16xi32>
        %parallel_loop3A_549 = tpu.vector_load_idx %arg9[%parallel_loop3A_548, %parallel_loop3A_481] : memref<256x128xf32, #tpu.memory_space<vmem>>[vector<16xi32>, vector<16xi32>], vector<16xf32>,
        %parallel_loop3A_550 = arith.addf %parallel_loop3A_549, %parallel_loop3A_482 : vector<16xf32>
        %parallel_loop3A_551 = arith.constant 0 : i32
        %parallel_loop3A_552 = arith.constant 0 : i32
        %parallel_loop3A_553 = tpu.memref_slice %arg10[%parallel_loop3A_427, %parallel_loop3A_551, %parallel_loop3A_552] : memref<2x64x256xf32, #tpu.memory_space<vmem>> -> memref<1x64x256xf32, #tpu.memory_space<vmem>>
        %parallel_loop3A_554 = tpu.memref_squeeze %parallel_loop3A_553 : memref<1x64x256xf32, #tpu.memory_space<vmem>> -> memref<64x256xf32, #tpu.memory_space<vmem>>
        tpu.vector_store_idx %parallel_loop3A_554[%parallel_loop3A_481, %parallel_loop3A_548], %parallel_loop3A_550 : memref<64x256xf32, #tpu.memory_space<vmem>>[vector<16xi32>, vector<16xi32>], vector<16xf32>,
        %parallel_loop3A_555 = arith.constant 128 : i32
        %parallel_loop3A_556 = vector.broadcast %parallel_loop3A_555 : i32 to vector<16xi32>
        %parallel_loop3A_557 = arith.addi %iota3A, %parallel_loop3A_556 : vector<16xi32>
        %parallel_loop3A_558 = tpu.vector_load_idx %arg9[%parallel_loop3A_557, %parallel_loop3A_481] : memref<256x128xf32, #tpu.memory_space<vmem>>[vector<16xi32>, vector<16xi32>], vector<16xf32>,
        %parallel_loop3A_559 = arith.addf %parallel_loop3A_558, %parallel_loop3A_482 : vector<16xf32>
        %parallel_loop3A_560 = arith.constant 0 : i32
        %parallel_loop3A_561 = arith.constant 0 : i32
        %parallel_loop3A_562 = tpu.memref_slice %arg10[%parallel_loop3A_427, %parallel_loop3A_560, %parallel_loop3A_561] : memref<2x64x256xf32, #tpu.memory_space<vmem>> -> memref<1x64x256xf32, #tpu.memory_space<vmem>>
        %parallel_loop3A_563 = tpu.memref_squeeze %parallel_loop3A_562 : memref<1x64x256xf32, #tpu.memory_space<vmem>> -> memref<64x256xf32, #tpu.memory_space<vmem>>
        tpu.vector_store_idx %parallel_loop3A_563[%parallel_loop3A_481, %parallel_loop3A_557], %parallel_loop3A_559 : memref<64x256xf32, #tpu.memory_space<vmem>>[vector<16xi32>, vector<16xi32>], vector<16xf32>,
        %parallel_loop3A_564 = arith.constant 144 : i32
        %parallel_loop3A_565 = vector.broadcast %parallel_loop3A_564 : i32 to vector<16xi32>
        %parallel_loop3A_566 = arith.addi %iota3A, %parallel_loop3A_565 : vector<16xi32>
        %parallel_loop3A_567 = tpu.vector_load_idx %arg9[%parallel_loop3A_566, %parallel_loop3A_481] : memref<256x128xf32, #tpu.memory_space<vmem>>[vector<16xi32>, vector<16xi32>], vector<16xf32>,
        %parallel_loop3A_568 = arith.addf %parallel_loop3A_567, %parallel_loop3A_482 : vector<16xf32>
        %parallel_loop3A_569 = arith.constant 0 : i32
        %parallel_loop3A_570 = arith.constant 0 : i32
        %parallel_loop3A_571 = tpu.memref_slice %arg10[%parallel_loop3A_427, %parallel_loop3A_569, %parallel_loop3A_570] : memref<2x64x256xf32, #tpu.memory_space<vmem>> -> memref<1x64x256xf32, #tpu.memory_space<vmem>>
        %parallel_loop3A_572 = tpu.memref_squeeze %parallel_loop3A_571 : memref<1x64x256xf32, #tpu.memory_space<vmem>> -> memref<64x256xf32, #tpu.memory_space<vmem>>
        tpu.vector_store_idx %parallel_loop3A_572[%parallel_loop3A_481, %parallel_loop3A_566], %parallel_loop3A_568 : memref<64x256xf32, #tpu.memory_space<vmem>>[vector<16xi32>, vector<16xi32>], vector<16xf32>,
        %parallel_loop3A_573 = arith.constant 160 : i32
        %parallel_loop3A_574 = vector.broadcast %parallel_loop3A_573 : i32 to vector<16xi32>
        %parallel_loop3A_575 = arith.addi %iota3A, %parallel_loop3A_574 : vector<16xi32>
        %parallel_loop3A_576 = tpu.vector_load_idx %arg9[%parallel_loop3A_575, %parallel_loop3A_481] : memref<256x128xf32, #tpu.memory_space<vmem>>[vector<16xi32>, vector<16xi32>], vector<16xf32>,
        %parallel_loop3A_577 = arith.addf %parallel_loop3A_576, %parallel_loop3A_482 : vector<16xf32>
        %parallel_loop3A_578 = arith.constant 0 : i32
        %parallel_loop3A_579 = arith.constant 0 : i32
        %parallel_loop3A_580 = tpu.memref_slice %arg10[%parallel_loop3A_427, %parallel_loop3A_578, %parallel_loop3A_579] : memref<2x64x256xf32, #tpu.memory_space<vmem>> -> memref<1x64x256xf32, #tpu.memory_space<vmem>>
        %parallel_loop3A_581 = tpu.memref_squeeze %parallel_loop3A_580 : memref<1x64x256xf32, #tpu.memory_space<vmem>> -> memref<64x256xf32, #tpu.memory_space<vmem>>
        tpu.vector_store_idx %parallel_loop3A_581[%parallel_loop3A_481, %parallel_loop3A_575], %parallel_loop3A_577 : memref<64x256xf32, #tpu.memory_space<vmem>>[vector<16xi32>, vector<16xi32>], vector<16xf32>,
        %parallel_loop3A_582 = arith.constant 176 : i32
        %parallel_loop3A_583 = vector.broadcast %parallel_loop3A_582 : i32 to vector<16xi32>
        %parallel_loop3A_584 = arith.addi %iota3A, %parallel_loop3A_583 : vector<16xi32>
        %parallel_loop3A_585 = tpu.vector_load_idx %arg9[%parallel_loop3A_584, %parallel_loop3A_481] : memref<256x128xf32, #tpu.memory_space<vmem>>[vector<16xi32>, vector<16xi32>], vector<16xf32>,
        %parallel_loop3A_586 = arith.addf %parallel_loop3A_585, %parallel_loop3A_482 : vector<16xf32>
        %parallel_loop3A_587 = arith.constant 0 : i32
        %parallel_loop3A_588 = arith.constant 0 : i32
        %parallel_loop3A_589 = tpu.memref_slice %arg10[%parallel_loop3A_427, %parallel_loop3A_587, %parallel_loop3A_588] : memref<2x64x256xf32, #tpu.memory_space<vmem>> -> memref<1x64x256xf32, #tpu.memory_space<vmem>>
        %parallel_loop3A_590 = tpu.memref_squeeze %parallel_loop3A_589 : memref<1x64x256xf32, #tpu.memory_space<vmem>> -> memref<64x256xf32, #tpu.memory_space<vmem>>
        tpu.vector_store_idx %parallel_loop3A_590[%parallel_loop3A_481, %parallel_loop3A_584], %parallel_loop3A_586 : memref<64x256xf32, #tpu.memory_space<vmem>>[vector<16xi32>, vector<16xi32>], vector<16xf32>,
        %parallel_loop3A_591 = arith.constant 192 : i32
        %parallel_loop3A_592 = vector.broadcast %parallel_loop3A_591 : i32 to vector<16xi32>
        %parallel_loop3A_593 = arith.addi %iota3A, %parallel_loop3A_592 : vector<16xi32>
        %parallel_loop3A_594 = tpu.vector_load_idx %arg9[%parallel_loop3A_593, %parallel_loop3A_481] : memref<256x128xf32, #tpu.memory_space<vmem>>[vector<16xi32>, vector<16xi32>], vector<16xf32>,
        %parallel_loop3A_595 = arith.addf %parallel_loop3A_594, %parallel_loop3A_482 : vector<16xf32>
        %parallel_loop3A_596 = arith.constant 0 : i32
        %parallel_loop3A_597 = arith.constant 0 : i32
        %parallel_loop3A_598 = tpu.memref_slice %arg10[%parallel_loop3A_427, %parallel_loop3A_596, %parallel_loop3A_597] : memref<2x64x256xf32, #tpu.memory_space<vmem>> -> memref<1x64x256xf32, #tpu.memory_space<vmem>>
        %parallel_loop3A_599 = tpu.memref_squeeze %parallel_loop3A_598 : memref<1x64x256xf32, #tpu.memory_space<vmem>> -> memref<64x256xf32, #tpu.memory_space<vmem>>
        tpu.vector_store_idx %parallel_loop3A_599[%parallel_loop3A_481, %parallel_loop3A_593], %parallel_loop3A_595 : memref<64x256xf32, #tpu.memory_space<vmem>>[vector<16xi32>, vector<16xi32>], vector<16xf32>,
        %parallel_loop3A_600 = arith.constant 208 : i32
        %parallel_loop3A_601 = vector.broadcast %parallel_loop3A_600 : i32 to vector<16xi32>
        %parallel_loop3A_602 = arith.addi %iota3A, %parallel_loop3A_601 : vector<16xi32>
        %parallel_loop3A_603 = tpu.vector_load_idx %arg9[%parallel_loop3A_602, %parallel_loop3A_481] : memref<256x128xf32, #tpu.memory_space<vmem>>[vector<16xi32>, vector<16xi32>], vector<16xf32>,
        %parallel_loop3A_604 = arith.addf %parallel_loop3A_603, %parallel_loop3A_482 : vector<16xf32>
        %parallel_loop3A_605 = arith.constant 0 : i32
        %parallel_loop3A_606 = arith.constant 0 : i32
        %parallel_loop3A_607 = tpu.memref_slice %arg10[%parallel_loop3A_427, %parallel_loop3A_605, %parallel_loop3A_606] : memref<2x64x256xf32, #tpu.memory_space<vmem>> -> memref<1x64x256xf32, #tpu.memory_space<vmem>>
        %parallel_loop3A_608 = tpu.memref_squeeze %parallel_loop3A_607 : memref<1x64x256xf32, #tpu.memory_space<vmem>> -> memref<64x256xf32, #tpu.memory_space<vmem>>
        tpu.vector_store_idx %parallel_loop3A_608[%parallel_loop3A_481, %parallel_loop3A_602], %parallel_loop3A_604 : memref<64x256xf32, #tpu.memory_space<vmem>>[vector<16xi32>, vector<16xi32>], vector<16xf32>,
        %parallel_loop3A_609 = arith.constant 224 : i32
        %parallel_loop3A_610 = vector.broadcast %parallel_loop3A_609 : i32 to vector<16xi32>
        %parallel_loop3A_611 = arith.addi %iota3A, %parallel_loop3A_610 : vector<16xi32>
        %parallel_loop3A_612 = tpu.vector_load_idx %arg9[%parallel_loop3A_611, %parallel_loop3A_481] : memref<256x128xf32, #tpu.memory_space<vmem>>[vector<16xi32>, vector<16xi32>], vector<16xf32>,
        %parallel_loop3A_613 = arith.addf %parallel_loop3A_612, %parallel_loop3A_482 : vector<16xf32>
        %parallel_loop3A_614 = arith.constant 0 : i32
        %parallel_loop3A_615 = arith.constant 0 : i32
        %parallel_loop3A_616 = tpu.memref_slice %arg10[%parallel_loop3A_427, %parallel_loop3A_614, %parallel_loop3A_615] : memref<2x64x256xf32, #tpu.memory_space<vmem>> -> memref<1x64x256xf32, #tpu.memory_space<vmem>>
        %parallel_loop3A_617 = tpu.memref_squeeze %parallel_loop3A_616 : memref<1x64x256xf32, #tpu.memory_space<vmem>> -> memref<64x256xf32, #tpu.memory_space<vmem>>
        tpu.vector_store_idx %parallel_loop3A_617[%parallel_loop3A_481, %parallel_loop3A_611], %parallel_loop3A_613 : memref<64x256xf32, #tpu.memory_space<vmem>>[vector<16xi32>, vector<16xi32>], vector<16xf32>,
        %parallel_loop3A_618 = arith.constant 240 : i32
        %parallel_loop3A_619 = vector.broadcast %parallel_loop3A_618 : i32 to vector<16xi32>
        %parallel_loop3A_620 = arith.addi %iota3A, %parallel_loop3A_619 : vector<16xi32>
        %parallel_loop3A_621 = tpu.vector_load_idx %arg9[%parallel_loop3A_620, %parallel_loop3A_481] : memref<256x128xf32, #tpu.memory_space<vmem>>[vector<16xi32>, vector<16xi32>], vector<16xf32>,
        %parallel_loop3A_622 = arith.addf %parallel_loop3A_621, %parallel_loop3A_482 : vector<16xf32>
        %parallel_loop3A_623 = arith.constant 0 : i32
        %parallel_loop3A_624 = arith.constant 0 : i32
        %parallel_loop3A_625 = tpu.memref_slice %arg10[%parallel_loop3A_427, %parallel_loop3A_623, %parallel_loop3A_624] : memref<2x64x256xf32, #tpu.memory_space<vmem>> -> memref<1x64x256xf32, #tpu.memory_space<vmem>>
        %parallel_loop3A_626 = tpu.memref_squeeze %parallel_loop3A_625 : memref<1x64x256xf32, #tpu.memory_space<vmem>> -> memref<64x256xf32, #tpu.memory_space<vmem>>
        tpu.vector_store_idx %parallel_loop3A_626[%parallel_loop3A_481, %parallel_loop3A_620], %parallel_loop3A_622 : memref<64x256xf32, #tpu.memory_space<vmem>>[vector<16xi32>, vector<16xi32>], vector<16xf32>,
      } {sc.loop_unroll_factor = 2 : i64, sc.parallel_access}
      %jit3A_428 = arith.constant 16 : i32
      %div3A_429 = arith.divsi %add3A_354, %jit3A_428 : i32
      %sign3A_430 = arith.constant 0 : i32
      %sign3A_431 = arith.cmpi sgt, %add3A_354, %sign3A_430 : i32
      %sign3A_432 = arith.extui %sign3A_431 : i1 to i32
      %sign3A_433 = arith.constant 0 : i32
      %sign3A_434 = arith.cmpi slt, %add3A_354, %sign3A_433 : i32
      %sign3A_435 = arith.extui %sign3A_434 : i1 to i32
      %sign3A_436 = arith.subi %sign3A_432, %sign3A_435 : i32
      %sign3A_437 = arith.constant 0 : i32
      %sign3A_438 = arith.cmpi sgt, %jit3A_428, %sign3A_437 : i32
      %sign3A_439 = arith.extui %sign3A_438 : i1 to i32
      %sign3A_440 = arith.constant 0 : i32
      %sign3A_441 = arith.cmpi slt, %jit3A_428, %sign3A_440 : i32
      %sign3A_442 = arith.extui %sign3A_441 : i1 to i32
      %sign3A_443 = arith.subi %sign3A_439, %sign3A_442 : i32
      %ne3A_444 = arith.cmpi ne, %sign3A_436, %sign3A_443 : i32
      %rem3A_445 = arith.remsi %add3A_354, %jit3A_428 : i32
      %ne3A_446 = arith.constant 0 : i32
      %ne3A_447 = arith.cmpi ne, %rem3A_445, %ne3A_446 : i32
      %and3A_448 = arith.andi %ne3A_444, %ne3A_447 : i1
      %sub3A_449 = arith.constant 1 : i32
      %sub3A_450 = arith.subi %div3A_429, %sub3A_449 : i32
      %select_n3A_451 = arith.select %and3A_448, %sub3A_450, %div3A_429 : i32
      %rem3A_452 = arith.constant 16 : i32
      %rem3A_453 = arith.remsi %add3A_354, %rem3A_452 : i32
      %mul3A_454 = arith.constant 256 : i32
      %mul3A_455 = arith.muli %rem3A_453, %mul3A_454 : i32
      %dma_start3A_456 = arith.constant 1 : i32
      %dma_start3A_457 = arith.constant 0 : i32
      %dma_start3A_458 = arith.constant 0 : i32
      %dma_start3A_459 = tpu.memref_slice %arg10[%dma_start3A_456, %dma_start3A_457, %dma_start3A_458] : memref<2x64x256xf32, #tpu.memory_space<vmem>> -> memref<1x64x256xf32, #tpu.memory_space<vmem>>
      %dma_start3A_460 = tpu.memref_squeeze %dma_start3A_459 : memref<1x64x256xf32, #tpu.memory_space<vmem>> -> memref<64x256xf32, #tpu.memory_space<vmem>>
      %dma_start3A_461 = arith.constant 0 : i32
      %dma_start3A_462 = tpu.memref_slice %arg5[%select_n3A_451, %dma_start3A_461, %mul3A_455] : memref<200x64x4096xf32, #tpu.memory_space<hbm>> -> memref<1x64x256xf32, #tpu.memory_space<hbm>>
      %dma_start3A_463 = tpu.memref_squeeze %dma_start3A_462 : memref<1x64x256xf32, #tpu.memory_space<hbm>> -> memref<64x256xf32, #tpu.memory_space<hbm>>
      %dma_start3A_464 = arith.constant 0 : i32
      %dma_start3A_465 = tpu.memref_slice %arg5[%select_n3A_451, %dma_start3A_464, %mul3A_455] : memref<200x64x4096xf32, #tpu.memory_space<hbm>> -> memref<1x64x256xf32, #tpu.memory_space<hbm>>
      %dma_start3A_466 = tpu.memref_squeeze %dma_start3A_465 : memref<1x64x256xf32, #tpu.memory_space<hbm>> -> memref<64x256xf32, #tpu.memory_space<hbm>>
      %dma_start3A_467 = arith.constant 0 : i32
      %dma_start3A_468 = arith.constant 0 : i32
      %dma_start3A_469 = tpu.memref_slice %arg10[%dma_start3A_456, %dma_start3A_467, %dma_start3A_468] : memref<2x64x256xf32, #tpu.memory_space<vmem>> -> memref<1x64x256xf32, #tpu.memory_space<vmem>>
      %dma_start3A_470 = tpu.memref_squeeze %dma_start3A_469 : memref<1x64x256xf32, #tpu.memory_space<vmem>> -> memref<64x256xf32, #tpu.memory_space<vmem>>
      tpu.enqueue_dma source(%dma_start3A_470 : memref<64x256xf32, #tpu.memory_space<vmem>>) target(%dma_start3A_466 : memref<64x256xf32, #tpu.memory_space<hbm>>) target_semaphore(%arg15 : memref<!tpu.dma_semaphore, #tpu.memory_space<semaphore_mem>>)
    }
    %scan3A_135 = arith.constant 50 : i32
    %add3A_136 = arith.constant 100 : i32
    %add3A_137 = arith.addi %mul3A_2, %add3A_136 : i32
    %sub3A_138 = arith.constant 2 : i32
    %sub3A_139 = arith.subi %add3A_137, %sub3A_138 : i32
    %jit3A_140 = arith.constant 16 : i32
    %div3A_141 = arith.divsi %sub3A_139, %jit3A_140 : i32
    %sign3A_142 = arith.constant 0 : i32
    %sign3A_143 = arith.cmpi sgt, %sub3A_139, %sign3A_142 : i32
    %sign3A_144 = arith.extui %sign3A_143 : i1 to i32
    %sign3A_145 = arith.constant 0 : i32
    %sign3A_146 = arith.cmpi slt, %sub3A_139, %sign3A_145 : i32
    %sign3A_147 = arith.extui %sign3A_146 : i1 to i32
    %sign3A_148 = arith.subi %sign3A_144, %sign3A_147 : i32
    %sign3A_149 = arith.constant 0 : i32
    %sign3A_150 = arith.cmpi sgt, %jit3A_140, %sign3A_149 : i32
    %sign3A_151 = arith.extui %sign3A_150 : i1 to i32
    %sign3A_152 = arith.constant 0 : i32
    %sign3A_153 = arith.cmpi slt, %jit3A_140, %sign3A_152 : i32
    %sign3A_154 = arith.extui %sign3A_153 : i1 to i32
    %sign3A_155 = arith.subi %sign3A_151, %sign3A_154 : i32
    %ne3A_156 = arith.cmpi ne, %sign3A_148, %sign3A_155 : i32
    %rem3A_157 = arith.remsi %sub3A_139, %jit3A_140 : i32
    %ne3A_158 = arith.constant 0 : i32
    %ne3A_159 = arith.cmpi ne, %rem3A_157, %ne3A_158 : i32
    %and3A_160 = arith.andi %ne3A_156, %ne3A_159 : i1
    %sub3A_161 = arith.constant 1 : i32
    %sub3A_162 = arith.subi %div3A_141, %sub3A_161 : i32
    %select_n3A_163 = arith.select %and3A_160, %sub3A_162, %div3A_141 : i32
    %rem3A_164 = arith.constant 16 : i32
    %rem3A_165 = arith.remsi %sub3A_139, %rem3A_164 : i32
    %mul3A_166 = arith.constant 256 : i32
    %mul3A_167 = arith.muli %rem3A_165, %mul3A_166 : i32
    %dma_wait3A_168 = arith.constant 0 : i32
    %dma_wait3A_169 = arith.constant 0 : i32
    %dma_wait3A_170 = arith.constant 0 : i32
    %dma_wait3A_171 = tpu.memref_slice %arg10[%dma_wait3A_168, %dma_wait3A_169, %dma_wait3A_170] : memref<2x64x256xf32, #tpu.memory_space<vmem>> -> memref<1x64x256xf32, #tpu.memory_space<vmem>>
    %dma_wait3A_172 = tpu.memref_squeeze %dma_wait3A_171 : memref<1x64x256xf32, #tpu.memory_space<vmem>> -> memref<64x256xf32, #tpu.memory_space<vmem>>
    %dma_wait3A_173 = arith.constant 0 : i32
    %dma_wait3A_174 = tpu.memref_slice %arg5[%select_n3A_163, %dma_wait3A_173, %mul3A_167] : memref<200x64x4096xf32, #tpu.memory_space<hbm>> -> memref<1x64x256xf32, #tpu.memory_space<hbm>>
    %dma_wait3A_175 = tpu.memref_squeeze %dma_wait3A_174 : memref<1x64x256xf32, #tpu.memory_space<hbm>> -> memref<64x256xf32, #tpu.memory_space<hbm>>
    %dma_wait3A_176 = arith.constant 0 : i32
    %dma_wait3A_177 = tpu.memref_slice %arg5[%select_n3A_163, %dma_wait3A_176, %mul3A_167] : memref<200x64x4096xf32, #tpu.memory_space<hbm>> -> memref<1x64x256xf32, #tpu.memory_space<hbm>>
    %dma_wait3A_178 = tpu.memref_squeeze %dma_wait3A_177 : memref<1x64x256xf32, #tpu.memory_space<hbm>> -> memref<64x256xf32, #tpu.memory_space<hbm>>
    %dma_wait3A_179 = arith.constant 0 : i32
    %dma_wait3A_180 = arith.constant 0 : i32
    %dma_wait3A_181 = tpu.memref_slice %arg10[%dma_wait3A_168, %dma_wait3A_179, %dma_wait3A_180] : memref<2x64x256xf32, #tpu.memory_space<vmem>> -> memref<1x64x256xf32, #tpu.memory_space<vmem>>
    %dma_wait3A_182 = tpu.memref_squeeze %dma_wait3A_181 : memref<1x64x256xf32, #tpu.memory_space<vmem>> -> memref<64x256xf32, #tpu.memory_space<vmem>>
    tpu.wait_dma2 semaphore(%arg14 : memref<!tpu.dma_semaphore, #tpu.memory_space<semaphore_mem>>) src(%dma_wait3A_182 : memref<64x256xf32, #tpu.memory_space<vmem>>) dst(%dma_wait3A_178 : memref<64x256xf32, #tpu.memory_space<hbm>>)
    %add3A_183 = arith.constant 100 : i32
    %add3A_184 = arith.addi %mul3A_2, %add3A_183 : i32
    %sub3A_185 = arith.constant 1 : i32
    %sub3A_186 = arith.subi %add3A_184, %sub3A_185 : i32
    %jit3A_187 = arith.constant 16 : i32
    %div3A_188 = arith.divsi %sub3A_186, %jit3A_187 : i32
    %sign3A_189 = arith.constant 0 : i32
    %sign3A_190 = arith.cmpi sgt, %sub3A_186, %sign3A_189 : i32
    %sign3A_191 = arith.extui %sign3A_190 : i1 to i32
    %sign3A_192 = arith.constant 0 : i32
    %sign3A_193 = arith.cmpi slt, %sub3A_186, %sign3A_192 : i32
    %sign3A_194 = arith.extui %sign3A_193 : i1 to i32
    %sign3A_195 = arith.subi %sign3A_191, %sign3A_194 : i32
    %sign3A_196 = arith.constant 0 : i32
    %sign3A_197 = arith.cmpi sgt, %jit3A_187, %sign3A_196 : i32
    %sign3A_198 = arith.extui %sign3A_197 : i1 to i32
    %sign3A_199 = arith.constant 0 : i32
    %sign3A_200 = arith.cmpi slt, %jit3A_187, %sign3A_199 : i32
    %sign3A_201 = arith.extui %sign3A_200 : i1 to i32
    %sign3A_202 = arith.subi %sign3A_198, %sign3A_201 : i32
    %ne3A_203 = arith.cmpi ne, %sign3A_195, %sign3A_202 : i32
    %rem3A_204 = arith.remsi %sub3A_186, %jit3A_187 : i32
    %ne3A_205 = arith.constant 0 : i32
    %ne3A_206 = arith.cmpi ne, %rem3A_204, %ne3A_205 : i32
    %and3A_207 = arith.andi %ne3A_203, %ne3A_206 : i1
    %sub3A_208 = arith.constant 1 : i32
    %sub3A_209 = arith.subi %div3A_188, %sub3A_208 : i32
    %select_n3A_210 = arith.select %and3A_207, %sub3A_209, %div3A_188 : i32
    %rem3A_211 = arith.constant 16 : i32
    %rem3A_212 = arith.remsi %sub3A_186, %rem3A_211 : i32
    %mul3A_213 = arith.constant 256 : i32
    %mul3A_214 = arith.muli %rem3A_212, %mul3A_213 : i32
    %dma_wait3A_215 = arith.constant 1 : i32
    %dma_wait3A_216 = arith.constant 0 : i32
    %dma_wait3A_217 = arith.constant 0 : i32
    %dma_wait3A_218 = tpu.memref_slice %arg10[%dma_wait3A_215, %dma_wait3A_216, %dma_wait3A_217] : memref<2x64x256xf32, #tpu.memory_space<vmem>> -> memref<1x64x256xf32, #tpu.memory_space<vmem>>
    %dma_wait3A_219 = tpu.memref_squeeze %dma_wait3A_218 : memref<1x64x256xf32, #tpu.memory_space<vmem>> -> memref<64x256xf32, #tpu.memory_space<vmem>>
    %dma_wait3A_220 = arith.constant 0 : i32
    %dma_wait3A_221 = tpu.memref_slice %arg5[%select_n3A_210, %dma_wait3A_220, %mul3A_214] : memref<200x64x4096xf32, #tpu.memory_space<hbm>> -> memref<1x64x256xf32, #tpu.memory_space<hbm>>
    %dma_wait3A_222 = tpu.memref_squeeze %dma_wait3A_221 : memref<1x64x256xf32, #tpu.memory_space<hbm>> -> memref<64x256xf32, #tpu.memory_space<hbm>>
    %dma_wait3A_223 = arith.constant 0 : i32
    %dma_wait3A_224 = tpu.memref_slice %arg5[%select_n3A_210, %dma_wait3A_223, %mul3A_214] : memref<200x64x4096xf32, #tpu.memory_space<hbm>> -> memref<1x64x256xf32, #tpu.memory_space<hbm>>
    %dma_wait3A_225 = tpu.memref_squeeze %dma_wait3A_224 : memref<1x64x256xf32, #tpu.memory_space<hbm>> -> memref<64x256xf32, #tpu.memory_space<hbm>>
    %dma_wait3A_226 = arith.constant 0 : i32
    %dma_wait3A_227 = arith.constant 0 : i32
    %dma_wait3A_228 = tpu.memref_slice %arg10[%dma_wait3A_215, %dma_wait3A_226, %dma_wait3A_227] : memref<2x64x256xf32, #tpu.memory_space<vmem>> -> memref<1x64x256xf32, #tpu.memory_space<vmem>>
    %dma_wait3A_229 = tpu.memref_squeeze %dma_wait3A_228 : memref<1x64x256xf32, #tpu.memory_space<vmem>> -> memref<64x256xf32, #tpu.memory_space<vmem>>
    tpu.wait_dma2 semaphore(%arg15 : memref<!tpu.dma_semaphore, #tpu.memory_space<semaphore_mem>>) src(%dma_wait3A_229 : memref<64x256xf32, #tpu.memory_space<vmem>>) dst(%dma_wait3A_225 : memref<64x256xf32, #tpu.memory_space<hbm>>)
    return
  }
}

</mosaic_0001>

<sc_bundles>
// kernel: _embed.4.cloned.1.call-start
scs
__scs_entry_jumppad:
0x0: {  	(pc) =	sbr.rel $0x88, $3  }
0x1: {  	(tag) =	ssettag $0x0;
	lr =	simm.s32 $0x1  }
0x2: {  	[smem:$0x3F9D] =	sst lr;
	_ =	strace $0xD0000000  }
0x3: {  	_ = 	snop  }
0x4: {  	_ = 	snop  }
0x5: {  	_ = 	snop  }
0x6: {  	_ = 	snop  }
0x7: {  	_ = 	snop  }
__scs_overlays_trampoline_lowered:
0x8: {  	[smem:$0x3FAC] =	sst s0  }
0x9: {  	[smem:$0x3FAD] =	sst s1  }
0xa: {  	[smem:$0x3FAE] =	sst s2  }
0xb: {  	[smem:$0x3FAF] =	sst s3  }
0xc: {  	[smem:$0x3FB0] =	sst s4  }
0xd: {  	[smem:$0x3FB1] =	sst s5  }
0xe: {  	[smem:$0x3FB2] =	sst s6  }
0xf: {  	[smem:$0x3FB3] =	sst s7  }
0x10: {  	[smem:$0x3FB4] =	sst s8  }
0x11: {  	[smem:$0x3FB5] =	sst s9;
	s0 =	simm.s32 @!p0 $0x0  }
0x12: {  	s1 =	sld [smem:$0x3F9B];
	s0 =	simm.s32 @p0 $0x1  }
0x13: {  	[smem:$0x3FB6] =	sst s0;
	s0 =	simm.s32 @!p1 $0x0  }
0x14: {  	s2 =	sld [smem:$0x3F9A];
	s0 =	simm.s32 @p1 $0x1  }
0x15: {  	[smem:$0x3FB7] =	sst s0;
	s0 =	simm.s32 @!p2 $0x0  }
0x16: {  	s3 =	sld [smem:$0x3FDB];
	s0 =	simm.s32 @p2 $0x1  }
0x17: {  	s4 =	simm.s32 $0x1BF5;
	[smem:$0x3FB9] =	sst s0  }
0x18: {  	s0 =	sld [smem:$0x3F9C];
	_ =	swait.ge [sflag:s4], $0x0  }
0x19: {  	s7 =	sld [smem:$0x3F9D]  }
0x1a: {  	s8 =	sadd.s32 $0xFFFFE003, lr  }
0x1b: {  	s9 =	sadd.s32 $0xFFFFFEF7, lr;
	s5 =	simm.s32 $0xFFFFFFFF;
	p2 =	slt.u32 s8, $0xFFFFF086  }
0x1c: {  	p1 =	slt.u32 s9, $0xF7A;
	s5 =	simm.s32 @!p2 $0x0  }
0x1d: {  	s5 =	simm.s32 @p1 $0x1;
	p0 =	seq.s32 s7, s2  }
0x1e: {  	s7 =	smul.u32 @!p0 $0xF7A, s2;
	p2 =	seq.s32 @!p0 s5, $0x0  }
0x1f: {  	s9 =	smul.u32 $0xF7A, s1;
	s8 =	simm.s32 @!p0 $0x1BF5;
	p2 =	por !p2, p0  }
0x20: {  	[sflag:s8] =	ssyncset.s32 @!p0 $0xFFFFF086;
	s6 =	sadd.s32 @!p0 s3, s7;
	s7 =	simm.s32 @!p0 $0x108  }
0x21: {  	s3 =	sadd.s32 s3, s9;
	s6 =	sadd.s32 @!p0 $0x88, s6;
	s7 =	simm.s32 @p2 $0x1082  }
0x22: {  	[simem:s7], [sflag:s8] =	dma.local @!p0 [hbm:s6], $0xF7A  }
0x23: {  	s9 =	sor.u32 $0xD0000000, s2;
	s6 =	simm.s32 $0x108;
	_ =	swait.ge @!p0 [sflag:s8], $0x0  }
0x24: {  	s3 =	sadd.s32 $0x88, s3;
	s6 =	simm.s32 @!p1 $0x1082;
	[sflag:s4] =	ssyncset.s32 $0xFFFFF086  }
0x25: {  	[simem:s6], [sflag:s4] =	dma.local [hbm:s3], $0xF7A  }
0x26: {  	[smem:$0x3F9D] =	sst s1;
	(tag) =	ssettag s2;
	_ =	strace s9  }
0x27: {  	s1 =	sld [smem:$0x3FAD]  }
0x28: {  	s2 =	sld [smem:$0x3FAE]  }
0x29: {  	s4 =	sld [smem:$0x3FB0]  }
0x2a: {  	p0 =	seq.s32 s5, $0x0;
	s5 =	sld [smem:$0x3FB1]  }
0x2b: {  	s6 =	sld [smem:$0x3FB2]  }
0x2c: {  	s7 =	sld [smem:$0x3FB3]  }
0x2d: {  	s3 =	simm.s32 $0x108;
	s8 =	sld [smem:$0x3FB4]  }
0x2e: {  	s3 =	simm.s32 @!p0 $0x1082;
	s9 =	sld [smem:$0x3FB5]  }
0x2f: {  	lr =	sadd.s32 s0, s3;
	s0 =	sld [smem:$0x3FAC]  }
0x30: {  	s3 =	sld [smem:$0x3FAF]  }
0x31: {  	[smem:$0x3FB8] =	sst s10  }
0x32: {  	s10 =	sld [smem:$0x3FB6];
	_ =	sdelay $0x3  }
0x33: {  	p0 =	seq.s32 s10, $0x1;
	s10 =	sld [smem:$0x3FB8];
	_ =	sdelay $0x3  }
0x34: {  	[smem:$0x3FB8] =	sst s10  }
0x35: {  	s10 =	sld [smem:$0x3FB7];
	_ =	sdelay $0x3  }
0x36: {  	p1 =	seq.s32 s10, $0x1;
	s10 =	sld [smem:$0x3FB8];
	_ =	sdelay $0x3  }
0x37: {  	[smem:$0x3FB8] =	sst s10  }
0x38: {  	s10 =	sld [smem:$0x3FB9]  }
0x39: {  	_ = 	snop;
	(pc) =	sbr.ind lr, $3  }
0x3a: {  	_ = 	snop  }
0x3b: {  	_ = 	snop  }
0x3c: {  	p2 =	seq.s32 s10, $0x1;
	s10 =	sld [smem:$0x3FB8]  }
0x3d: {  	_ =	shalt  }
0x3e: {  	_ =	shalt  }
0x3f: {  	_ =	shalt  }
0x40: {  	_ =	shalt  }
0x41: {  	_ =	shalt  }
0x42: {  	_ =	shalt  }
0x43: {  	_ =	shalt  }
0x44: {  	_ =	shalt  }
0x45: {  	_ =	shalt  }
0x46: {  	_ =	shalt  }
0x47: {  	_ =	shalt  }
0x48: {  	_ =	shalt  }
0x49: {  	_ =	shalt  }
0x4a: {  	_ =	shalt  }
0x4b: {  	_ =	shalt  }
0x4c: {  	_ =	shalt  }
0x4d: {  	_ =	shalt  }
0x4e: {  	_ =	shalt  }
0x4f: {  	_ =	shalt  }
0x50: {  	_ =	shalt  }
0x51: {  	_ =	shalt  }
0x52: {  	_ =	shalt  }
0x53: {  	_ =	shalt  }
0x54: {  	_ =	shalt  }
0x55: {  	_ =	shalt  }
0x56: {  	_ =	shalt  }
0x57: {  	_ =	shalt  }
0x58: {  	_ =	shalt  }
0x59: {  	_ =	shalt  }
0x5a: {  	_ =	shalt  }
0x5b: {  	_ =	shalt  }
0x5c: {  	_ =	shalt  }
0x5d: {  	_ =	shalt  }
0x5e: {  	_ =	shalt  }
0x5f: {  	_ =	shalt  }
0x60: {  	_ =	shalt  }
0x61: {  	_ =	shalt  }
0x62: {  	_ =	shalt  }
0x63: {  	_ =	shalt  }
0x64: {  	_ =	shalt  }
0x65: {  	_ =	shalt  }
0x66: {  	_ =	shalt  }
0x67: {  	_ =	shalt  }
0x68: {  	_ =	shalt  }
0x69: {  	_ =	shalt  }
0x6a: {  	_ =	shalt  }
0x6b: {  	_ =	shalt  }
0x6c: {  	_ =	shalt  }
0x6d: {  	_ =	shalt  }
0x6e: {  	_ =	shalt  }
0x6f: {  	_ =	shalt  }
0x70: {  	_ =	shalt  }
0x71: {  	_ =	shalt  }
0x72: {  	_ =	shalt  }
0x73: {  	_ =	shalt  }
0x74: {  	_ =	shalt  }
0x75: {  	_ =	shalt  }
0x76: {  	_ =	shalt  }
0x77: {  	_ =	shalt  }
0x78: {  	_ =	shalt  }
0x79: {  	_ =	shalt  }
0x7a: {  	_ =	shalt  }
0x7b: {  	_ =	shalt  }
0x7c: {  	_ =	shalt  }
0x7d: {  	_ =	shalt  }
0x7e: {  	_ =	shalt  }
0x7f: {  	_ =	shalt  }
0x80: {  	_ =	shalt  }
0x81: {  	_ =	shalt  }
0x82: {  	_ =	shalt  }
0x83: {  	_ =	shalt  }
0x84: {  	_ =	shalt  }
0x85: {  	_ =	shalt  }
0x86: {  	_ =	shalt  }
0x87: {  	_ =	shalt  }
.Lfunc_end0:
.L_simem_size_0:
called_computation_lowered:
.L_overlay_start_0:
0x88: {  	s2 =	sld [smem:$0x3FD9]  }
0x89: {  	s3 =	sld [smem:$0x3FFE];
	_ =	sdelay $0x1  }
0x8a: {  	s1 =	srdreg.scid  }
0x8b: {  	s0 =	sand.u32 $0x1, s1  }
0x8c: {  	s17 =	sshll.u32 s0, $0xA;
	s2 =	sadd.s32 s3, s2  }
0x8d: {  	s2 =	sadd.s32 s2, s17  }
0x8e: {  	[smem:$0x3FC4] =	sst s2  }
0x8f: {  	_ = 	snop  }
0x90: {  	s2 =	sld [smem:$0x3FC8]  }
0x91: {  	s18 =	sld [smem:$0x3FC6];
	(tm) =	ssettm $0x1  }
0x92: {  	s4 =	sld [smem:$0x3FFB];
	_ =	sdelay $0x3  }
0x93: {  	_ =	strace s4  }
0x94: {  	s4 =	sld [smem:$0x3FFC];
	_ =	sdelay $0x3  }
0x95: {  	_ =	strace s4  }
0x96: {  	s4 =	sld [smem:$0x3FFD];
	_ =	sdelay $0x3  }
0x97: {  	_ =	strace s4  }
0x98: {  	_ =	strace $0x8FFFFFFF  }
0x99: {  	s19 =	sld [smem:$0x3FDB];
	_ =	sdelay $0x1  }
0x9a: {  	s5 =	simm.s32 $_scs_section_size  }
0x9b: {  	s6 =	simm.s32 $_size__tile_overlayer_lowered;
	s7 =	simm.s32 $_tile_overlayer_lowered  }
0x9c: {  	s22 =	simm.s32 $0x1BFF;
	s21 =	sshll.u32 s7, $0x1;
	s4 =	sadd.s32 s5, s19  }
0x9d: {  	s8 =	simm.s32 $0x0;
	s20 =	sshll.u32 s6, $0x1;
	s6 =	sadd.s32 s21, s4  }
0x9e: {  	[timem:s8], [sflag:s22] =	dma.local [hbm:s6], s20  }
0x9f: {  	_ =	swait.ge [sflag:s22], s20  }
0xa0: {  	s5 =	ssub.s32 $0x0, s20;
	[sflag:s22] =	ssyncset.done $0x0  }
0xa1: {  	[sflag:s22] =	ssyncadd.s32 s5;
	_ =	sdelay $0x1  }
0xa2: {  	s23 =	simm.s32 $0x1B8B  }
0xa3: {  	_ =	swait.ge [sflag:s23], $0x1  }
0xa4: {  	[sflag:s23] =	ssyncset.done $0x0  }
0xa5: {  	s25 =	simm.s32 $0x1B8E;
	s24 =	sld [smem:$0x3FFE];
	[sflag:s23] =	ssyncadd.s32 $0xFFFFFFFF  }
0xa6: {  	s26 =	simm.s32 $execute0_lowered;
	[smem:$0x3FD2] =	sst s25  }
0xa7: {  	s6 =	sshll.u32 s26, $0x1;
	_ =	strace $0x80000046;
	[dreg:$0x1] =	wrdreg $0xFFFFFFFF  }
0xa8: {  	s28 =	simm.s32 $_size_execute0_lowered;
	s4 =	sadd.s32 s4, s6;
	[dreg:$0x0] =	wrdreg $0x0  }
0xa9: {  	s6 =	sshll.u32 s28, $0x1;
	[dreg:$0x2] =	wrdreg s4  }
0xaa: {  	[dreg:$0x3] =	wrdreg s6  }
0xab: {  	[dreg:$0x4] =	wrdreg $0xC0  }
0xac: {  	_ =	task [dreg:s8], $0x5FFFF  }
0xad: {  	[dreg:$0x1] =	wrdreg $0xFFFFFFFF  }
0xae: {  	[dreg:$0x0] =	wrdreg $0x60  }
0xaf: {  	[dreg:$0x2] =	wrdreg s2  }
0xb0: {  	[dreg:$0x3] =	wrdreg s18  }
0xb1: {  	[dreg:$0x4] =	wrdreg s24  }
0xb2: {  	[dreg:$0x5] =	wrdreg $0x9  }
0xb3: {  	_ =	task.clear_ibuf [dreg:s8], $0x6FFFF;
	_ =	strace $0x90000046  }
0xb4: {  	s29 =	simm.s32 $0x9;
	_ =	strace $0x80000048  }
0xb5: {  	_ =	swait.ge [sflag:s29], $0x1  }
0xb6: {  	[sflag:s29] =	ssyncadd.s32 $0xFFFFFFFF  }
0xb7: {  	_ =	strace $0x90000048  }
0xb8: {  	_ =	sfence  }
0xb9: {  	s30 =	sld [smem:$0x0];
	_ =	sdelay $0x2  }
0xba: {  	s31 =	sshll.u32 s1, $0xD;
	s1 =	sshrl.u32 s1, $0x2  }
0xbb: {  	s3 =	sand.u32 $0x4000, s31;
	s1 =	sadd.s32 s1, s30  }
0xbc: {  	s0 =	sor.u32 s3, s0;
	s1 =	sshll.u32 s1, $0x11  }
0xbd: {  	s0 =	sor.u32 s1, s0  }
0xbe: {  	s0 =	sadd.s32 $0x8F2B, s0  }
0xbf: {  	[sflag:s0] =	ssyncadd.remote.s32 $0x1  }
0xc0: {  	_ =	sfence.sel $0xFFFF  }
0xc1: {  	[dreg:$0x0] =	wrdreg $0xFFFFFFFF;
	(pc) =	sbr.abs _section_cstart, $3  }
0xc2: {  	[dreg:$0x1] =	wrdreg $0xFFFFFFFF  }
0xc3: {  	_ =	task.clear_ibuf [dreg:s8], $0x2FFFF;
	_ =	strace $0x9FFFFFFF  }
0xc4: {  	(tm) =	ssettm $0x7FFFFFFF  }
0xc5: {  	_ =	shalt  }
tec
execute0_lowered:
.L_overlay_start_1:
0x0: {  	(tag) =	ssettag $0x1  }
0x1: {  	s1 =	rddreg [dreg:$0x0]  }
0x2: {  	s2 =	rddreg [dreg:$0x1]  }
0x3: {  	s7 =	rddreg [dreg:$0x2]  }
0x4: {  	s0 =	rddreg [dreg:$0x3]  }
0x5: {  	s4 =	simm.s32 $0x0;
	s5 =	srdreg.scid;
	s3 =	stileid.u32  }
0x6: {  	v0 =	vlaneseq.u32;
	s11 =	simm.s32 $0x2;
	s12 =	simm.s32 $0x2000;
	s13 =	simm.s32 $0x0  }
.Ltmp0:
0x7: {  	v1 =	vmul.u32 $0x80, v0;
	[smem:$0x7FF] =	sst s4;
	s6 =	sand.u32 $0x1, s5;
	v2 =	vor.u32 $0x10, v0;
	v4 =	vor.u32 $0x20, v0;
	(pc) =	sbr.rel .LBB2_1-.Ltmp0, $4  }
0x8: {  	s5 =	sadd.s32 $0xA00, s7;
	v6 =	vor.u32 $0x30, v0;
	s7 =	sadd.s32 $0x187200, s7;
	v8 =	vor.u32 $0x40, v0;
	v10 =	vor.u32 $0x50, v0;
	s8 =	ssub.s32 $0x2, s6  }
0x9: {  	s9 =	sshll.u32 s3, $0x1;
	v12 =	vor.u32 $0x60, v0;
	v14 =	vor.u32 $0x70, v0;
	_ =	strace $0x80000047;
	v3 =	vor.u32 $0x800, v1;
	s10 =	sshrl.u32 s8, $0x1  }
0xa: {  	s6 =	sor.u32 s6, s9;
	s9 =	simm.s32 $0x400;
	v5 =	vor.u32 $0x1000, v1;
	v7 =	vor.u32 $0x1800, v1;
	v9 =	vor.u32 $0x2000, v1;
	s8 =	ssub.s32 s8, s10  }
0xb: {  	s6 =	smul.u32 $0x19, s6;
	v11 =	vor.u32 $0x2800, v1;
	v13 =	vor.u32 $0x3000, v1;
	v15 =	vor.u32 $0x3800, v1;
	s10 =	simm.s32 $0xC3800;
	s8 =	smax.u32 s8, $0x1  }
.LBB2_7:
0xc: {  	s13 =	sadd.s32 $0x1, s13  }
0xd: {  	p0 =	sne.s32 s13, s8  }
.Ltmp1:
0xe: {  	_ = 	snop;
	(pc) =	sbr.rel @!p0 .LBB2_8-.Ltmp1, $1  }
0xf: {  	_ =	sdelay $0x3  }
.LBB2_1:
.Ltmp2:
0x10: {  	(pc) =	sbr.rel .LBB2_2-.Ltmp2, $2  }
0x11: {  	_ =	sdelay $0x2  }
0x12: {  	s14 =	simm.s32 $0x0  }
.LBB2_6:
0x13: {  	p0 =	sne.s32 s15, $0x30D  }
0x14: {  	s15 =	simm.s32 @!p0 $0x0;
	s16 =	simm.s32 @!p0 $0x2000;
	s17 =	simm.s32 @!p0 $0x2  }
0x15: {  	[tilespmem:s16], [sflag:$0x2] =	stream.linear.gather @!p0 [hbm4b:s2+s15], $0x1000, $0x38;
	[tilespmem:$0x6000] =	vst v63  }
0x16: {  	_ =	swait.ge @!p0 [sflag:s17], $0x1000  }
0x17: {  	s14 =	sadd.s32 $0x1, s14;
	[sflag:s17] =	ssyncset.done @!p0 $0x0  }
0x18: {  	p1 =	sne.s32 s14, $0x19;
	[sflag:s17] =	ssyncadd.s32 @!p0 $0xFFFFF000  }
0x19: {  	[hbm4b:s7+s15] =	stream.linear.scatter @!p0 [tilespmem:s16], [sflag:$0x1], $0x1000, $0x38;
	[tilespmem:$0x6000] =	vst v63  }
.Ltmp3:
0x1a: {  	_ = 	snop;
	(pc) =	sbr.rel @!p1 .LBB2_7-.Ltmp3, $4  }
0x1b: {  	s15 =	simm.s32 @!p0 $0x1  }
0x1c: {  	_ =	swait.ge @!p0 [sflag:s15], $0x1000  }
0x1d: {  	[sflag:s15] =	ssyncset.done @!p0 $0x0  }
0x1e: {  	[sflag:s15] =	ssyncadd.s32 @!p0 $0xFFFFF000  }
.LBB2_2:
0x1f: {  	s15 =	sadd.s32 s6, s14  }
0x20: {  	p0 =	sgt.u32 s15, $0x30C  }
.Ltmp4:
0x21: {  	_ = 	snop;
	(pc) =	sbr.rel @p0 .LBB2_6-.Ltmp4, $1  }
0x22: {  	_ =	sdelay $0x3  }
0x23: {  	s16 =	simm.s32 $0x0  }
0x24: {  	s17 =	sand.u32 $0xE, s16  }
0x25: {  	v16 =	vadd.s32 s17, v0  }
0x26: {  	s16 =	sand.u32 $0x30, s16;
	v16 =	vand.u32 $0xF, v16  }
0x27: {  	s17 =	sor.u32 $0x1, s17;
	v30 =	vor.u32 s16, v16  }
0x28: {  	s18 =	sshll.u32 s15, $0x7;
	v16 =	vadd.s32 s17, v0;
	v26 =	vshll.u32 v30, $0x7  }
0x29: {  	s22 =	sadd.s32 s1, s18;
	v16 =	vand.u32 $0xF, v16;
	v17 =	vor.u32 v0, v26  }
0x2a: {  	[tilespmem:s4], [sflag:$0x2] =	stream.strided.gather [hbm4b:s22+s9], $0x2000, s10, s9, $0x38;
	v32 =	vor.u32 s16, v16;
	[tilespmem:$0x6000] =	vst v63  }
0x2b: {  	_ =	swait.ge [sflag:s11], $0x2000;
	v33 =	vshll.u32 v32, $0x7  }
0x2c: {  	[sflag:s11] =	ssyncset.done $0x0;
	v16 =	vor.u32 v0, v33  }
0x2d: {  	[sflag:s11] =	ssyncadd.s32 $0xFFFFE000  }
0x2e: {  	v18 =	vor.u32 v1, v30;
	v17 =	vld.idx.msk [tilespmem:v17+s4+$0x0], $0xffff  }
0x2f: {  	v19 =	vor.u32 v2, v26;
	_ =	sdelay $0x1  }
0x30: {  	s23 =	simm.s32 $0x2;
	v20 =	vor.u32 v1, v32;
	v16 =	vld.idx.msk [tilespmem:v16+s4+$0x0], $0xffff  }
0x31: {  	s24 =	sand.u32 $0xE, s23;
	v21 =	vor.u32 v2, v33  }
0x32: {  	[tilespmem:v18+s12+$0x0] =	vst.idx.msk $0xffff, v17;
	v17 =	vadd.s32 s24, v0  }
0x33: {  	v22 =	vor.u32 v3, v30;
	s16 =	sand.u32 $0x30, s23;
	v19 =	vld.idx.msk [tilespmem:v19+s4+$0x0], $0xffff;
	v17 =	vand.u32 $0xF, v17  }
0x34: {  	s17 =	sor.u32 $0x1, s24;
	v23 =	vor.u32 v4, v26;
	v17 =	vor.u32 s16, v17  }
0x35: {  	[tilespmem:v20+s12+$0x0] =	vst.idx.msk $0xffff, v16;
	v16 =	vadd.s32 s17, v0;
	v18 =	vshll.u32 v17, $0x7  }
0x36: {  	v25 =	vor.u32 v3, v32;
	v21 =	vld.idx.msk [tilespmem:v21+s4+$0x0], $0xffff;
	v16 =	vand.u32 $0xF, v16;
	v24 =	vor.u32 v0, v18  }
0x37: {  	v16 =	vor.u32 s16, v16  }
0x38: {  	v27 =	vor.u32 v4, v33;
	v20 =	vshll.u32 v16, $0x7;
	[tilespmem:v22+s12+$0x0] =	vst.idx.msk $0xffff, v19  }
0x39: {  	v22 =	vor.u32 v5, v30;
	v28 =	vor.u32 v0, v20;
	v19 =	vld.idx.msk [tilespmem:v23+s4+$0x0], $0xffff  }
0x3a: {  	v23 =	vor.u32 v6, v26  }
0x3b: {  	[tilespmem:v25+s12+$0x0] =	vst.idx.msk $0xffff, v21;
	v21 =	vor.u32 v1, v17;
	v24 =	vld.idx.msk [tilespmem:v24+s4+$0x0], $0xffff  }
0x3c: {  	v25 =	vor.u32 v2, v18  }
0x3d: {  	v29 =	vor.u32 v5, v32;
	v27 =	vld.idx.msk [tilespmem:v27+s4+$0x0], $0xffff  }
0x3e: {  	s25 =	simm.s32 $0x4;
	v31 =	vor.u32 v6, v33;
	v35 =	vor.u32 v1, v16;
	v28 =	vld.idx.msk [tilespmem:v28+s4+$0x0], $0xffff;
	[tilespmem:v22+s12+$0x0] =	vst.idx.msk $0xffff, v19  }
0x3f: {  	s26 =	sand.u32 $0xE, s25;
	v36 =	vor.u32 v7, v30;
	v55 =	vor.u32 v11, v30;
	v23 =	vld.idx.msk [tilespmem:v23+s4+$0x0], $0xffff  }
0x40: {  	s28 =	sor.u32 $0x1, s26;
	v34 =	vor.u32 v8, v26;
	v37 =	vor.u32 v3, v17;
	[tilespmem:v21+s12+$0x0] =	vst.idx.msk $0xffff, v24  }
0x41: {  	v19 =	vadd.s32 s26, v0;
	v24 =	vor.u32 v2, v20;
	v21 =	vadd.s32 s28, v0;
	v25 =	vld.idx.msk [tilespmem:v25+s4+$0x0], $0xffff  }
0x42: {  	s16 =	sand.u32 $0x30, s25;
	v22 =	vand.u32 $0xF, v19;
	[tilespmem:v29+s12+$0x0] =	vst.idx.msk $0xffff, v27;
	v27 =	vor.u32 v4, v18;
	v19 =	vand.u32 $0xF, v21  }
0x43: {  	v29 =	vld.idx.msk [tilespmem:v31+s4+$0x0], $0xffff;
	v31 =	vor.u32 v7, v32;
	v19 =	vor.u32 s16, v19;
	[tilespmem:v35+s12+$0x0] =	vst.idx.msk $0xffff, v28  }
0x44: {  	v38 =	vor.u32 v8, v33;
	v21 =	vor.u32 s16, v22;
	v22 =	vshll.u32 v19, $0x7;
	[tilespmem:v36+s12+$0x0] =	vst.idx.msk $0xffff, v23  }
0x45: {  	v28 =	vor.u32 v9, v30;
	v23 =	vshll.u32 v21, $0x7;
	v50 =	vor.u32 v0, v22;
	v34 =	vld.idx.msk [tilespmem:v34+s4+$0x0], $0xffff  }
0x46: {  	v52 =	vor.u32 v3, v16;
	v51 =	vor.u32 v0, v23;
	[tilespmem:v37+s12+$0x0] =	vst.idx.msk $0xffff, v25;
	v25 =	vld.idx.msk [tilespmem:v24+s4+$0x0], $0xffff  }
0x47: {  	v40 =	vor.u32 v10, v26;
	v46 =	vor.u32 v12, v26;
	v39 =	vor.u32 v5, v17;
	v27 =	vld.idx.msk [tilespmem:v27+s4+$0x0], $0xffff  }
0x48: {  	v41 =	vor.u32 v9, v32;
	[tilespmem:v31+s12+$0x0] =	vst.idx.msk $0xffff, v29;
	v31 =	vor.u32 v4, v20  }
0x49: {  	v53 =	vor.u32 v10, v33;
	v60 =	vor.u32 v12, v33;
	v43 =	vor.u32 v6, v18;
	v38 =	vld.idx.msk [tilespmem:v38+s4+$0x0], $0xffff  }
0x4a: {  	v58 =	vor.u32 v7, v17;
	v44 =	vor.u32 v1, v19;
	v36 =	vld.idx.msk [tilespmem:v50+s4+$0x0], $0xffff;
	[tilespmem:v28+s12+$0x0] =	vst.idx.msk $0xffff, v34  }
0x4b: {  	v42 =	vor.u32 v8, v18;
	v45 =	vor.u32 v1, v21;
	v35 =	vld.idx.msk [tilespmem:v51+s4+$0x0], $0xffff;
	[tilespmem:v52+s12+$0x0] =	vst.idx.msk $0xffff, v25  }
0x4c: {  	v56 =	vor.u32 v5, v16;
	v54 =	vor.u32 v2, v23;
	[tilespmem:v39+s12+$0x0] =	vst.idx.msk $0xffff, v27;
	v27 =	vld.idx.msk [tilespmem:v40+s4+$0x0], $0xffff  }
0x4d: {  	v62 =	vor.u32 v7, v16;
	v59 =	vor.u32 v6, v20;
	v61 =	vor.u32 v3, v21;
	v31 =	vld.idx.msk [tilespmem:v31+s4+$0x0], $0xffff  }
0x4e: {  	s16 =	simm.s32 $0x6;
	v47 =	vor.u32 v2, v22;
	v29 =	vor.u32 v11, v32;
	[tilespmem:v41+s12+$0x0] =	vst.idx.msk $0xffff, v38;
	v57 =	vld.idx.msk [tilespmem:v43+s4+$0x0], $0xffff  }
0x4f: {  	s29 =	sand.u32 $0xE, s16;
	v24 =	vor.u32 v11, v16;
	v28 =	vor.u32 v8, v23;
	v34 =	vld.idx.msk [tilespmem:v53+s4+$0x0], $0xffff;
	[tilespmem:v44+s12+$0x0] =	vst.idx.msk $0xffff, v36  }
0x50: {  	s30 =	sor.u32 $0x1, s29;
	v51 =	vor.u32 v15, v30;
	v53 =	vor.u32 v4, v23;
	[tilespmem:v45+s12+$0x0] =	vst.idx.msk $0xffff, v35  }
0x51: {  	v44 =	vor.u32 v14, v26;
	v26 =	vadd.s32 s30, v0;
	v37 =	vld.idx.msk [tilespmem:v54+s4+$0x0], $0xffff;
	[tilespmem:v55+s12+$0x0] =	vst.idx.msk $0xffff, v27  }
0x52: {  	s31 =	sand.u32 $0x30, s16;
	v35 =	vor.u32 v13, v30;
	v26 =	vand.u32 $0xF, v26;
	[tilespmem:v56+s12+$0x0] =	vst.idx.msk $0xffff, v31;
	v52 =	vld.idx.msk [tilespmem:v46+s4+$0x0], $0xffff  }
0x53: {  	v43 =	vor.u32 v13, v32;
	v31 =	vadd.s32 s29, v0;
	v27 =	vor.u32 s31, v26;
	[tilespmem:v58+s12+$0x0] =	vst.idx.msk $0xffff, v57;
	v54 =	vld.idx.msk [tilespmem:v59+s4+$0x0], $0xffff  }
0x54: {  	v55 =	vor.u32 v8, v20;
	v26 =	vand.u32 $0xF, v31;
	[tilespmem:v29+s12+$0x0] =	vst.idx.msk $0xffff, v34;
	v29 =	vshll.u32 v27, $0x7;
	v63 =	vld.idx.msk [tilespmem:v42+s4+$0x0], $0xffff  }
0x55: {  	v56 =	vor.u32 v9, v17;
	v26 =	vor.u32 s31, v26;
	v45 =	vld.idx.msk [tilespmem:v60+s4+$0x0], $0xffff;
	v48 =	vor.u32 v0, v29  }
0x56: {  	v57 =	vor.u32 v14, v33;
	v31 =	vshll.u32 v26, $0x7;
	[tilespmem:v61+s12+$0x0] =	vst.idx.msk $0xffff, v37;
	v37 =	vld.idx.msk [tilespmem:v47+s4+$0x0], $0xffff  }
0x57: {  	v59 =	vor.u32 v3, v19;
	v58 =	vor.u32 v0, v31;
	v49 =	vld.idx.msk [tilespmem:v53+s4+$0x0], $0xffff;
	[tilespmem:v35+s12+$0x0] =	vst.idx.msk $0xffff, v52  }
0x58: {  	v60 =	vor.u32 v5, v21;
	v61 =	vor.u32 v10, v18;
	[tilespmem:v62+s12+$0x0] =	vst.idx.msk $0xffff, v54;
	v44 =	vld.idx.msk [tilespmem:v44+s4+$0x0], $0xffff  }
0x59: {  	v25 =	vor.u32 v11, v19;
	v39 =	vor.u32 v15, v32;
	v62 =	vor.u32 v4, v22;
	v50 =	vld.idx.msk [tilespmem:v55+s4+$0x0], $0xffff  }
0x5a: {  	v53 =	vor.u32 v9, v16;
	v52 =	vor.u32 v6, v23;
	v48 =	vld.idx.msk [tilespmem:v48+s4+$0x0], $0xffff;
	[tilespmem:v43+s12+$0x0] =	vst.idx.msk $0xffff, v45  }
0x5b: {  	v54 =	vor.u32 v10, v20;
	[tilespmem:v56+s12+$0x0] =	vst.idx.msk $0xffff, v63;
	v63 =	vor.u32 v1, v27;
	v38 =	vld.idx.msk [tilespmem:v57+s4+$0x0], $0xffff  }
0x5c: {  	v32 =	vor.u32 v13, v16;
	v36 =	vor.u32 v11, v17;
	v43 =	vld.idx.msk [tilespmem:v58+s4+$0x0], $0xffff;
	[tilespmem:v59+s12+$0x0] =	vst.idx.msk $0xffff, v37  }
0x5d: {  	v30 =	vor.u32 v11, v27;
	v42 =	vor.u32 v7, v21;
	v34 =	vld.idx.msk [tilespmem:v61+s4+$0x0], $0xffff;
	[tilespmem:v60+s12+$0x0] =	vst.idx.msk $0xffff, v49  }
0x5e: {  	v46 =	vor.u32 v1, v26;
	v33 =	vor.u32 v8, v31;
	v41 =	vld.idx.msk [tilespmem:v62+s4+$0x0], $0xffff;
	[tilespmem:v51+s12+$0x0] =	vst.idx.msk $0xffff, v44  }
0x5f: {  	v47 =	vor.u32 v2, v31;
	v45 =	vor.u32 v6, v22;
	v40 =	vld.idx.msk [tilespmem:v52+s4+$0x0], $0xffff;
	[tilespmem:v53+s12+$0x0] =	vst.idx.msk $0xffff, v50  }
0x60: {  	v37 =	vor.u32 v12, v18;
	v44 =	vor.u32 v5, v19;
	[tilespmem:v63+s12+$0x0] =	vst.idx.msk $0xffff, v48;
	v35 =	vld.idx.msk [tilespmem:v54+s4+$0x0], $0xffff  }
.LBB2_4:
0x61: {  	v48 =	vor.u32 v13, v17;
	v49 =	vor.u32 v14, v18  }
0x62: {  	s16 =	sadd.s32 $0x2, s16;
	[tilespmem:v39+s12+$0x0] =	vst.idx.msk $0xffff, v38;
	v50 =	vmovc v19;
	v19 =	vmovc v27;
	v18 =	vmov v23;
	v23 =	vmov v31;
	v38 =	vmov v29  }
0x63: {  	v39 =	vor.u32 v9, v21;
	s17 =	sand.u32 $0xE, s16;
	p0 =	slt.u32 s16, $0x3E;
	[tilespmem:v46+s12+$0x0] =	vst.idx.msk $0xffff, v43;
	v43 =	vor.u32 v12, v20  }
0x64: {  	v27 =	vadd.s32 s17, v0;
	s17 =	sor.u32 $0x1, s17;
	v46 =	vld.idx.msk [tilespmem:v47+s4+$0x0], $0xffff;
	v47 =	vor.u32 v2, v38;
	[tilespmem:v36+s12+$0x0] =	vst.idx.msk $0xffff, v34  }
0x65: {  	v34 =	vor.u32 v3, v26;
	v29 =	vadd.s32 s17, v0;
	[tilespmem:v44+s12+$0x0] =	vst.idx.msk $0xffff, v41;
	v36 =	vld.idx.msk [tilespmem:v37+s4+$0x0], $0xffff  }
0x66: {  	s17 =	sand.u32 $0x30, s16;
	v27 =	vand.u32 $0xF, v27;
	v37 =	vor.u32 v4, v23;
	v29 =	vand.u32 $0xF, v29;
	[tilespmem:v42+s12+$0x0] =	vst.idx.msk $0xffff, v40;
	v40 =	vld.idx.msk [tilespmem:v45+s4+$0x0], $0xffff  }
0x67: {  	v44 =	vor.u32 v7, v50;
	v41 =	vor.u32 s17, v27;
	v27 =	vor.u32 s17, v29;
	v42 =	vld.idx.msk [tilespmem:v28+s4+$0x0], $0xffff;
	[tilespmem:v24+s12+$0x0] =	vst.idx.msk $0xffff, v35  }
0x68: {  	v31 =	vshll.u32 v41, $0x7;
	v35 =	vor.u32 v8, v22;
	v28 =	vmovc v33;
	v24 =	vmovc v25;
	v29 =	vshll.u32 v27, $0x7;
	v43 =	vld.idx.msk [tilespmem:v43+s4+$0x0], $0xffff  }
0x69: {  	v25 =	vmovc v30;
	v45 =	vor.u32 v0, v31;
	v33 =	vor.u32 v8, v31;
	v51 =	vor.u32 v0, v29  }
0x6a: {  	v30 =	vor.u32 v11, v27;
	[tilespmem:v34+s12+$0x0] =	vst.idx.msk $0xffff, v46;
	v34 =	vld.idx.msk [tilespmem:v47+s4+$0x0], $0xffff;
	v46 =	vor.u32 v14, v20  }
0x6b: {  	v47 =	vor.u32 v3, v19;
	v20 =	vmov v22;
	v22 =	vmov v38;
	v37 =	vld.idx.msk [tilespmem:v37+s4+$0x0], $0xffff;
	[tilespmem:v48+s12+$0x0] =	vst.idx.msk $0xffff, v36  }
0x6c: {  	v36 =	vor.u32 v5, v26;
	v48 =	vor.u32 v10, v18;
	[tilespmem:v44+s12+$0x0] =	vst.idx.msk $0xffff, v40;
	v40 =	vld.idx.msk [tilespmem:v49+s4+$0x0], $0xffff  }
0x6d: {  	v44 =	vor.u32 v4, v22;
	[tilespmem:v39+s12+$0x0] =	vst.idx.msk $0xffff, v42;
	v35 =	vld.idx.msk [tilespmem:v35+s4+$0x0], $0xffff;
	v42 =	vor.u32 v15, v17  }
0x6e: {  	v52 =	vor.u32 v9, v50;
	v49 =	vld.idx.msk [tilespmem:v51+s4+$0x0], $0xffff;
	v51 =	vor.u32 v6, v23;
	[tilespmem:v32+s12+$0x0] =	vst.idx.msk $0xffff, v43  }
0x6f: {  	v53 =	vor.u32 v1, v27;
	v54 =	vor.u32 v10, v20;
	v17 =	vmovc v21;
	v21 =	vmov v26;
	v38 =	vld.idx.msk [tilespmem:v46+s4+$0x0], $0xffff  }
.Ltmp5:
0x70: {  	v39 =	vor.u32 v15, v16;
	v26 =	vmov v41;
	v16 =	vmov v50;
	v43 =	vld.idx.msk [tilespmem:v45+s4+$0x0], $0xffff;
	[tilespmem:v47+s12+$0x0] =	vst.idx.msk $0xffff, v34;
	(pc) =	sbr.rel @p0 .LBB2_4-.Ltmp5, $4  }
0x71: {  	v32 =	vor.u32 v13, v16;
	v46 =	vor.u32 v1, v26;
	[tilespmem:v36+s12+$0x0] =	vst.idx.msk $0xffff, v37;
	v34 =	vld.idx.msk [tilespmem:v48+s4+$0x0], $0xffff  }
0x72: {  	v47 =	vor.u32 v2, v31;
	v36 =	vor.u32 v11, v17;
	v41 =	vld.idx.msk [tilespmem:v44+s4+$0x0], $0xffff;
	[tilespmem:v42+s12+$0x0] =	vst.idx.msk $0xffff, v40  }
0x73: {  	v37 =	vor.u32 v12, v18;
	v44 =	vor.u32 v5, v19;
	v40 =	vld.idx.msk [tilespmem:v51+s4+$0x0], $0xffff;
	[tilespmem:v52+s12+$0x0] =	vst.idx.msk $0xffff, v35  }
0x74: {  	v45 =	vor.u32 v6, v22;
	v42 =	vor.u32 v7, v21;
	[tilespmem:v53+s12+$0x0] =	vst.idx.msk $0xffff, v49;
	v35 =	vld.idx.msk [tilespmem:v54+s4+$0x0], $0xffff  }
0x75: {  	_ = 	snop  }
0x76: {  	v48 =	vor.u32 v2, v29;
	_ =	sdelay $0x2  }
0x77: {  	[tilespmem:v46+s12+$0x0] =	vst.idx.msk $0xffff, v43  }
0x78: {  	v59 =	vor.u32 v3, v26;
	v43 =	vld.idx.msk [tilespmem:v47+s4+$0x0], $0xffff  }
0x79: {  	v60 =	vor.u32 v4, v31;
	v49 =	vor.u32 v3, v27;
	v48 =	vld.idx.msk [tilespmem:v48+s4+$0x0], $0xffff  }
0x7a: {  	v50 =	vor.u32 v4, v29;
	_ =	sdelay $0x2  }
0x7b: {  	[tilespmem:v59+s12+$0x0] =	vst.idx.msk $0xffff, v43  }
0x7c: {  	v61 =	vor.u32 v5, v26;
	v43 =	vld.idx.msk [tilespmem:v60+s4+$0x0], $0xffff;
	[tilespmem:v49+s12+$0x0] =	vst.idx.msk $0xffff, v48  }
0x7d: {  	v62 =	vor.u32 v6, v31;
	v63 =	vor.u32 v5, v27;
	v48 =	vld.idx.msk [tilespmem:v50+s4+$0x0], $0xffff  }
0x7e: {  	v52 =	vor.u32 v6, v29  }
0x7f: {  	[tilespmem:v44+s12+$0x0] =	vst.idx.msk $0xffff, v41  }
0x80: {  	v53 =	vor.u32 v7, v19;
	v41 =	vld.idx.msk [tilespmem:v45+s4+$0x0], $0xffff  }
0x81: {  	v54 =	vor.u32 v8, v22;
	[tilespmem:v61+s12+$0x0] =	vst.idx.msk $0xffff, v43  }
0x82: {  	v56 =	vor.u32 v7, v26;
	v55 =	vld.idx.msk [tilespmem:v62+s4+$0x0], $0xffff;
	[tilespmem:v63+s12+$0x0] =	vst.idx.msk $0xffff, v48  }
0x83: {  	v58 =	vor.u32 v7, v27;
	v57 =	vld.idx.msk [tilespmem:v52+s4+$0x0], $0xffff  }
0x84: {  	v59 =	vor.u32 v8, v29  }
0x85: {  	[tilespmem:v53+s12+$0x0] =	vst.idx.msk $0xffff, v41  }
0x86: {  	[tilespmem:v42+s12+$0x0] =	vst.idx.msk $0xffff, v40;
	v62 =	vld.idx.msk [tilespmem:v54+s4+$0x0], $0xffff;
	v63 =	vor.u32 v9, v19  }
0x87: {  	v28 =	vld.idx.msk [tilespmem:v28+s4+$0x0], $0xffff;
	v60 =	vor.u32 v9, v21;
	v52 =	vor.u32 v10, v22;
	[tilespmem:v56+s12+$0x0] =	vst.idx.msk $0xffff, v55  }
0x88: {  	v53 =	vor.u32 v9, v26;
	v61 =	vor.u32 v10, v23;
	v33 =	vld.idx.msk [tilespmem:v33+s4+$0x0], $0xffff;
	[tilespmem:v58+s12+$0x0] =	vst.idx.msk $0xffff, v57  }
0x89: {  	v54 =	vor.u32 v10, v31;
	v55 =	vor.u32 v9, v27;
	v47 =	vld.idx.msk [tilespmem:v59+s4+$0x0], $0xffff  }
0x8a: {  	[tilespmem:v39+s12+$0x0] =	vst.idx.msk $0xffff, v38;
	v56 =	vor.u32 v10, v29  }
0x8b: {  	[tilespmem:v63+s12+$0x0] =	vst.idx.msk $0xffff, v62  }
0x8c: {  	[tilespmem:v60+s12+$0x0] =	vst.idx.msk $0xffff, v28;
	v57 =	vor.u32 v12, v20;
	v42 =	vld.idx.msk [tilespmem:v52+s4+$0x0], $0xffff  }
0x8d: {  	v58 =	vld.idx.msk [tilespmem:v61+s4+$0x0], $0xffff;
	v61 =	vor.u32 v12, v22;
	v59 =	vor.u32 v11, v21;
	[tilespmem:v53+s12+$0x0] =	vst.idx.msk $0xffff, v33  }
0x8e: {  	v60 =	vor.u32 v12, v23;
	v63 =	vor.u32 v11, v26;
	v62 =	vld.idx.msk [tilespmem:v54+s4+$0x0], $0xffff;
	[tilespmem:v55+s12+$0x0] =	vst.idx.msk $0xffff, v47  }
0x8f: {  	v46 =	vor.u32 v12, v31;
	[tilespmem:v36+s12+$0x0] =	vst.idx.msk $0xffff, v34;
	v47 =	vld.idx.msk [tilespmem:v56+s4+$0x0], $0xffff  }
0x90: {  	v37 =	vld.idx.msk [tilespmem:v37+s4+$0x0], $0xffff;
	[tilespmem:v24+s12+$0x0] =	vst.idx.msk $0xffff, v35;
	v49 =	vor.u32 v12, v29;
	v48 =	vor.u32 v13, v17  }
0x91: {  	v18 =	vor.u32 v14, v18;
	v28 =	vld.idx.msk [tilespmem:v57+s4+$0x0], $0xffff;
	[tilespmem:v25+s12+$0x0] =	vst.idx.msk $0xffff, v42  }
0x92: {  	v50 =	vor.u32 v14, v20;
	v52 =	vor.u32 v13, v19;
	[tilespmem:v59+s12+$0x0] =	vst.idx.msk $0xffff, v58;
	v33 =	vld.idx.msk [tilespmem:v61+s4+$0x0], $0xffff  }
0x93: {  	v51 =	vor.u32 v13, v21;
	v54 =	vor.u32 v14, v22;
	v39 =	vld.idx.msk [tilespmem:v60+s4+$0x0], $0xffff;
	[tilespmem:v63+s12+$0x0] =	vst.idx.msk $0xffff, v62  }
0x94: {  	v53 =	vor.u32 v14, v23;
	v55 =	vor.u32 v13, v26;
	v34 =	vld.idx.msk [tilespmem:v46+s4+$0x0], $0xffff;
	[tilespmem:v30+s12+$0x0] =	vst.idx.msk $0xffff, v47  }
0x95: {  	[tilespmem:v48+s12+$0x0] =	vst.idx.msk $0xffff, v37;
	v57 =	vor.u32 v14, v31;
	v56 =	vor.u32 v13, v27;
	v24 =	vld.idx.msk [tilespmem:v49+s4+$0x0], $0xffff  }
0x96: {  	v17 =	vor.u32 v15, v17;
	v18 =	vld.idx.msk [tilespmem:v18+s4+$0x0], $0xffff;
	v58 =	vor.u32 v14, v29;
	[tilespmem:v32+s12+$0x0] =	vst.idx.msk $0xffff, v28  }
0x97: {  	v16 =	vor.u32 v15, v16;
	v20 =	vld.idx.msk [tilespmem:v50+s4+$0x0], $0xffff;
	[tilespmem:v52+s12+$0x0] =	vst.idx.msk $0xffff, v33  }
0x98: {  	v60 =	vor.u32 v15, v19;
	[tilespmem:v51+s12+$0x0] =	vst.idx.msk $0xffff, v39;
	v22 =	vld.idx.msk [tilespmem:v54+s4+$0x0], $0xffff  }
0x99: {  	v59 =	vor.u32 v15, v21;
	v23 =	vld.idx.msk [tilespmem:v53+s4+$0x0], $0xffff;
	[tilespmem:v55+s12+$0x0] =	vst.idx.msk $0xffff, v34  }
0x9a: {  	v62 =	vor.u32 v15, v26;
	v61 =	vld.idx.msk [tilespmem:v57+s4+$0x0], $0xffff;
	[tilespmem:v56+s12+$0x0] =	vst.idx.msk $0xffff, v24  }
0x9b: {  	[tilespmem:v17+s12+$0x0] =	vst.idx.msk $0xffff, v18;
	v63 =	vor.u32 v15, v27;
	v17 =	vld.idx.msk [tilespmem:v58+s4+$0x0], $0xffff  }
0x9c: {  	[tilespmem:v16+s12+$0x0] =	vst.idx.msk $0xffff, v20  }
0x9d: {  	[tilespmem:v60+s12+$0x0] =	vst.idx.msk $0xffff, v22  }
0x9e: {  	[tilespmem:v59+s12+$0x0] =	vst.idx.msk $0xffff, v23  }
0x9f: {  	s16 =	sshll.u32 s15, $0xB;
	[tilespmem:v62+s12+$0x0] =	vst.idx.msk $0xffff, v61  }
.Ltmp6:
0xa0: {  	s16 =	sadd.s32 s5, s16;
	[tilespmem:v63+s12+$0x0] =	vst.idx.msk $0xffff, v17;
	(pc) =	sbr.rel .LBB2_6-.Ltmp6, $4  }
0xa1: {  	[hbm4b:s16+s4] =	stream.linear.scatter [tilespmem:s12], [sflag:$0x2], $0x4000, $0x38;
	[tilespmem:$0x6000] =	vst v63  }
0xa2: {  	_ =	swait.ge [sflag:s11], $0x4000  }
0xa3: {  	[sflag:s11] =	ssyncset.done $0x0  }
0xa4: {  	[sflag:s11] =	ssyncadd.s32 $0xFFFFC000  }
.LBB2_8:
0xa5: {  	_ =	sfence.sel $0x180000  }
0xa6: {  	[bflag:$0x0] =	sbarrier.arrive $0xFFFF  }
0xa7: {  	p0 =	sne.s32 s3, $0x0;
	_ =	strace $0x90000047  }
0xa8: {  	s0 =	sadd.s32 @!p0 $0x100000, s0;
	[bflag:$0x2] =	sbarrier.arrive $0xFFFF  }
0xa9: {  	[sflag:s0] =	ssyncadd.tile.s32 @!p0 $0x1;
	_ =	shalt  }
.Lfunc_end2:
_tile_overlayer_lowered:
.L_overlay_start_2:
0xaa: {  	(tag) =	ssettag $0x2  }
0xab: {  	s0 =	rddreg [dreg:$0x0];
	s2 =	stileid.u32  }
0xac: {  	s1 =	rddreg [dreg:$0x1];
	p0 =	sne.s32 s2, $0x0  }
0xad: {  	s3 =	rddreg [dreg:$0x2];
	[bflag:$0x3] =	sbarrier.arrive $0xFFFF;
	s2 =	simm.s32 @!p0 $0x1C01  }
0xae: {  	[timem:s3], [sflag:s2] =	dma.local @!p0 [hbm:s0], s1  }
0xaf: {  	s0 =	simm.s32 @!p0 $0x1  }
0xb0: {  	_ =	swait.ge @!p0 [sflag:s0], s1  }
0xb1: {  	s1 =	ssub.s32 @!p0 $0x0, s1;
	[sflag:s0] =	ssyncset.done @!p0 $0x0  }
0xb2: {  	[sflag:s0] =	ssyncadd.s32 @!p0 s1  }
0xb3: {  	[bflag:$0x3] =	sbarrier.arrive $0xFFFF  }
0xb4: {  	_ =	shalt  }

// kernel: _embed.7.cloned.1.call-start
scs
__scs_entry_jumppad:
0x0: {  	(pc) =	sbr.rel $0x88, $3  }
0x1: {  	(tag) =	ssettag $0x0;
	lr =	simm.s32 $0x1  }
0x2: {  	[smem:$0x3F9D] =	sst lr;
	_ =	strace $0xD0000000  }
0x3: {  	_ = 	snop  }
0x4: {  	_ = 	snop  }
0x5: {  	_ = 	snop  }
0x6: {  	_ = 	snop  }
0x7: {  	_ = 	snop  }
__scs_overlays_trampoline_lowered:
0x8: {  	[smem:$0x3FAC] =	sst s0  }
0x9: {  	[smem:$0x3FAD] =	sst s1  }
0xa: {  	[smem:$0x3FAE] =	sst s2  }
0xb: {  	[smem:$0x3FAF] =	sst s3  }
0xc: {  	[smem:$0x3FB0] =	sst s4  }
0xd: {  	[smem:$0x3FB1] =	sst s5  }
0xe: {  	[smem:$0x3FB2] =	sst s6  }
0xf: {  	[smem:$0x3FB3] =	sst s7  }
0x10: {  	[smem:$0x3FB4] =	sst s8  }
0x11: {  	[smem:$0x3FB5] =	sst s9;
	s0 =	simm.s32 @!p0 $0x0  }
0x12: {  	s1 =	sld [smem:$0x3F9B];
	s0 =	simm.s32 @p0 $0x1  }
0x13: {  	[smem:$0x3FB6] =	sst s0;
	s0 =	simm.s32 @!p1 $0x0  }
0x14: {  	s2 =	sld [smem:$0x3F9A];
	s0 =	simm.s32 @p1 $0x1  }
0x15: {  	[smem:$0x3FB7] =	sst s0;
	s0 =	simm.s32 @!p2 $0x0  }
0x16: {  	s3 =	sld [smem:$0x3FDB];
	s0 =	simm.s32 @p2 $0x1  }
0x17: {  	s4 =	simm.s32 $0x1BF5;
	[smem:$0x3FB9] =	sst s0  }
0x18: {  	s0 =	sld [smem:$0x3F9C];
	_ =	swait.ge [sflag:s4], $0x0  }
0x19: {  	s7 =	sld [smem:$0x3F9D]  }
0x1a: {  	s8 =	sadd.s32 $0xFFFFE003, lr  }
0x1b: {  	s9 =	sadd.s32 $0xFFFFFEF7, lr;
	s5 =	simm.s32 $0xFFFFFFFF;
	p2 =	slt.u32 s8, $0xFFFFF086  }
0x1c: {  	p1 =	slt.u32 s9, $0xF7A;
	s5 =	simm.s32 @!p2 $0x0  }
0x1d: {  	s5 =	simm.s32 @p1 $0x1;
	p0 =	seq.s32 s7, s2  }
0x1e: {  	s7 =	smul.u32 @!p0 $0xF7A, s2;
	p2 =	seq.s32 @!p0 s5, $0x0  }
0x1f: {  	s9 =	smul.u32 $0xF7A, s1;
	s8 =	simm.s32 @!p0 $0x1BF5;
	p2 =	por !p2, p0  }
0x20: {  	[sflag:s8] =	ssyncset.s32 @!p0 $0xFFFFF086;
	s6 =	sadd.s32 @!p0 s3, s7;
	s7 =	simm.s32 @!p0 $0x108  }
0x21: {  	s3 =	sadd.s32 s3, s9;
	s6 =	sadd.s32 @!p0 $0x88, s6;
	s7 =	simm.s32 @p2 $0x1082  }
0x22: {  	[simem:s7], [sflag:s8] =	dma.local @!p0 [hbm:s6], $0xF7A  }
0x23: {  	s9 =	sor.u32 $0xD0000000, s2;
	s6 =	simm.s32 $0x108;
	_ =	swait.ge @!p0 [sflag:s8], $0x0  }
0x24: {  	s3 =	sadd.s32 $0x88, s3;
	s6 =	simm.s32 @!p1 $0x1082;
	[sflag:s4] =	ssyncset.s32 $0xFFFFF086  }
0x25: {  	[simem:s6], [sflag:s4] =	dma.local [hbm:s3], $0xF7A  }
0x26: {  	[smem:$0x3F9D] =	sst s1;
	(tag) =	ssettag s2;
	_ =	strace s9  }
0x27: {  	s1 =	sld [smem:$0x3FAD]  }
0x28: {  	s2 =	sld [smem:$0x3FAE]  }
0x29: {  	s4 =	sld [smem:$0x3FB0]  }
0x2a: {  	p0 =	seq.s32 s5, $0x0;
	s5 =	sld [smem:$0x3FB1]  }
0x2b: {  	s6 =	sld [smem:$0x3FB2]  }
0x2c: {  	s7 =	sld [smem:$0x3FB3]  }
0x2d: {  	s3 =	simm.s32 $0x108;
	s8 =	sld [smem:$0x3FB4]  }
0x2e: {  	s3 =	simm.s32 @!p0 $0x1082;
	s9 =	sld [smem:$0x3FB5]  }
0x2f: {  	lr =	sadd.s32 s0, s3;
	s0 =	sld [smem:$0x3FAC]  }
0x30: {  	s3 =	sld [smem:$0x3FAF]  }
0x31: {  	[smem:$0x3FB8] =	sst s10  }
0x32: {  	s10 =	sld [smem:$0x3FB6];
	_ =	sdelay $0x3  }
0x33: {  	p0 =	seq.s32 s10, $0x1;
	s10 =	sld [smem:$0x3FB8];
	_ =	sdelay $0x3  }
0x34: {  	[smem:$0x3FB8] =	sst s10  }
0x35: {  	s10 =	sld [smem:$0x3FB7];
	_ =	sdelay $0x3  }
0x36: {  	p1 =	seq.s32 s10, $0x1;
	s10 =	sld [smem:$0x3FB8];
	_ =	sdelay $0x3  }
0x37: {  	[smem:$0x3FB8] =	sst s10  }
0x38: {  	s10 =	sld [smem:$0x3FB9]  }
0x39: {  	_ = 	snop;
	(pc) =	sbr.ind lr, $3  }
0x3a: {  	_ = 	snop  }
0x3b: {  	_ = 	snop  }
0x3c: {  	p2 =	seq.s32 s10, $0x1;
	s10 =	sld [smem:$0x3FB8]  }
0x3d: {  	_ =	shalt  }
0x3e: {  	_ =	shalt  }
0x3f: {  	_ =	shalt  }
0x40: {  	_ =	shalt  }
0x41: {  	_ =	shalt  }
0x42: {  	_ =	shalt  }
0x43: {  	_ =	shalt  }
0x44: {  	_ =	shalt  }
0x45: {  	_ =	shalt  }
0x46: {  	_ =	shalt  }
0x47: {  	_ =	shalt  }
0x48: {  	_ =	shalt  }
0x49: {  	_ =	shalt  }
0x4a: {  	_ =	shalt  }
0x4b: {  	_ =	shalt  }
0x4c: {  	_ =	shalt  }
0x4d: {  	_ =	shalt  }
0x4e: {  	_ =	shalt  }
0x4f: {  	_ =	shalt  }
0x50: {  	_ =	shalt  }
0x51: {  	_ =	shalt  }
0x52: {  	_ =	shalt  }
0x53: {  	_ =	shalt  }
0x54: {  	_ =	shalt  }
0x55: {  	_ =	shalt  }
0x56: {  	_ =	shalt  }
0x57: {  	_ =	shalt  }
0x58: {  	_ =	shalt  }
0x59: {  	_ =	shalt  }
0x5a: {  	_ =	shalt  }
0x5b: {  	_ =	shalt  }
0x5c: {  	_ =	shalt  }
0x5d: {  	_ =	shalt  }
0x5e: {  	_ =	shalt  }
0x5f: {  	_ =	shalt  }
0x60: {  	_ =	shalt  }
0x61: {  	_ =	shalt  }
0x62: {  	_ =	shalt  }
0x63: {  	_ =	shalt  }
0x64: {  	_ =	shalt  }
0x65: {  	_ =	shalt  }
0x66: {  	_ =	shalt  }
0x67: {  	_ =	shalt  }
0x68: {  	_ =	shalt  }
0x69: {  	_ =	shalt  }
0x6a: {  	_ =	shalt  }
0x6b: {  	_ =	shalt  }
0x6c: {  	_ =	shalt  }
0x6d: {  	_ =	shalt  }
0x6e: {  	_ =	shalt  }
0x6f: {  	_ =	shalt  }
0x70: {  	_ =	shalt  }
0x71: {  	_ =	shalt  }
0x72: {  	_ =	shalt  }
0x73: {  	_ =	shalt  }
0x74: {  	_ =	shalt  }
0x75: {  	_ =	shalt  }
0x76: {  	_ =	shalt  }
0x77: {  	_ =	shalt  }
0x78: {  	_ =	shalt  }
0x79: {  	_ =	shalt  }
0x7a: {  	_ =	shalt  }
0x7b: {  	_ =	shalt  }
0x7c: {  	_ =	shalt  }
0x7d: {  	_ =	shalt  }
0x7e: {  	_ =	shalt  }
0x7f: {  	_ =	shalt  }
0x80: {  	_ =	shalt  }
0x81: {  	_ =	shalt  }
0x82: {  	_ =	shalt  }
0x83: {  	_ =	shalt  }
0x84: {  	_ =	shalt  }
0x85: {  	_ =	shalt  }
0x86: {  	_ =	shalt  }
0x87: {  	_ =	shalt  }
.Lfunc_end0:
.L_simem_size_0:
called_computation.1_lowered:
.L_overlay_start_0:
0x88: {  	s2 =	sld [smem:$0x3FD9]  }
0x89: {  	s3 =	sld [smem:$0x3FFE];
	_ =	sdelay $0x1  }
0x8a: {  	s1 =	srdreg.scid  }
0x8b: {  	s0 =	sand.u32 $0x1, s1  }
0x8c: {  	s17 =	sshll.u32 s0, $0xA;
	s2 =	sadd.s32 s3, s2  }
0x8d: {  	s2 =	sadd.s32 s2, s17  }
0x8e: {  	[smem:$0x3FC4] =	sst s2  }
0x8f: {  	_ = 	snop  }
0x90: {  	s2 =	sld [smem:$0x3FC9]  }
0x91: {  	s18 =	sld [smem:$0x3FD0];
	(tm) =	ssettm $0x1  }
0x92: {  	s4 =	sld [smem:$0x3FFB];
	_ =	sdelay $0x3  }
0x93: {  	_ =	strace s4  }
0x94: {  	s4 =	sld [smem:$0x3FFC];
	_ =	sdelay $0x3  }
0x95: {  	_ =	strace s4  }
0x96: {  	s4 =	sld [smem:$0x3FFD];
	_ =	sdelay $0x3  }
0x97: {  	_ =	strace s4  }
0x98: {  	_ =	strace $0x8FFFFFFF  }
0x99: {  	s19 =	sld [smem:$0x3FDB];
	_ =	sdelay $0x1  }
0x9a: {  	s5 =	simm.s32 $_scs_section_size  }
0x9b: {  	s6 =	simm.s32 $_size__tile_overlayer_lowered;
	s7 =	simm.s32 $_tile_overlayer_lowered  }
0x9c: {  	s22 =	simm.s32 $0x1BFF;
	s21 =	sshll.u32 s7, $0x1;
	s4 =	sadd.s32 s5, s19  }
0x9d: {  	s8 =	simm.s32 $0x0;
	s20 =	sshll.u32 s6, $0x1;
	s6 =	sadd.s32 s21, s4  }
0x9e: {  	[timem:s8], [sflag:s22] =	dma.local [hbm:s6], s20  }
0x9f: {  	_ =	swait.ge [sflag:s22], s20  }
0xa0: {  	s5 =	ssub.s32 $0x0, s20;
	[sflag:s22] =	ssyncset.done $0x0  }
0xa1: {  	[sflag:s22] =	ssyncadd.s32 s5;
	_ =	sdelay $0x1  }
0xa2: {  	s23 =	simm.s32 $0x1B8B  }
0xa3: {  	_ =	swait.ge [sflag:s23], $0x1  }
0xa4: {  	[sflag:s23] =	ssyncset.done $0x0  }
0xa5: {  	s25 =	simm.s32 $0x1B8E;
	s24 =	sld [smem:$0x3FFE];
	[sflag:s23] =	ssyncadd.s32 $0xFFFFFFFF  }
0xa6: {  	s26 =	simm.s32 $execute0_lowered;
	[smem:$0x3FD2] =	sst s25  }
0xa7: {  	s6 =	sshll.u32 s26, $0x1;
	_ =	strace $0x80000049;
	[dreg:$0x1] =	wrdreg $0xFFFFFFFF  }
0xa8: {  	s28 =	simm.s32 $_size_execute0_lowered;
	s4 =	sadd.s32 s4, s6;
	[dreg:$0x0] =	wrdreg $0x0  }
0xa9: {  	s6 =	sshll.u32 s28, $0x1;
	[dreg:$0x2] =	wrdreg s4  }
0xaa: {  	[dreg:$0x3] =	wrdreg s6  }
0xab: {  	[dreg:$0x4] =	wrdreg $0xC0  }
0xac: {  	_ =	task [dreg:s8], $0x5FFFF  }
0xad: {  	[dreg:$0x1] =	wrdreg $0xFFFFFFFF  }
0xae: {  	[dreg:$0x0] =	wrdreg $0x60  }
0xaf: {  	[dreg:$0x2] =	wrdreg s2  }
0xb0: {  	[dreg:$0x3] =	wrdreg s24  }
0xb1: {  	[dreg:$0x4] =	wrdreg s18  }
0xb2: {  	[dreg:$0x5] =	wrdreg $0x9  }
0xb3: {  	_ =	task.clear_ibuf [dreg:s8], $0x6FFFF;
	_ =	strace $0x90000049  }
0xb4: {  	s29 =	simm.s32 $0x9;
	_ =	strace $0x8000004B  }
0xb5: {  	_ =	swait.ge [sflag:s29], $0x1  }
0xb6: {  	[sflag:s29] =	ssyncadd.s32 $0xFFFFFFFF  }
0xb7: {  	_ =	strace $0x9000004B  }
0xb8: {  	_ =	sfence  }
0xb9: {  	s30 =	sld [smem:$0x0];
	_ =	sdelay $0x2  }
0xba: {  	s31 =	sshll.u32 s1, $0xD;
	s1 =	sshrl.u32 s1, $0x2  }
0xbb: {  	s3 =	sand.u32 $0x4000, s31;
	s1 =	sadd.s32 s1, s30  }
0xbc: {  	s0 =	sor.u32 s3, s0;
	s1 =	sshll.u32 s1, $0x11  }
0xbd: {  	s0 =	sor.u32 s1, s0  }
0xbe: {  	s0 =	sadd.s32 $0x8F2B, s0  }
0xbf: {  	[sflag:s0] =	ssyncadd.remote.s32 $0x1  }
0xc0: {  	_ =	sfence.sel $0xFFFF  }
0xc1: {  	[dreg:$0x0] =	wrdreg $0xFFFFFFFF;
	(pc) =	sbr.abs _section_cstart, $3  }
0xc2: {  	[dreg:$0x1] =	wrdreg $0xFFFFFFFF  }
0xc3: {  	_ =	task.clear_ibuf [dreg:s8], $0x2FFFF;
	_ =	strace $0x9FFFFFFF  }
0xc4: {  	(tm) =	ssettm $0x7FFFFFFF  }
0xc5: {  	_ =	shalt  }
tec
execute0_lowered:
.L_overlay_start_1:
0x0: {  	(tag) =	ssettag $0x1  }
0x1: {  	s0 =	srdreg.scid;
	s3 =	stileid.u32;
	v7 =	vlaneseq.u32  }
0x2: {  	s1 =	rddreg [dreg:$0x0];
	s0 =	sand.u32 $0x1, s0;
	s4 =	sshll.u32 s3, $0x1;
	v1 =	vmul.u32 $0x80, v7  }
0x3: {  	s2 =	rddreg [dreg:$0x1];
	s6 =	sor.u32 s0, s4;
	s4 =	simm.s32 $0x0  }
0x4: {  	[smem:$0x7FF] =	sst s4;
	v0 =	vor.u32 $0x5000, v1  }
0x5: {  	s3 =	rddreg [dreg:$0x2];
	v57 =	vor.u32 $0x420, v7;
	_ =	strace $0x8000004A;
	[tilespmem:$0x1FE10] =	vst v0  }
0x6: {  	v58 =	vor.u32 $0x6000, v1;
	[tilespmem:$0x1FE20] =	vst v57  }
0x7: {  	v59 =	vor.u32 $0x440, v7;
	[tilespmem:$0x1FE30] =	vst v58  }
0x8: {  	v60 =	vor.u32 $0x6800, v1;
	[tilespmem:$0x1FE40] =	vst v59  }
0x9: {  	v61 =	vor.u32 $0x7800, v1;
	[tilespmem:$0x1FE50] =	vst v60  }
0xa: {  	v63 =	vor.u32 $0x470, v7;
	[tilespmem:$0x1FE60] =	vst v61  }
0xb: {  	v15 =	vor.u32 $0x2000, v1;
	[tilespmem:$0x1FE70] =	vst v63  }
0xc: {  	v29 =	vor.u32 $0x70, v7;
	[tilespmem:$0x1FE80] =	vst v15  }
0xd: {  	v11 =	vor.u32 $0x4000, v1;
	[tilespmem:$0x1FE90] =	vst v29  }
0xe: {  	v17 =	vor.u32 $0x400, v7;
	[tilespmem:$0x1FEA0] =	vst v11  }
0xf: {  	v13 =	vor.u32 $0x4800, v1;
	[tilespmem:$0x1FEB0] =	vst v17  }
0x10: {  	v24 =	vor.u32 $0x410, v7;
	[tilespmem:$0x1FEC0] =	vst v13  }
0x11: {  	v22 =	vor.u32 $0x7000, v1;
	[tilespmem:$0x1FED0] =	vst v24  }
0x12: {  	v25 =	vor.u32 $0x460, v7;
	[tilespmem:$0x1FEE0] =	vst v22  }
0x13: {  	v8 =	vor.u32 $0x20, v7;
	[tilespmem:$0x1FEF0] =	vst v25  }
0x14: {  	v10 =	vor.u32 $0x1800, v1;
	[tilespmem:$0x1FF00] =	vst v8  }
0x15: {  	s12 =	simm.s32 $0x6400;
	v21 =	vor.u32 $0x30, v7;
	[tilespmem:$0x1FF10] =	vst v10  }
0x16: {  	s14 =	simm.s32 $0x6500;
	s15 =	simm.s32 $0x2;
	s16 =	simm.s32 $0x80;
	v9 =	vor.u32 $0x2800, v1;
	[tilespmem:$0x1FF20] =	vst v21  }
0x17: {  	s17 =	simm.s32 $0x6600;
	s18 =	simm.s32 $0xA600;
	s19 =	simm.s32 $0x6480;
	v12 =	vor.u32 $0x3000, v1;
	[tilespmem:$0x1FF30] =	vst v9  }
0x18: {  	s21 =	simm.s32 $0x6580;
	s22 =	simm.s32 $0xE600;
	s23 =	simm.s32 $0x12600;
	v31 =	vor.u32 $0x3800, v1;
	[tilespmem:$0x1FF40] =	vst v12  }
0x19: {  	s28 =	simm.s32 $0x8000;
	s29 =	simm.s32 $0x1;
	v14 =	vor.u32 $0x40, v7;
	s7 =	smul.u32 $0xC80, s6;
	[tilespmem:$0x1FF50] =	vst v31  }
0x1a: {  	v26 =	vor.u32 $0x50, v7;
	s0 =	ssub.s32 $0x2, s0;
	s5 =	smul.u32 $0x64, s6;
	s6 =	sshll.u32 s6, $0xA;
	[tilespmem:$0x1FF70] =	vst v14  }
0x1b: {  	s30 =	simm.s32 $0x5;
	s9 =	sshrl.u32 s0, $0x1;
	v28 =	vor.u32 $0x5800, v1;
	s6 =	sand.u32 $0xC00, s6;
	[tilespmem:$0x1FF80] =	vst v26  }
0x1c: {  	v27 =	vor.u32 $0x60, v7;
	s0 =	ssub.s32 s0, s9;
	[tilespmem:$0x1FF90] =	vst v28;
	s7 =	sand.u32 $0x1F000, s7;
	s8 =	sand.u32 $0x70, s5  }
0x1d: {  	v18 =	vor.u32 $0x800, v1;
	[tilespmem:$0x1FFA0] =	vst v27;
	s0 =	smax.u32 s0, $0x1;
	s7 =	sor.u32 s6, s7;
	s6 =	sadd.s32 $0xA00, s2  }
0x1e: {  	[tilespmem:$0x1FFB0] =	vst v18;
	s2 =	sadd.s32 $0x187A00, s2;
	[dreg:$0x7] =	wrdreg s0;
	s7 =	sor.u32 s8, s7  }
0x1f: {  	s31 =	simm.s32 $0x1A600;
	v20 =	vor.u32 $0x1000, v1;
	[tilespmem:$0x1FFC0] =	vst v1;
	[dreg:$0x4] =	wrdreg s2;
	s24 =	sadd.s32 s1, s7  }
0x20: {  	v19 =	vor.u32 $0x10, v7;
	[tilespmem:$0x1FFD0] =	vst v20;
	s0 =	simm.s32 $0x0;
	[dreg:$0x5] =	wrdreg s24;
	s25 =	sadd.s32 $0x80, s24  }
0x21: {  	v62 =	vor.u32 $0x430, v7;
	[tilespmem:$0x1FFE0] =	vst v19;
	s2 =	simm.s32 $0x4;
	s7 =	sadd.s32 $0x100, s24;
	[dreg:$0x8] =	wrdreg s25  }
0x22: {  	v60 =	vor.u32 $0x450, v7;
	[tilespmem:$0x1FFF0] =	vst v62;
	s24 =	simm.s32 $0x3;
	[dreg:$0x6] =	wrdreg s7;
	s26 =	sadd.s32 $0x80, s7  }
0x23: {  	v16 =	vmov v1;
	[tilespmem:$0x1FF60] =	vst v60;
	s25 =	simm.s32 $0x16600;
	[dreg:$0x9] =	wrdreg s26;
	s26 =	simm.s32 $0x800  }
.LBB2_1:
0x24: {  	s7 =	rddreg [dreg:$0x4];
	s9 =	simm.s32 $0x6  }
0x25: {  	[tilespmem:s4], [sflag:$0x6] =	stream.linear.gather [hbm4b:s7+s4], $0x6400, $0x38;
	[tilespmem:$0x1E600] =	vst v63  }
0x26: {  	_ =	swait.ge [sflag:s9], $0x6400  }
0x27: {  	[sflag:s9] =	ssyncset.done $0x0  }
0x28: {  	s10 =	rddreg [dreg:$0x5];
	[sflag:s9] =	ssyncadd.s32 $0xFFFF9C00  }
0x29: {  	[tilespmem:s12], [sflag:$0x2] =	stream.linear.gather [hbm4b:s10+s4], $0x80, $0x38;
	[tilespmem:$0x1E600] =	vst v63  }
0x2a: {  	s11 =	rddreg [dreg:$0x8]  }
0x2b: {  	[tilespmem:s14], [sflag:$0x2] =	stream.linear.gather [hbm4b:s11+s4], $0x80, $0x38;
	[tilespmem:$0x1E600] =	vst v63  }
0x2c: {  	_ =	swait.ge [sflag:s15], $0x100  }
0x2d: {  	[sflag:s15] =	ssyncset.done $0x0  }
0x2e: {  	[sflag:s15] =	ssyncadd.s32 $0xFFFFFF00  }
0x2f: {  	[tilespmem:s17], [sflag:$0x3] =	stream.indirect.gather [hbm4b:s6+s16], $0x80, s12, s16, $0xb8;
	[tilespmem:$0x1E600] =	vst v63  }
0x30: {  	_ = 	snop  }
0x31: {  	[tilespmem:s18], [sflag:$0x3] =	stream.indirect.gather [hbm4b:s6+s16], $0x80, s14, s16, $0xb8;
	[tilespmem:$0x1E600] =	vst v63  }
0x32: {  	s13 =	rddreg [dreg:$0x6]  }
0x33: {  	[tilespmem:s19], [sflag:$0x2] =	stream.linear.gather [hbm4b:s13+s4], $0x80, $0x38;
	[tilespmem:$0x1E600] =	vst v63  }
0x34: {  	s7 =	simm.s32 $0x0;
	s20 =	rddreg [dreg:$0x9]  }
0x35: {  	[tilespmem:s21], [sflag:$0x2] =	stream.linear.gather [hbm4b:s20+s4], $0x80, $0x38;
	[tilespmem:$0x1E600] =	vst v63  }
.LBB2_2:
0x36: {  	_ =	swait.ge [sflag:s15], $0x100;
	s9 =	sshll.u32 s7, $0x1  }
0x37: {  	p0 =	seq.s32 s7, $0x31;
	[sflag:s15] =	ssyncset.done $0x0;
	s10 =	sadd.s32 s5, s9  }
0x38: {  	p1 =	seq.s32 @!p0 s7, $0x0;
	[sflag:s15] =	ssyncadd.s32 $0xFFFFFF00;
	s9 =	sadd.s32 @!p0 $0x2, s10  }
0x39: {  	[tilespmem:s22], [sflag:$0x1] =	stream.indirect.gather [hbm4b:s6+s16], $0x80, s19, s16, $0xb8;
	[tilespmem:$0x1E600] =	vst v63  }
0x3a: {  	p1 =	por p0, !p1;
	s13 =	sshll.u32 @!p0 s9, $0x8  }
0x3b: {  	[tilespmem:s23], [sflag:$0x1] =	stream.indirect.gather [hbm4b:s6+s16], $0x80, s21, s16, $0xb8;
	[tilespmem:$0x1E600] =	vst v63  }
0x3c: {  	s20 =	sshll.u32 @!p0 s9, $0xB;
	s9 =	sshll.u32 @!p0 s9, $0x3;
	_ =	swait.ge [sflag:s24], $0x4000  }
0x3d: {  	s13 =	sand.u32 @!p0 $0xFFFF8000, s13;
	s20 =	sand.u32 @!p0 $0x7000, s20;
	[sflag:s24] =	ssyncset.done $0x0  }
0x3e: {  	s9 =	sand.u32 @!p0 $0x380, s9;
	s13 =	sor.u32 @!p0 s20, s13;
	[sflag:s24] =	ssyncadd.s32 $0xFFFFC000  }
0x3f: {  	s20 =	simm.s32 @!p0 $0x6400;
	s9 =	sor.u32 @!p0 s9, s13;
	_ =	swait.ge [sflag:s24], $0x4000  }
.Ltmp0:
0x40: {  	s9 =	sshrl.u32 @!p0 s9, $0x3;
	[sflag:s24] =	ssyncset.done $0x0;
	(pc) =	sbr.rel @!p1 .LBB2_3-.Ltmp0, $4  }
0x41: {  	s13 =	simm.s32 @!p0 $0x0;
	s9 =	sadd.s32 @!p0 s1, s9;
	[sflag:s24] =	ssyncadd.s32 $0xFFFFC000  }
0x42: {  	[tilespmem:s20], [sflag:$0x2] =	stream.linear.gather @!p0 [hbm4b:s9+s13], $0x80, $0x38;
	[tilespmem:$0x1E600] =	vst v63  }
0x43: {  	s9 =	sadd.s32 @!p0 $0x80, s9;
	s20 =	simm.s32 @!p0 $0x6500  }
0x44: {  	[tilespmem:s20], [sflag:$0x2] =	stream.linear.gather @!p0 [hbm4b:s9+s13], $0x80, $0x38;
	[tilespmem:$0x1E600] =	vst v63  }
.Ltmp1:
0x45: {  	(pc) =	sbr.rel .LBB2_5-.Ltmp1, $4  }
0x46: {  	_ = 	snop  }
0x47: {  	_ =	swait.ge [sflag:s2], $0x4000  }
0x48: {  	[sflag:s2] =	ssyncset.done $0x0  }
0x49: {  	p1 =	por $0x0, $0x0;
	[sflag:s2] =	ssyncadd.s32 $0xFFFFC000  }
.LBB2_3:
0x4a: {  	p1 =	por @!p0 $0x1, $0x1  }
.LBB2_5:
0x4b: {  	s9 =	simm.s32 $0x0  }
0x4c: {  	s20 =	sand.u32 $0xE, s9  }
0x4d: {  	s13 =	sshrl.u32 s10, $0x4;
	v0 =	vadd.s32 s20, v7  }
0x4e: {  	s8 =	sshll.u32 s13, $0x7;
	s9 =	sand.u32 $0x30, s9;
	s20 =	sor.u32 $0x1, s20;
	v1 =	vand.u32 $0xF, v0  }
0x4f: {  	v25 =	vmov s8;
	v2 =	vadd.s32 s20, v7;
	v52 =	vor.u32 s9, v1  }
0x50: {  	v1 =	vand.u32 $0xF, v2;
	v2 =	vor.u32 v25, v52  }
0x51: {  	v3 =	vor.u32 v16, v52  }
0x52: {  	v51 =	vor.u32 s9, v1  }
0x53: {  	v4 =	vor.u32 v25, v51  }
0x54: {  	v5 =	vor.u32 v16, v51  }
0x55: {  	v0 =	vshll.u32 v0, $0x7;
	v6 =	vshll.u32 v52, $0x8;
	v32 =	vld.idx.msk [tilespmem:v2+s4+$0x0], $0xffff  }
0x56: {  	v0 =	vand.u32 $0x380, v0;
	v2 =	vld.idx.msk [tilespmem:v3+s17+$0x0], $0xffff;
	v3 =	vand.u32 $0x3800, v6  }
0x57: {  	v57 =	vshll.u32 v1, $0x7;
	v1 =	vshll.u32 v51, $0x8;
	v53 =	vor.u32 v0, v3  }
0x58: {  	v50 =	vand.u32 $0x3800, v1;
	v23 =	vld.idx.msk [tilespmem:v4+s4+$0x0], $0xffff;
	v0 =	vand.u32 $0x380, v57;
	v3 =	vor.u32 v7, v53  }
0x59: {  	v1 =	vld.idx.msk [tilespmem:v5+s17+$0x0], $0xffff;
	v46 =	vor.u32 v0, v50;
	v0 =	vor.u32 v18, v52;
	_ =	sdelay $0x1  }
0x5a: {  	v4 =	vor.u32 v7, v46;
	v2 =	vadd.f32 v2, v32  }
0x5b: {  	v5 =	vor.u32 v18, v51  }
0x5c: {  	[tilespmem:v3+s25+$0x0] =	vst.idx.msk $0xffff, v2  }
0x5d: {  	s11 =	simm.s32 $0x2;
	v1 =	vadd.f32 v1, v23;
	v0 =	vld.idx.msk [tilespmem:v0+s17+$0x0], $0xffff  }
0x5e: {  	s20 =	sand.u32 $0xE, s11  }
0x5f: {  	v2 =	vor.u32 v19, v53;
	[tilespmem:v4+s25+$0x0] =	vst.idx.msk $0xffff, v1;
	v4 =	vadd.s32 s20, v7  }
0x60: {  	s8 =	sand.u32 $0x30, s11;
	v3 =	vor.u32 v20, v52;
	v1 =	vld.idx.msk [tilespmem:v5+s17+$0x0], $0xffff;
	v6 =	vand.u32 $0xF, v4  }
0x61: {  	v35 =	vor.u32 s8, v6  }
0x62: {  	v5 =	vor.u32 v19, v46;
	v6 =	vor.u32 v25, v35;
	v0 =	vadd.f32 v0, v32  }
0x63: {  	v33 =	vor.u32 v20, v51  }
0x64: {  	[tilespmem:v2+s25+$0x0] =	vst.idx.msk $0xffff, v0;
	v0 =	vor.u32 v16, v35  }
0x65: {  	v1 =	vadd.f32 v1, v23;
	v2 =	vld.idx.msk [tilespmem:v3+s17+$0x0], $0xffff;
	_ =	sdelay $0x1  }
0x66: {  	[tilespmem:v5+s25+$0x0] =	vst.idx.msk $0xffff, v1;
	v3 =	vor.u32 v8, v53;
	v43 =	vld.idx.msk [tilespmem:v6+s4+$0x0], $0xffff  }
0x67: {  	v4 =	vshll.u32 v4, $0x7;
	v34 =	vshll.u32 v35, $0x8;
	v1 =	vld.idx.msk [tilespmem:v33+s17+$0x0], $0xffff  }
0x68: {  	v36 =	vor.u32 v8, v46;
	v4 =	vand.u32 $0x380, v4;
	v6 =	vand.u32 $0x3800, v34;
	v0 =	vld.idx.msk [tilespmem:v0+s17+$0x0], $0xffff  }
0x69: {  	v5 =	vor.u32 v10, v52;
	v34 =	vor.u32 v4, v6;
	v2 =	vadd.f32 v2, v32  }
0x6a: {  	v4 =	vor.u32 v10, v51;
	v6 =	vor.u32 v7, v34  }
0x6b: {  	[tilespmem:v3+s25+$0x0] =	vst.idx.msk $0xffff, v2;
	v2 =	vor.u32 v18, v35  }
0x6c: {  	v1 =	vadd.f32 v1, v23  }
0x6d: {  	v0 =	vadd.f32 v0, v43  }
0x6e: {  	v3 =	vld.idx.msk [tilespmem:v5+s17+$0x0], $0xffff;
	[tilespmem:v36+s25+$0x0] =	vst.idx.msk $0xffff, v1  }
0x6f: {  	v1 =	vld.idx.msk [tilespmem:v4+s17+$0x0], $0xffff;
	[tilespmem:v6+s25+$0x0] =	vst.idx.msk $0xffff, v0  }
0x70: {  	v4 =	vor.u32 v21, v53;
	v2 =	vld.idx.msk [tilespmem:v2+s17+$0x0], $0xffff  }
0x71: {  	s9 =	sor.u32 $0x1, s20;
	v5 =	vor.u32 v21, v46;
	v0 =	vor.u32 v15, v52  }
0x72: {  	v60 =	vor.u32 v19, v34;
	v6 =	vadd.s32 s9, v7  }
0x73: {  	v37 =	vor.u32 v15, v51;
	v6 =	vand.u32 $0xF, v6;
	v3 =	vadd.f32 v3, v32  }
0x74: {  	v38 =	vor.u32 v20, v35;
	v41 =	vor.u32 s8, v6;
	v1 =	vadd.f32 v1, v23  }
0x75: {  	[tilespmem:v4+s25+$0x0] =	vst.idx.msk $0xffff, v3;
	v3 =	vor.u32 v25, v41;
	v2 =	vadd.f32 v2, v43  }
0x76: {  	v4 =	vor.u32 v16, v41;
	v0 =	vld.idx.msk [tilespmem:v0+s17+$0x0], $0xffff;
	[tilespmem:v5+s25+$0x0] =	vst.idx.msk $0xffff, v1  }
0x77: {  	v22 =	vshll.u32 v6, $0x7;
	v5 =	vshll.u32 v41, $0x8;
	[tilespmem:v60+s25+$0x0] =	vst.idx.msk $0xffff, v2  }
0x78: {  	v62 =	vand.u32 $0x380, v22;
	v1 =	vor.u32 v14, v53;
	v2 =	vld.idx.msk [tilespmem:v37+s17+$0x0], $0xffff;
	[tilespmem:$0x1FDC0] =	vst v22;
	v22 =	vand.u32 $0x3800, v5  }
0x79: {  	v6 =	vor.u32 v9, v52;
	v61 =	vld.idx.msk [tilespmem:v38+s17+$0x0], $0xffff;
	[tilespmem:$0x1FDD0] =	vst v22  }
0x7a: {  	v36 =	vld.idx.msk [tilespmem:v3+s4+$0x0], $0xffff;
	v3 =	vor.u32 v14, v46  }
0x7b: {  	v39 =	vor.u32 v9, v51;
	v5 =	vor.u32 v8, v34;
	v0 =	vadd.f32 v0, v32;
	v4 =	vld.idx.msk [tilespmem:v4+s17+$0x0], $0xffff  }
0x7c: {  	v63 =	vor.u32 v10, v35;
	v59 =	vor.u32 v62, v22  }
0x7d: {  	[tilespmem:v1+s25+$0x0] =	vst.idx.msk $0xffff, v0;
	v0 =	vor.u32 v7, v59;
	v1 =	vadd.f32 v2, v23  }
0x7e: {  	v2 =	vld.idx.msk [tilespmem:v6+s17+$0x0], $0xffff;
	v6 =	vadd.f32 v61, v43  }
0x7f: {  	v30 =	vor.u32 v18, v41;
	[tilespmem:v3+s25+$0x0] =	vst.idx.msk $0xffff, v1  }
0x80: {  	v1 =	vadd.f32 v4, v36;
	v3 =	vor.u32 v26, v53;
	[tilespmem:v5+s25+$0x0] =	vst.idx.msk $0xffff, v6;
	v4 =	vld.idx.msk [tilespmem:v39+s17+$0x0], $0xffff  }
0x81: {  	v6 =	vld.idx.msk [tilespmem:v63+s17+$0x0], $0xffff  }
0x82: {  	s11 =	simm.s32 $0x4;
	v55 =	vor.u32 v31, v51;
	[tilespmem:v0+s25+$0x0] =	vst.idx.msk $0xffff, v1;
	v0 =	vor.u32 v26, v46  }
0x83: {  	s20 =	sand.u32 $0xE, s11;
	v33 =	vor.u32 v12, v51;
	v1 =	vadd.f32 v2, v32;
	v2 =	vor.u32 v21, v34  }
0x84: {  	v47 =	vadd.s32 s20, v7;
	v40 =	vor.u32 v15, v35;
	s9 =	sor.u32 $0x1, s20;
	v5 =	vor.u32 v12, v52  }
0x85: {  	s8 =	sand.u32 $0x30, s11;
	v37 =	vld.idx.msk [tilespmem:v30+s17+$0x0], $0xffff;
	[tilespmem:v3+s25+$0x0] =	vst.idx.msk $0xffff, v1;
	v1 =	vand.u32 $0xF, v47;
	v3 =	vadd.s32 s9, v7;
	v4 =	vadd.f32 v4, v23  }
0x86: {  	v39 =	vor.u32 s8, v1;
	v1 =	vand.u32 $0xF, v3;
	v6 =	vadd.f32 v6, v43  }
0x87: {  	v3 =	vor.u32 v19, v59;
	v48 =	vor.u32 v25, v39;
	v42 =	vor.u32 s8, v1;
	[tilespmem:v0+s25+$0x0] =	vst.idx.msk $0xffff, v4  }
0x88: {  	v56 =	vor.u32 v27, v53;
	[tilespmem:v2+s25+$0x0] =	vst.idx.msk $0xffff, v6;
	v2 =	vor.u32 v25, v42;
	v4 =	vld.idx.msk [tilespmem:v33+s17+$0x0], $0xffff  }
0x89: {  	v44 =	vor.u32 v20, v41;
	v62 =	vor.u32 v27, v46;
	v5 =	vld.idx.msk [tilespmem:v5+s17+$0x0], $0xffff;
	v49 =	vor.u32 v16, v42  }
0x8a: {  	v30 =	vmovc v14;
	v61 =	vor.u32 v16, v39;
	v0 =	vshll.u32 v1, $0x7;
	v6 =	vadd.f32 v37, v36;
	v40 =	vld.idx.msk [tilespmem:v40+s17+$0x0], $0xffff  }
0x8b: {  	v60 =	vor.u32 v31, v52;
	v63 =	vor.u32 v30, v34;
	v58 =	vshll.u32 v42, $0x8;
	[tilespmem:$0x1FDE0] =	vst v0  }
0x8c: {  	v47 =	vshll.u32 v47, $0x7;
	v54 =	vand.u32 $0x380, v0;
	v1 =	vand.u32 $0x3800, v58;
	[tilespmem:v3+s25+$0x0] =	vst.idx.msk $0xffff, v6;
	v37 =	vld.idx.msk [tilespmem:v48+s4+$0x0], $0xffff  }
0x8d: {  	v0 =	vor.u32 v9, v35;
	v3 =	vshll.u32 v39, $0x8;
	v38 =	vld.idx.msk [tilespmem:v2+s4+$0x0], $0xffff;
	v2 =	vadd.f32 v4, v23;
	[tilespmem:$0x1FDF0] =	vst v1  }
0x8e: {  	v58 =	vand.u32 $0x380, v47;
	v5 =	vadd.f32 v5, v32;
	v3 =	vand.u32 $0x3800, v3;
	v6 =	vld.idx.msk [tilespmem:v49+s17+$0x0], $0xffff  }
0x8f: {  	v4 =	vadd.f32 v40, v43;
	v47 =	vld.idx.msk [tilespmem:v61+s17+$0x0], $0xffff;
	v49 =	vor.u32 v54, v1;
	[tilespmem:v62+s25+$0x0] =	vst.idx.msk $0xffff, v2  }
0x90: {  	[tilespmem:v56+s25+$0x0] =	vst.idx.msk $0xffff, v5;
	v40 =	vor.u32 v58, v3;
	v2 =	vor.u32 v7, v49;
	v3 =	vld.idx.msk [tilespmem:v55+s17+$0x0], $0xffff  }
0x91: {  	v5 =	vld.idx.msk [tilespmem:v44+s17+$0x0], $0xffff;
	v44 =	vor.u32 v7, v40;
	[tilespmem:v63+s25+$0x0] =	vst.idx.msk $0xffff, v4;
	v4 =	vor.u32 v18, v42  }
0x92: {  	v46 =	vor.u32 v29, v46;
	v55 =	vor.u32 v18, v39;
	v0 =	vld.idx.msk [tilespmem:v0+s17+$0x0], $0xffff  }
0x93: {  	v48 =	vor.u32 v8, v59;
	v54 =	vor.u32 v11, v51;
	v56 =	vld.idx.msk [tilespmem:v60+s17+$0x0], $0xffff;
	v6 =	vadd.f32 v6, v38  }
0x94: {  	v45 =	vor.u32 v12, v35;
	v1 =	vor.u32 v26, v34;
	v47 =	vadd.f32 v47, v37  }
0x95: {  	v58 =	vor.u32 v29, v53;
	[tilespmem:v2+s25+$0x0] =	vst.idx.msk $0xffff, v6;
	v2 =	vadd.f32 v3, v23  }
0x96: {  	v33 =	vor.u32 v10, v41;
	v3 =	vadd.f32 v5, v36;
	[tilespmem:v44+s25+$0x0] =	vst.idx.msk $0xffff, v47;
	v4 =	vld.idx.msk [tilespmem:v4+s17+$0x0], $0xffff  }
0x97: {  	v5 =	vor.u32 v11, v52;
	v0 =	vadd.f32 v0, v43;
	v6 =	vld.idx.msk [tilespmem:v55+s17+$0x0], $0xffff;
	[tilespmem:v46+s25+$0x0] =	vst.idx.msk $0xffff, v2  }
0x98: {  	[tilespmem:v48+s25+$0x0] =	vst.idx.msk $0xffff, v3;
	v2 =	vadd.f32 v56, v32;
	v3 =	vor.u32 v19, v49;
	v44 =	vld.idx.msk [tilespmem:v54+s17+$0x0], $0xffff  }
0x99: {  	[tilespmem:v1+s25+$0x0] =	vst.idx.msk $0xffff, v0;
	v0 =	vor.u32 v20, v42;
	v1 =	vor.u32 v19, v40  }
0x9a: {  	v60 =	vor.u32 v57, v50;
	[tilespmem:v58+s25+$0x0] =	vst.idx.msk $0xffff, v2;
	v2 =	vld.idx.msk [tilespmem:v45+s17+$0x0], $0xffff  }
0x9b: {  	v62 =	vor.u32 v13, v51;
	v61 =	vor.u32 v17, v60;
	v46 =	vld.idx.msk [tilespmem:v33+s17+$0x0], $0xffff;
	v4 =	vadd.f32 v4, v38  }
0x9c: {  	v63 =	vor.u32 v27, v34;
	v45 =	vor.u32 v20, v39;
	v5 =	vld.idx.msk [tilespmem:v5+s17+$0x0], $0xffff;
	v6 =	vadd.f32 v6, v37  }
0x9d: {  	v50 =	vor.u32 v21, v59;
	[tilespmem:v3+s25+$0x0] =	vst.idx.msk $0xffff, v4;
	v3 =	vadd.f32 v44, v23  }
0x9e: {  	v4 =	vor.u32 v17, v53;
	[tilespmem:v1+s25+$0x0] =	vst.idx.msk $0xffff, v6;
	v1 =	vor.u32 v15, v41;
	v0 =	vld.idx.msk [tilespmem:v0+s17+$0x0], $0xffff  }
0x9f: {  	v2 =	vadd.f32 v2, v43  }
0xa0: {  	[tilespmem:v61+s25+$0x0] =	vst.idx.msk $0xffff, v3;
	v3 =	vadd.f32 v46, v36;
	v61 =	vor.u32 v8, v49  }
0xa1: {  	v6 =	vor.u32 v13, v52;
	v58 =	vld.idx.msk [tilespmem:v45+s17+$0x0], $0xffff;
	v5 =	vadd.f32 v5, v32;
	[tilespmem:v63+s25+$0x0] =	vst.idx.msk $0xffff, v2  }
0xa2: {  	v33 =	vor.u32 v31, v35;
	v62 =	vld.idx.msk [tilespmem:v62+s17+$0x0], $0xffff;
	[tilespmem:v50+s25+$0x0] =	vst.idx.msk $0xffff, v3  }
0xa3: {  	v63 =	vor.u32 v8, v40;
	[tilespmem:v4+s25+$0x0] =	vst.idx.msk $0xffff, v5;
	v1 =	vld.idx.msk [tilespmem:v1+s17+$0x0], $0xffff;
	v0 =	vadd.f32 v0, v38  }
0xa4: {  	v57 =	vor.u32 v24, v60;
	v54 =	vld [tilespmem:$0x1FE10]  }
0xa5: {  	[tilespmem:v61+s25+$0x0] =	vst.idx.msk $0xffff, v0;
	v0 =	vor.u32 v30, v59  }
0xa6: {  	v5 =	vld.idx.msk [tilespmem:v6+s17+$0x0], $0xffff;
	v6 =	vadd.f32 v58, v37  }
0xa7: {  	v3 =	vld.idx.msk [tilespmem:v33+s17+$0x0], $0xffff;
	v33 =	vor.u32 v10, v39;
	v58 =	vadd.f32 v62, v23  }
0xa8: {  	v2 =	vor.u32 v10, v42;
	[tilespmem:v63+s25+$0x0] =	vst.idx.msk $0xffff, v6;
	v1 =	vadd.f32 v1, v36  }
0xa9: {  	[tilespmem:v57+s25+$0x0] =	vst.idx.msk $0xffff, v58;
	v4 =	vor.u32 v54, v51  }
0xaa: {  	v61 =	vor.u32 v24, v53;
	v22 =	vld [tilespmem:$0x1FE30];
	[tilespmem:v0+s25+$0x0] =	vst.idx.msk $0xffff, v1  }
0xab: {  	v14 =	vmov v9;
	v6 =	vor.u32 v9, v41;
	v62 =	vor.u32 v54, v52;
	v9 =	vld [tilespmem:$0x1FE20]  }
0xac: {  	v48 =	vld.idx.msk [tilespmem:v33+s17+$0x0], $0xffff  }
0xad: {  	v63 =	vor.u32 v29, v34;
	v2 =	vld.idx.msk [tilespmem:v2+s17+$0x0], $0xffff;
	v5 =	vadd.f32 v5, v32  }
0xae: {  	v55 =	vor.u32 v21, v40;
	v4 =	vld.idx.msk [tilespmem:v4+s17+$0x0], $0xffff  }
0xaf: {  	v44 =	vor.u32 v21, v49;
	[tilespmem:v61+s25+$0x0] =	vst.idx.msk $0xffff, v5  }
0xb0: {  	s9 =	simm.s32 $0x6;
	v56 =	vor.u32 v15, v39;
	v3 =	vadd.f32 v3, v43;
	v46 =	vld.idx.msk [tilespmem:v62+s17+$0x0], $0xffff;
	v0 =	vor.u32 v9, v60  }
0xb1: {  	s8 =	sand.u32 $0xE, s9;
	v5 =	vld.idx.msk [tilespmem:v6+s17+$0x0], $0xffff;
	v6 =	vor.u32 v28, v51;
	v45 =	vadd.f32 v48, v37  }
0xb2: {  	s11 =	sor.u32 $0x1, s8;
	v1 =	vor.u32 v28, v52;
	v2 =	vadd.f32 v2, v38;
	v33 =	vld [tilespmem:$0x1FFF0];
	[tilespmem:v63+s25+$0x0] =	vst.idx.msk $0xffff, v3  }
0xb3: {  	v47 =	vadd.s32 s11, v7;
	v3 =	vor.u32 v26, v59;
	[tilespmem:v55+s25+$0x0] =	vst.idx.msk $0xffff, v45;
	v4 =	vadd.f32 v4, v23  }
0xb4: {  	s11 =	sand.u32 $0x30, s9;
	v48 =	vor.u32 v12, v41;
	v55 =	vand.u32 $0xF, v47;
	[tilespmem:v44+s25+$0x0] =	vst.idx.msk $0xffff, v2;
	v61 =	vor.u32 v9, v53  }
0xb5: {  	v50 =	vadd.s32 s8, v7;
	v56 =	vld.idx.msk [tilespmem:v56+s17+$0x0], $0xffff;
	v47 =	vor.u32 s11, v55;
	v2 =	vadd.f32 v46, v32;
	[tilespmem:v0+s25+$0x0] =	vst.idx.msk $0xffff, v4  }
0xb6: {  	v46 =	vor.u32 v16, v47;
	v0 =	vand.u32 $0xF, v50;
	v4 =	vadd.f32 v5, v36;
	v5 =	vld.idx.msk [tilespmem:v6+s17+$0x0], $0xffff  }
0xb7: {  	v63 =	vor.u32 v30, v40;
	v6 =	vor.u32 v25, v47;
	v45 =	vor.u32 s11, v0;
	[tilespmem:$0x1FDB0] =	vst v25  }
0xb8: {  	v57 =	vor.u32 v33, v60;
	v62 =	vor.u32 v25, v45;
	[tilespmem:v3+s25+$0x0] =	vst.idx.msk $0xffff, v4;
	v4 =	vshll.u32 v47, $0x8  }
0xb9: {  	[tilespmem:v61+s25+$0x0] =	vst.idx.msk $0xffff, v2;
	v48 =	vld.idx.msk [tilespmem:v48+s17+$0x0], $0xffff;
	v4 =	vand.u32 $0x3800, v4  }
0xba: {  	v58 =	vor.u32 v22, v51;
	v56 =	vadd.f32 v56, v37;
	v1 =	vld.idx.msk [tilespmem:v1+s17+$0x0], $0xffff;
	[tilespmem:$0x1FE00] =	vst v4  }
0xbb: {  	v61 =	vor.u32 v16, v45;
	v2 =	vld.idx.msk [tilespmem:v46+s17+$0x0], $0xffff;
	v5 =	vadd.f32 v5, v23  }
0xbc: {  	v0 =	vor.u32 v27, v59;
	v25 =	vshll.u32 v55, $0x7;
	[tilespmem:v63+s25+$0x0] =	vst.idx.msk $0xffff, v56;
	v44 =	vld.idx.msk [tilespmem:v6+s4+$0x0], $0xffff  }
0xbd: {  	v55 =	vand.u32 $0x380, v25;
	v6 =	vor.u32 v14, v39;
	v46 =	vld.idx.msk [tilespmem:v62+s4+$0x0], $0xffff;
	[tilespmem:v57+s25+$0x0] =	vst.idx.msk $0xffff, v5  }
0xbe: {  	v56 =	vor.u32 v55, v4;
	v4 =	vld [tilespmem:$0x1FE40]  }
0xbf: {  	v50 =	vshll.u32 v50, $0x7;
	v3 =	vshll.u32 v45, $0x8;
	v48 =	vadd.f32 v48, v36;
	v55 =	vld.idx.msk [tilespmem:v58+s17+$0x0], $0xffff  }
0xc0: {  	v50 =	vand.u32 $0x380, v50;
	v3 =	vand.u32 $0x3800, v3;
	v62 =	vor.u32 v33, v53;
	v58 =	vld.idx.msk [tilespmem:v61+s17+$0x0], $0xffff  }
0xc1: {  	v57 =	vor.u32 v7, v56;
	[tilespmem:v0+s25+$0x0] =	vst.idx.msk $0xffff, v48;
	v48 =	vor.u32 v50, v3  }
0xc2: {  	v3 =	vld.idx.msk [tilespmem:v6+s17+$0x0], $0xffff;
	v6 =	vor.u32 v7, v48  }
0xc3: {  	v63 =	vor.u32 v31, v41;
	v1 =	vadd.f32 v1, v32;
	v61 =	vor.u32 v4, v60  }
0xc4: {  	v7 =	vld [tilespmem:$0x1FE50];
	v2 =	vadd.f32 v2, v44  }
0xc5: {  	[tilespmem:v62+s25+$0x0] =	vst.idx.msk $0xffff, v1;
	v58 =	vadd.f32 v58, v46  }
0xc6: {  	v5 =	vor.u32 v22, v52;
	[tilespmem:v57+s25+$0x0] =	vst.idx.msk $0xffff, v2;
	v55 =	vadd.f32 v55, v23  }
0xc7: {  	v0 =	vor.u32 v18, v47;
	[tilespmem:v6+s25+$0x0] =	vst.idx.msk $0xffff, v58  }
0xc8: {  	v1 =	vld.idx.msk [tilespmem:v63+s17+$0x0], $0xffff;
	v62 =	vor.u32 v18, v45;
	[tilespmem:v61+s25+$0x0] =	vst.idx.msk $0xffff, v55  }
0xc9: {  	v2 =	vor.u32 v26, v40;
	v50 =	vor.u32 v7, v51;
	v55 =	vor.u32 v4, v53;
	v4 =	vld [tilespmem:$0x1FDC0]  }
0xca: {  	v58 =	vor.u32 v7, v52;
	v7 =	vld [tilespmem:$0x1FDD0]  }
0xcb: {  	v59 =	vor.u32 v29, v59;
	v5 =	vld.idx.msk [tilespmem:v5+s17+$0x0], $0xffff;
	v57 =	vor.u32 v12, v39  }
0xcc: {  	v0 =	vld.idx.msk [tilespmem:v0+s17+$0x0], $0xffff;
	v3 =	vadd.f32 v3, v37;
	v61 =	vor.u32 v11, v41  }
0xcd: {  	v62 =	vld.idx.msk [tilespmem:v62+s17+$0x0], $0xffff  }
0xce: {  	v63 =	vor.u32 v19, v56;
	v1 =	vadd.f32 v1, v36;
	[tilespmem:v2+s25+$0x0] =	vst.idx.msk $0xffff, v3;
	v6 =	vld.idx.msk [tilespmem:v50+s17+$0x0], $0xffff  }
0xcf: {  	v50 =	vor.u32 v4, v7;
	v7 =	vld [tilespmem:$0x1FF60]  }
0xd0: {  	v5 =	vadd.f32 v5, v32;
	v57 =	vld.idx.msk [tilespmem:v57+s17+$0x0], $0xffff;
	[tilespmem:v59+s25+$0x0] =	vst.idx.msk $0xffff, v1  }
0xd1: {  	v0 =	vadd.f32 v0, v44;
	v59 =	vor.u32 v19, v48;
	v61 =	vld.idx.msk [tilespmem:v61+s17+$0x0], $0xffff  }
0xd2: {  	[tilespmem:v55+s25+$0x0] =	vst.idx.msk $0xffff, v5;
	v5 =	vor.u32 v27, v40  }
0xd3: {  	v4 =	vld [tilespmem:$0x1FEE0];
	[tilespmem:v63+s25+$0x0] =	vst.idx.msk $0xffff, v0;
	v63 =	vor.u32 v17, v50  }
0xd4: {  	v3 =	vor.u32 v11, v35;
	v62 =	vadd.f32 v62, v46;
	v2 =	vor.u32 v7, v60  }
0xd5: {  	v57 =	vadd.f32 v57, v37  }
0xd6: {  	v1 =	vor.u32 v20, v47;
	[tilespmem:v59+s25+$0x0] =	vst.idx.msk $0xffff, v62;
	v61 =	vadd.f32 v61, v36  }
0xd7: {  	v6 =	vadd.f32 v6, v23;
	v0 =	vor.u32 v20, v45;
	[tilespmem:v5+s25+$0x0] =	vst.idx.msk $0xffff, v57  }
0xd8: {  	v58 =	vld.idx.msk [tilespmem:v58+s17+$0x0], $0xffff;
	v55 =	vor.u32 v4, v51;
	[tilespmem:v63+s25+$0x0] =	vst.idx.msk $0xffff, v61  }
0xd9: {  	[tilespmem:v2+s25+$0x0] =	vst.idx.msk $0xffff, v6;
	v2 =	vld.idx.msk [tilespmem:v3+s17+$0x0], $0xffff  }
0xda: {  	v5 =	vor.u32 v4, v52;
	v6 =	vor.u32 v31, v39;
	v4 =	vld [tilespmem:$0x1FEF0]  }
0xdb: {  	v1 =	vld.idx.msk [tilespmem:v1+s17+$0x0], $0xffff;
	v3 =	vor.u32 v7, v53  }
0xdc: {  	v59 =	vor.u32 v13, v41;
	v62 =	vor.u32 v17, v34;
	v0 =	vld.idx.msk [tilespmem:v0+s17+$0x0], $0xffff  }
0xdd: {  	v55 =	vld.idx.msk [tilespmem:v55+s17+$0x0], $0xffff  }
0xde: {  	v57 =	vadd.f32 v58, v32;
	v31 =	vor.u32 v8, v56  }
0xdf: {  	v2 =	vadd.f32 v2, v43;
	v6 =	vld.idx.msk [tilespmem:v6+s17+$0x0], $0xffff;
	v61 =	vor.u32 v4, v60  }
0xe0: {  	[tilespmem:v3+s25+$0x0] =	vst.idx.msk $0xffff, v57;
	v57 =	vor.u32 v8, v48  }
0xe1: {  	v1 =	vadd.f32 v1, v44;
	v59 =	vld.idx.msk [tilespmem:v59+s17+$0x0], $0xffff;
	[tilespmem:v62+s25+$0x0] =	vst.idx.msk $0xffff, v2;
	v2 =	vor.u32 v29, v40  }
0xe2: {  	v0 =	vadd.f32 v0, v46;
	v5 =	vld.idx.msk [tilespmem:v5+s17+$0x0], $0xffff;
	v55 =	vadd.f32 v55, v23  }
0xe3: {  	[tilespmem:v31+s25+$0x0] =	vst.idx.msk $0xffff, v1;
	v1 =	vor.u32 v10, v47;
	v31 =	vor.u32 v24, v50  }
0xe4: {  	v6 =	vadd.f32 v6, v37;
	[tilespmem:v61+s25+$0x0] =	vst.idx.msk $0xffff, v55;
	v55 =	vor.u32 v4, v53  }
0xe5: {  	[tilespmem:v57+s25+$0x0] =	vst.idx.msk $0xffff, v0  }
0xe6: {  	v3 =	vor.u32 v13, v35;
	v59 =	vadd.f32 v59, v36;
	v4 =	vld [tilespmem:$0x1FE60];
	[tilespmem:v2+s25+$0x0] =	vst.idx.msk $0xffff, v6  }
0xe7: {  	v29 =	vor.u32 v15, v42;
	v5 =	vadd.f32 v5, v32;
	v2 =	vld [tilespmem:$0x1FDE0]  }
0xe8: {  	v7 =	vld [tilespmem:$0x1FDF0];
	[tilespmem:v31+s25+$0x0] =	vst.idx.msk $0xffff, v59  }
0xe9: {  	v63 =	vor.u32 v11, v39;
	v31 =	vld.idx.msk [tilespmem:v1+s17+$0x0], $0xffff;
	[tilespmem:v55+s25+$0x0] =	vst.idx.msk $0xffff, v5  }
0xea: {  	v1 =	vld [tilespmem:$0x1FE00]  }
0xeb: {  	v3 =	vld.idx.msk [tilespmem:v3+s17+$0x0], $0xffff;
	v0 =	vor.u32 v4, v51  }
0xec: {  	v57 =	vor.u32 v10, v45;
	v6 =	vld.idx.msk [tilespmem:v29+s17+$0x0], $0xffff  }
0xed: {  	v11 =	vor.u32 v24, v34;
	v12 =	vor.u32 v4, v52  }
0xee: {  	v29 =	vor.u32 v54, v41;
	v54 =	vor.u32 v54, v35;
	v58 =	vld.idx.msk [tilespmem:v63+s17+$0x0], $0xffff;
	v4 =	vor.u32 v21, v56  }
0xef: {  	v51 =	vor.u32 v2, v7;
	v2 =	vor.u32 v30, v49;
	v52 =	vor.u32 v25, v1;
	v1 =	vld [tilespmem:$0x1FE70]  }
0xf0: {  	v7 =	vld.idx.msk [tilespmem:v0+s17+$0x0], $0xffff;
	v0 =	vadd.f32 v3, v43;
	v3 =	vor.u32 v14, v42  }
0xf1: {  	v26 =	vmov v43;
	v5 =	vadd.f32 v6, v38;
	v6 =	vadd.f32 v31, v44;
	v25 =	vld.idx.msk [tilespmem:v57+s17+$0x0], $0xffff  }
0xf2: {  	v24 =	vmov v9;
	v13 =	vmov v16;
	v62 =	vor.u32 v28, v35;
	v57 =	vld.idx.msk [tilespmem:v12+s17+$0x0], $0xffff;
	[tilespmem:v11+s25+$0x0] =	vst.idx.msk $0xffff, v0  }
0xf3: {  	v61 =	vor.u32 v33, v50;
	v63 =	vor.u32 v21, v48;
	[tilespmem:v4+s25+$0x0] =	vst.idx.msk $0xffff, v6;
	v0 =	vld.idx.msk [tilespmem:v54+s17+$0x0], $0xffff  }
0xf4: {  	[tilespmem:v2+s25+$0x0] =	vst.idx.msk $0xffff, v5;
	v53 =	vor.u32 v1, v53;
	v55 =	vor.u32 v1, v60;
	v1 =	vld.idx.msk [tilespmem:v29+s17+$0x0], $0xffff  }
0xf5: {  	v5 =	vor.u32 v15, v45;
	v2 =	vor.u32 v9, v50;
	v60 =	vor.u32 v22, v41;
	v4 =	vld.idx.msk [tilespmem:v3+s17+$0x0], $0xffff  }
0xf6: {  	s20 =	sshllo.u32 s7, $0x1;
	v54 =	vadd.f32 v7, v23;
	v6 =	vadd.f32 v25, v46;
	v3 =	vor.u32 v28, v41;
	v22 =	vmovc v10  }
.LBB2_6:
0xf7: {  	v16 =	vld [tilespmem:$0x1FF80]  }
0xf8: {  	v15 =	vld [tilespmem:$0x1FF40]  }
0xf9: {  	s9 =	sadd.s32 $0x2, s9;
	v10 =	vld [tilespmem:$0x1FDB0]  }
0xfa: {  	v25 =	vlaneseq.u32;
	v31 =	vld [tilespmem:$0x1FF70];
	s8 =	sand.u32 $0xE, s9  }
0xfb: {  	v8 =	vor.u32 v24, v34;
	v24 =	vld [tilespmem:$0x1FF50];
	[tilespmem:v55+s25+$0x0] =	vst.idx.msk $0xffff, v54;
	v33 =	vadd.s32 s8, v25;
	v1 =	vadd.f32 v1, v36  }
0xfc: {  	v27 =	vld [tilespmem:$0x1FE30];
	[tilespmem:v63+s25+$0x0] =	vst.idx.msk $0xffff, v6;
	s11 =	sand.u32 $0x30, s9;
	v28 =	vand.u32 $0xF, v33;
	v6 =	vor.u32 v16, v49  }
0xfd: {  	s8 =	sor.u32 $0x1, s8;
	v5 =	vld.idx.msk [tilespmem:v5+s17+$0x0], $0xffff;
	v7 =	vor.u32 v15, v42;
	[tilespmem:v2+s25+$0x0] =	vst.idx.msk $0xffff, v1;
	v1 =	vor.u32 s11, v28  }
0xfe: {  	v29 =	vadd.s32 s8, v25;
	v43 =	vadd.f32 v57, v32;
	v32 =	vmovc v26;
	v26 =	vld [tilespmem:$0x1FFA0];
	v30 =	vor.u32 v10, v1  }
0xff: {  	v4 =	vadd.f32 v4, v38;
	v2 =	vand.u32 $0xF, v29;
	v29 =	vld [tilespmem:$0x1FE70]  }
0x100: {  	v59 =	vmov v47;
	v0 =	vadd.f32 v0, v32;
	v3 =	vld.idx.msk [tilespmem:v3+s17+$0x0], $0xffff;
	[tilespmem:v53+s25+$0x0] =	vst.idx.msk $0xffff, v43;
	v47 =	vor.u32 s11, v2  }
0x101: {  	v9 =	vshll.u32 v33, $0x7;
	v43 =	vld [tilespmem:$0x1FFF0];
	v33 =	vor.u32 v10, v47;
	[tilespmem:v6+s25+$0x0] =	vst.idx.msk $0xffff, v4  }
0x102: {  	v10 =	vor.u32 v13, v47;
	[tilespmem:v8+s25+$0x0] =	vst.idx.msk $0xffff, v0;
	v7 =	vld.idx.msk [tilespmem:v7+s17+$0x0], $0xffff  }
0x103: {  	v17 =	vmov v37;
	v37 =	vmov v46;
	v55 =	vor.u32 v31, v48;
	v46 =	vld.idx.msk [tilespmem:v30+s4+$0x0], $0xffff  }
0x104: {  	v54 =	vmov v36;
	v36 =	vmov v38;
	v38 =	vor.u32 v13, v1;
	v30 =	vld [tilespmem:$0x1FF30]  }
0x105: {  	v8 =	vld.idx.msk [tilespmem:v62+s17+$0x0], $0xffff;
	v3 =	vadd.f32 v3, v54  }
0x106: {  	v23 =	vmov v44;
	v5 =	vadd.f32 v5, v37;
	v44 =	vld.idx.msk [tilespmem:v33+s4+$0x0], $0xffff  }
0x107: {  	v11 =	vmov v34;
	v63 =	vmov v50;
	v12 =	vor.u32 v24, v42;
	v10 =	vld.idx.msk [tilespmem:v10+s17+$0x0], $0xffff;
	[tilespmem:v61+s25+$0x0] =	vst.idx.msk $0xffff, v3  }
0x108: {  	v2 =	vshll.u32 v2, $0x7;
	v28 =	vmov v21;
	[tilespmem:v55+s25+$0x0] =	vst.idx.msk $0xffff, v5;
	v3 =	vadd.f32 v7, v36;
	v7 =	vld.idx.msk [tilespmem:v60+s17+$0x0], $0xffff  }
0x109: {  	v21 =	vmovc v20;
	v20 =	vmovc v19;
	v0 =	vshll.u32 v1, $0x8;
	v6 =	vshll.u32 v47, $0x8;
	v5 =	vor.u32 v30, v45;
	v60 =	vld.idx.msk [tilespmem:v38+s17+$0x0], $0xffff  }
0x10a: {  	v19 =	vmovc v18;
	v18 =	vmovc v13;
	v4 =	vand.u32 $0x380, v9;
	v6 =	vand.u32 $0x3800, v6;
	v13 =	vor.u32 v43, v11;
	v38 =	vld [tilespmem:$0x1FE40]  }
0x10b: {  	v50 =	vmovc v51;
	v51 =	vmovc v52;
	v9 =	vand.u32 $0x380, v2;
	v52 =	vor.u32 v2, v6;
	v2 =	vor.u32 v26, v49  }
0x10c: {  	v34 =	vmovc v40;
	v14 =	vor.u32 v27, v35;
	v0 =	vand.u32 $0x3800, v0;
	v53 =	vor.u32 v29, v11  }
0x10d: {  	v40 =	vmovc v48;
	v55 =	vor.u32 v29, v63;
	v29 =	vld [tilespmem:$0x1FE50];
	v6 =	vor.u32 v9, v6;
	v8 =	vadd.f32 v8, v32  }
0x10e: {  	v48 =	vor.u32 v4, v0;
	v0 =	vor.u32 v19, v47;
	v61 =	vor.u32 v25, v6;
	v5 =	vld.idx.msk [tilespmem:v5+s17+$0x0], $0xffff  }
0x10f: {  	v9 =	vor.u32 v38, v63;
	[tilespmem:v13+s25+$0x0] =	vst.idx.msk $0xffff, v8;
	v8 =	vor.u32 v38, v11;
	v38 =	vld [tilespmem:$0x1FE90]  }
0x110: {  	[tilespmem:v2+s25+$0x0] =	vst.idx.msk $0xffff, v3;
	v3 =	vor.u32 v25, v48;
	v25 =	vld [tilespmem:$0x1FEA0]  }
0x111: {  	v33 =	vld [tilespmem:$0x1FE60];
	v10 =	vadd.f32 v10, v44;
	v13 =	vor.u32 v19, v1  }
0x112: {  	v2 =	vld.idx.msk [tilespmem:v12+s17+$0x0], $0xffff;
	v12 =	vor.u32 v29, v41  }
0x113: {  	[tilespmem:v61+s25+$0x0] =	vst.idx.msk $0xffff, v10;
	v60 =	vadd.f32 v60, v46;
	v4 =	vld.idx.msk [tilespmem:v14+s17+$0x0], $0xffff;
	v14 =	vor.u32 v16, v40  }
0x114: {  	v62 =	vor.u32 v15, v45;
	v0 =	vld.idx.msk [tilespmem:v0+s17+$0x0], $0xffff;
	v7 =	vadd.f32 v7, v54;
	v15 =	vor.u32 v38, v49  }
0x115: {  	v16 =	vld [tilespmem:$0x1FF60];
	v61 =	vor.u32 v25, v42;
	[tilespmem:v3+s25+$0x0] =	vst.idx.msk $0xffff, v60  }
0x116: {  	v5 =	vadd.f32 v5, v37;
	[tilespmem:v9+s25+$0x0] =	vst.idx.msk $0xffff, v7;
	v9 =	vld.idx.msk [tilespmem:v13+s17+$0x0], $0xffff  }
0x117: {  	v2 =	vadd.f32 v2, v36;
	v49 =	vmovc v56;
	v56 =	vmov v6;
	v6 =	vor.u32 v29, v35;
	v29 =	vld [tilespmem:$0x1FEC0]  }
0x118: {  	v3 =	vld.idx.msk [tilespmem:v12+s17+$0x0], $0xffff;
	[tilespmem:v14+s25+$0x0] =	vst.idx.msk $0xffff, v5  }
0x119: {  	v14 =	vld [tilespmem:$0x1FEE0];
	[tilespmem:v15+s25+$0x0] =	vst.idx.msk $0xffff, v2  }
0x11a: {  	v10 =	vld.idx.msk [tilespmem:v61+s17+$0x0], $0xffff  }
0x11b: {  	v4 =	vadd.f32 v4, v32;
	v61 =	vor.u32 v26, v40;
	v26 =	vld [tilespmem:$0x1FEB0]  }
0x11c: {  	v57 =	vor.u32 v33, v35;
	v12 =	vor.u32 v20, v56  }
0x11d: {  	v60 =	vor.u32 v21, v1;
	v13 =	vld.idx.msk [tilespmem:v62+s17+$0x0], $0xffff;
	[tilespmem:v8+s25+$0x0] =	vst.idx.msk $0xffff, v4;
	v4 =	vor.u32 v16, v63  }
0x11e: {  	v5 =	vor.u32 v14, v35;
	v2 =	vor.u32 v14, v41;
	v14 =	vor.u32 v21, v47  }
0x11f: {  	v0 =	vadd.f32 v0, v44;
	v7 =	vor.u32 v33, v41;
	v8 =	vor.u32 v20, v48  }
0x120: {  	v15 =	vor.u32 v29, v39;
	v6 =	vld.idx.msk [tilespmem:v6+s17+$0x0], $0xffff;
	v41 =	vor.u32 v16, v11;
	v16 =	vor.u32 v26, v50  }
0x121: {  	v3 =	vadd.f32 v3, v54;
	[tilespmem:v12+s25+$0x0] =	vst.idx.msk $0xffff, v0;
	v0 =	vor.u32 v29, v42;
	v29 =	vld [tilespmem:$0x1FE80]  }
0x122: {  	v33 =	vor.u32 v24, v45;
	v35 =	vmovc v39;
	v12 =	vadd.f32 v13, v37;
	v13 =	vor.u32 v26, v34;
	v26 =	vld [tilespmem:$0x1FF00]  }
0x123: {  	v39 =	vmov v45;
	v45 =	vmov v1;
	v1 =	vld.idx.msk [tilespmem:v14+s17+$0x0], $0xffff;
	[tilespmem:v4+s25+$0x0] =	vst.idx.msk $0xffff, v3;
	v4 =	vadd.f32 v10, v36  }
0x124: {  	v9 =	vadd.f32 v9, v46;
	v2 =	vld.idx.msk [tilespmem:v2+s17+$0x0], $0xffff  }
0x125: {  	[tilespmem:v16+s25+$0x0] =	vst.idx.msk $0xffff, v4;
	v16 =	vld [tilespmem:$0x1FEF0]  }
0x126: {  	[tilespmem:v8+s25+$0x0] =	vst.idx.msk $0xffff, v9;
	v6 =	vadd.f32 v6, v32  }
0x127: {  	v8 =	vld.idx.msk [tilespmem:v60+s17+$0x0], $0xffff;
	[tilespmem:v61+s25+$0x0] =	vst.idx.msk $0xffff, v12;
	v3 =	vadd.f32 v58, v17  }
0x128: {  	v12 =	vld.idx.msk [tilespmem:v33+s17+$0x0], $0xffff;
	[tilespmem:v41+s25+$0x0] =	vst.idx.msk $0xffff, v6  }
0x129: {  	v24 =	vmov v28;
	v28 =	vor.u32 v29, v59;
	v33 =	vld [tilespmem:$0x1FED0];
	v10 =	vor.u32 v26, v56;
	[tilespmem:v13+s25+$0x0] =	vst.idx.msk $0xffff, v3  }
0x12a: {  	v14 =	vor.u32 v22, v47;
	v5 =	vld.idx.msk [tilespmem:v5+s17+$0x0], $0xffff;
	v4 =	vor.u32 v16, v63  }
0x12b: {  	v6 =	vor.u32 v16, v11;
	v11 =	vor.u32 v26, v48;
	v26 =	vld [tilespmem:$0x1FE10]  }
0x12c: {  	v13 =	vor.u32 v22, v45;
	v0 =	vld.idx.msk [tilespmem:v0+s17+$0x0], $0xffff;
	v1 =	vadd.f32 v1, v44;
	v16 =	vor.u32 v38, v40  }
0x12d: {  	v58 =	vor.u32 v25, v39;
	v8 =	vadd.f32 v8, v46;
	v15 =	vld.idx.msk [tilespmem:v15+s17+$0x0], $0xffff;
	v2 =	vadd.f32 v2, v54  }
0x12e: {  	v9 =	vld.idx.msk [tilespmem:v28+s17+$0x0], $0xffff;
	v60 =	vor.u32 v33, v50;
	v12 =	vadd.f32 v12, v37;
	[tilespmem:v10+s25+$0x0] =	vst.idx.msk $0xffff, v1  }
0x12f: {  	v10 =	vld.idx.msk [tilespmem:v14+s17+$0x0], $0xffff;
	v14 =	vor.u32 v33, v34;
	v5 =	vadd.f32 v5, v32;
	[tilespmem:v4+s25+$0x0] =	vst.idx.msk $0xffff, v2  }
0x130: {  	v3 =	vor.u32 v26, v35;
	v1 =	vor.u32 v26, v42;
	[tilespmem:v11+s25+$0x0] =	vst.idx.msk $0xffff, v8;
	v7 =	vld.idx.msk [tilespmem:v7+s17+$0x0], $0xffff  }
0x131: {  	v2 =	vor.u32 v31, v49;
	v8 =	vld.idx.msk [tilespmem:v13+s17+$0x0], $0xffff;
	[tilespmem:v16+s25+$0x0] =	vst.idx.msk $0xffff, v12;
	v13 =	vmov v18  }
0x132: {  	v18 =	vmovc v19;
	v19 =	vmovc v20;
	v20 =	vmov v21;
	v21 =	vmov v24;
	v24 =	vld [tilespmem:$0x1FE20];
	v12 =	vadd.f32 v15, v17  }
0x133: {  	v0 =	vadd.f32 v0, v36;
	v4 =	vor.u32 v30, v59;
	v58 =	vld.idx.msk [tilespmem:v58+s17+$0x0], $0xffff;
	[tilespmem:v6+s25+$0x0] =	vst.idx.msk $0xffff, v5  }
0x134: {  	p2 =	slt.u32 s9, $0x3E;
	v41 =	vmov v42;
	v33 =	vor.u32 v21, v56;
	[tilespmem:v14+s25+$0x0] =	vst.idx.msk $0xffff, v12;
	v12 =	vld [tilespmem:$0x1FF90]  }
.Ltmp2:
0x135: {  	[tilespmem:v60+s25+$0x0] =	vst.idx.msk $0xffff, v0;
	v0 =	vadd.f32 v9, v23;
	v42 =	vadd.f32 v10, v44;
	v57 =	vld.idx.msk [tilespmem:v57+s17+$0x0], $0xffff;
	(pc) =	sbr.rel @p2 .LBB2_6-.Ltmp2, $4  }
0x136: {  	v61 =	vor.u32 v43, v50;
	v38 =	vmovc v23;
	v26 =	vmov v17;
	v60 =	vor.u32 v27, v41;
	v1 =	vld.idx.msk [tilespmem:v1+s17+$0x0], $0xffff  }
0x137: {  	v63 =	vor.u32 v21, v48;
	v5 =	vor.u32 v29, v45;
	[tilespmem:v2+s25+$0x0] =	vst.idx.msk $0xffff, v0;
	v0 =	vld.idx.msk [tilespmem:v3+s17+$0x0], $0xffff  }
0x138: {  	v4 =	vld.idx.msk [tilespmem:v4+s17+$0x0], $0xffff;
	v2 =	vor.u32 v24, v50;
	v54 =	vadd.f32 v7, v54;
	v6 =	vadd.f32 v8, v46  }
0x139: {  	[tilespmem:v33+s25+$0x0] =	vst.idx.msk $0xffff, v42;
	v42 =	vmov v59;
	v62 =	vor.u32 v12, v35;
	v3 =	vor.u32 v12, v41  }
0x13a: {  	v7 =	vld [tilespmem:$0x1FE80];
	_ =	sdelay $0x4  }
0x13b: {  	v7 =	vor.u32 v7, v47  }
0x13c: {  	v28 =	vmov v22;
	v22 =	vld [tilespmem:$0x1FF00];
	[tilespmem:v63+s25+$0x0] =	vst.idx.msk $0xffff, v6  }
0x13d: {  	v17 =	vld [tilespmem:$0x1FF70];
	_ =	sdelay $0x2  }
0x13e: {  	v63 =	vld.idx.msk [tilespmem:v7+s17+$0x0], $0xffff;
	_ =	sdelay $0x1  }
0x13f: {  	v33 =	vor.u32 v17, v56  }
0x140: {  	v59 =	vld [tilespmem:$0x1FF30];
	_ =	sdelay $0x1  }
0x141: {  	v6 =	vadd.f32 v63, v44  }
0x142: {  	v5 =	vld.idx.msk [tilespmem:v5+s17+$0x0], $0xffff  }
0x143: {  	[tilespmem:v33+s25+$0x0] =	vst.idx.msk $0xffff, v6  }
0x144: {  	v8 =	vor.u32 v17, v48;
	v9 =	vor.u32 v59, v47;
	v31 =	vld [tilespmem:$0x1FF80];
	_ =	sdelay $0x2  }
0x145: {  	v5 =	vadd.f32 v5, v46;
	_ =	sdelay $0x1  }
0x146: {  	v10 =	vor.u32 v59, v45;
	[tilespmem:v8+s25+$0x0] =	vst.idx.msk $0xffff, v5;
	v63 =	vld.idx.msk [tilespmem:v9+s17+$0x0], $0xffff;
	v43 =	vor.u32 v31, v49  }
0x147: {  	v25 =	vld [tilespmem:$0x1FF40]  }
0x148: {  	v9 =	vor.u32 v31, v56  }
0x149: {  	v4 =	vadd.f32 v4, v38;
	_ =	sdelay $0x1  }
0x14a: {  	v8 =	vld.idx.msk [tilespmem:v10+s17+$0x0], $0xffff;
	[tilespmem:v43+s25+$0x0] =	vst.idx.msk $0xffff, v4;
	v43 =	vadd.f32 v63, v44  }
0x14b: {  	v33 =	vor.u32 v25, v42  }
0x14c: {  	v10 =	vor.u32 v31, v48;
	v11 =	vor.u32 v25, v47;
	[tilespmem:v9+s25+$0x0] =	vst.idx.msk $0xffff, v43  }
0x14d: {  	v30 =	vld [tilespmem:$0x1FFA0];
	_ =	sdelay $0x1  }
0x14e: {  	v63 =	vadd.f32 v8, v46  }
0x14f: {  	v5 =	vld.idx.msk [tilespmem:v33+s17+$0x0], $0xffff  }
0x150: {  	[tilespmem:v10+s25+$0x0] =	vst.idx.msk $0xffff, v63;
	v33 =	vld.idx.msk [tilespmem:v11+s17+$0x0], $0xffff  }
0x151: {  	v12 =	vor.u32 v25, v45;
	v63 =	vld [tilespmem:$0x1FF50];
	v4 =	vor.u32 v30, v49  }
0x152: {  	v9 =	vor.u32 v30, v56;
	_ =	sdelay $0x1  }
0x153: {  	v5 =	vadd.f32 v5, v38  }
0x154: {  	v33 =	vadd.f32 v33, v44  }
0x155: {  	v8 =	vld.idx.msk [tilespmem:v12+s17+$0x0], $0xffff;
	v43 =	vor.u32 v63, v42;
	[tilespmem:v4+s25+$0x0] =	vst.idx.msk $0xffff, v5  }
0x156: {  	[tilespmem:v9+s25+$0x0] =	vst.idx.msk $0xffff, v33  }
0x157: {  	v10 =	vor.u32 v30, v48;
	v11 =	vor.u32 v63, v47;
	v14 =	vld [tilespmem:$0x1FE90];
	_ =	sdelay $0x2  }
0x158: {  	v5 =	vld.idx.msk [tilespmem:v43+s17+$0x0], $0xffff;
	v43 =	vadd.f32 v8, v46;
	_ =	sdelay $0x1  }
0x159: {  	[tilespmem:v10+s25+$0x0] =	vst.idx.msk $0xffff, v43;
	v43 =	vld.idx.msk [tilespmem:v11+s17+$0x0], $0xffff;
	v33 =	vor.u32 v14, v49  }
0x15a: {  	v16 =	vmov v13;
	v12 =	vor.u32 v63, v45;
	v13 =	vld [tilespmem:$0x1FEA0]  }
0x15b: {  	v9 =	vor.u32 v14, v56  }
0x15c: {  	v5 =	vadd.f32 v5, v38;
	_ =	sdelay $0x1  }
0x15d: {  	[tilespmem:v33+s25+$0x0] =	vst.idx.msk $0xffff, v5;
	v33 =	vadd.f32 v43, v44  }
0x15e: {  	v8 =	vld.idx.msk [tilespmem:v12+s17+$0x0], $0xffff;
	v49 =	vor.u32 v13, v42  }
0x15f: {  	[tilespmem:v9+s25+$0x0] =	vst.idx.msk $0xffff, v33  }
0x160: {  	v10 =	vor.u32 v14, v48;
	v11 =	vor.u32 v13, v47;
	v12 =	vor.u32 v13, v45;
	v13 =	vld [tilespmem:$0x1FEB0];
	_ =	sdelay $0x2  }
0x161: {  	v43 =	vadd.f32 v8, v46;
	v5 =	vld.idx.msk [tilespmem:v49+s17+$0x0], $0xffff;
	_ =	sdelay $0x1  }
0x162: {  	[tilespmem:v10+s25+$0x0] =	vst.idx.msk $0xffff, v43;
	v56 =	vld.idx.msk [tilespmem:v11+s17+$0x0], $0xffff;
	v49 =	vor.u32 v13, v51  }
0x163: {  	v15 =	vld [tilespmem:$0x1FEC0];
	v8 =	vor.u32 v13, v40  }
0x164: {  	v11 =	vor.u32 v13, v52  }
0x165: {  	v5 =	vadd.f32 v5, v38  }
0x166: {  	v14 =	vadd.f32 v58, v37  }
0x167: {  	v9 =	vld.idx.msk [tilespmem:v12+s17+$0x0], $0xffff;
	v43 =	vadd.f32 v56, v44;
	[tilespmem:v49+s25+$0x0] =	vst.idx.msk $0xffff, v5  }
0x168: {  	v33 =	vor.u32 v15, v42;
	[tilespmem:v8+s25+$0x0] =	vst.idx.msk $0xffff, v14  }
0x169: {  	v13 =	vor.u32 v13, v48;
	v10 =	vor.u32 v15, v39;
	[tilespmem:v11+s25+$0x0] =	vst.idx.msk $0xffff, v43  }
0x16a: {  	v23 =	vld [tilespmem:$0x1FED0]  }
0x16b: {  	v1 =	vadd.f32 v1, v36;
	v12 =	vor.u32 v15, v47  }
0x16c: {  	v49 =	vadd.f32 v9, v46  }
0x16d: {  	v15 =	vor.u32 v15, v45;
	v5 =	vld.idx.msk [tilespmem:v33+s17+$0x0], $0xffff;
	[tilespmem:v2+s25+$0x0] =	vst.idx.msk $0xffff, v1  }
0x16e: {  	v56 =	vor.u32 v24, v34;
	v8 =	vld.idx.msk [tilespmem:v10+s17+$0x0], $0xffff;
	[tilespmem:v13+s25+$0x0] =	vst.idx.msk $0xffff, v49  }
0x16f: {  	v14 =	vld [tilespmem:$0x1FE10];
	v58 =	vor.u32 v23, v51  }
0x170: {  	v9 =	vld.idx.msk [tilespmem:v12+s17+$0x0], $0xffff;
	v43 =	vor.u32 v23, v40  }
0x171: {  	v0 =	vadd.f32 v0, v26;
	v3 =	vld.idx.msk [tilespmem:v3+s17+$0x0], $0xffff  }
0x172: {  	v6 =	vld.idx.msk [tilespmem:v15+s17+$0x0], $0xffff;
	v11 =	vor.u32 v23, v52;
	v5 =	vadd.f32 v5, v38  }
0x173: {  	[tilespmem:v56+s25+$0x0] =	vst.idx.msk $0xffff, v0;
	v49 =	vadd.f32 v8, v37  }
0x174: {  	v13 =	vor.u32 v23, v48;
	v33 =	vor.u32 v14, v42;
	[tilespmem:v58+s25+$0x0] =	vst.idx.msk $0xffff, v5  }
0x175: {  	v8 =	vld.idx.msk [tilespmem:v62+s17+$0x0], $0xffff;
	v56 =	vadd.f32 v9, v44;
	[tilespmem:v43+s25+$0x0] =	vst.idx.msk $0xffff, v49  }
0x176: {  	v62 =	vadd.f32 v3, v36;
	v10 =	vor.u32 v14, v39;
	v15 =	vld [tilespmem:$0x1FFF0]  }
0x177: {  	v58 =	vadd.f32 v6, v46;
	[tilespmem:v11+s25+$0x0] =	vst.idx.msk $0xffff, v56  }
0x178: {  	[tilespmem:v61+s25+$0x0] =	vst.idx.msk $0xffff, v62  }
0x179: {  	v1 =	vld.idx.msk [tilespmem:v33+s17+$0x0], $0xffff;
	[tilespmem:v13+s25+$0x0] =	vst.idx.msk $0xffff, v58  }
0x17a: {  	v12 =	vor.u32 v14, v47;
	v13 =	vld [tilespmem:$0x1FF90]  }
0x17b: {  	v43 =	vld.idx.msk [tilespmem:v10+s17+$0x0], $0xffff;
	v33 =	vor.u32 v15, v34  }
0x17c: {  	v49 =	vor.u32 v24, v51  }
0x17d: {  	v7 =	vor.u32 v14, v45;
	v61 =	vor.u32 v24, v40  }
0x17e: {  	v8 =	vadd.f32 v8, v26  }
0x17f: {  	v56 =	vld.idx.msk [tilespmem:v12+s17+$0x0], $0xffff;
	v1 =	vadd.f32 v1, v38;
	v58 =	vor.u32 v13, v42  }
0x180: {  	v62 =	vadd.f32 v43, v37;
	v9 =	vor.u32 v13, v39;
	[tilespmem:v33+s25+$0x0] =	vst.idx.msk $0xffff, v8  }
0x181: {  	v10 =	vor.u32 v24, v52;
	v33 =	vmov v26;
	v26 =	vld [tilespmem:$0x1FE30];
	[tilespmem:v49+s25+$0x0] =	vst.idx.msk $0xffff, v1  }
0x182: {  	v7 =	vld.idx.msk [tilespmem:v7+s17+$0x0], $0xffff;
	[tilespmem:v61+s25+$0x0] =	vst.idx.msk $0xffff, v62  }
0x183: {  	v27 =	vld [tilespmem:$0x1FE40]  }
0x184: {  	v43 =	vadd.f32 v56, v44;
	v0 =	vld.idx.msk [tilespmem:v58+s17+$0x0], $0xffff  }
0x185: {  	v12 =	vor.u32 v24, v48;
	v11 =	vor.u32 v13, v47;
	v58 =	vld.idx.msk [tilespmem:v9+s17+$0x0], $0xffff  }
0x186: {  	v5 =	vor.u32 v13, v45;
	v13 =	vld.idx.msk [tilespmem:v60+s17+$0x0], $0xffff;
	v61 =	vor.u32 v15, v51;
	[tilespmem:v10+s25+$0x0] =	vst.idx.msk $0xffff, v43  }
0x187: {  	v10 =	vor.u32 v15, v40;
	v23 =	vld [tilespmem:$0x1FE50]  }
0x188: {  	v49 =	vadd.f32 v7, v46;
	v8 =	vor.u32 v26, v35;
	v56 =	vor.u32 v27, v50  }
0x189: {  	v0 =	vadd.f32 v0, v38  }
0x18a: {  	[tilespmem:v12+s25+$0x0] =	vst.idx.msk $0xffff, v49;
	v49 =	vadd.f32 v58, v37  }
0x18b: {  	v62 =	vld.idx.msk [tilespmem:v11+s17+$0x0], $0xffff;
	v11 =	vadd.f32 v13, v36;
	[tilespmem:v61+s25+$0x0] =	vst.idx.msk $0xffff, v0  }
0x18c: {  	v60 =	vor.u32 v23, v41;
	[tilespmem:v10+s25+$0x0] =	vst.idx.msk $0xffff, v49  }
0x18d: {  	v8 =	vld.idx.msk [tilespmem:v8+s17+$0x0], $0xffff;
	[tilespmem:v56+s25+$0x0] =	vst.idx.msk $0xffff, v11  }
0x18e: {  	v29 =	vld [tilespmem:$0x1FF60]  }
0x18f: {  	v5 =	vld.idx.msk [tilespmem:v5+s17+$0x0], $0xffff  }
0x190: {  	v13 =	vor.u32 v15, v52;
	v9 =	vor.u32 v26, v42  }
0x191: {  	v15 =	vor.u32 v15, v48;
	v12 =	vor.u32 v26, v39;
	v1 =	vld.idx.msk [tilespmem:v60+s17+$0x0], $0xffff  }
0x192: {  	v14 =	vor.u32 v26, v47;
	v4 =	vor.u32 v26, v45;
	v43 =	vor.u32 v27, v34  }
0x193: {  	v56 =	vadd.f32 v62, v44;
	v61 =	vadd.f32 v8, v33;
	v8 =	vor.u32 v29, v50  }
0x194: {  	v60 =	vadd.f32 v5, v46  }
0x195: {  	v58 =	vld.idx.msk [tilespmem:v9+s17+$0x0], $0xffff;
	[tilespmem:v13+s25+$0x0] =	vst.idx.msk $0xffff, v56  }
0x196: {  	v9 =	vld.idx.msk [tilespmem:v12+s17+$0x0], $0xffff;
	[tilespmem:v15+s25+$0x0] =	vst.idx.msk $0xffff, v60;
	v1 =	vadd.f32 v1, v36  }
0x197: {  	v10 =	vld.idx.msk [tilespmem:v14+s17+$0x0], $0xffff;
	[tilespmem:v43+s25+$0x0] =	vst.idx.msk $0xffff, v61  }
0x198: {  	v6 =	vor.u32 v23, v35;
	v62 =	vor.u32 v27, v51;
	v4 =	vld.idx.msk [tilespmem:v4+s17+$0x0], $0xffff;
	[tilespmem:v8+s25+$0x0] =	vst.idx.msk $0xffff, v1  }
0x199: {  	v49 =	vor.u32 v23, v42;
	v43 =	vor.u32 v27, v40;
	v26 =	vld [tilespmem:$0x1FEE0]  }
0x19a: {  	v11 =	vor.u32 v27, v52;
	v56 =	vor.u32 v23, v39  }
0x19b: {  	v12 =	vor.u32 v27, v48;
	v13 =	vor.u32 v23, v47;
	v7 =	vadd.f32 v58, v38  }
0x19c: {  	v58 =	vadd.f32 v9, v37  }
0x19d: {  	v6 =	vld.idx.msk [tilespmem:v6+s17+$0x0], $0xffff;
	v60 =	vadd.f32 v10, v44;
	v8 =	vor.u32 v23, v45;
	[tilespmem:v62+s25+$0x0] =	vst.idx.msk $0xffff, v7  }
0x19e: {  	v61 =	vadd.f32 v4, v46;
	[tilespmem:v43+s25+$0x0] =	vst.idx.msk $0xffff, v58;
	v3 =	vld.idx.msk [tilespmem:v49+s17+$0x0], $0xffff;
	v9 =	vor.u32 v26, v41  }
0x19f: {  	v62 =	vor.u32 v29, v34;
	[tilespmem:v11+s25+$0x0] =	vst.idx.msk $0xffff, v60;
	v43 =	vld.idx.msk [tilespmem:v56+s17+$0x0], $0xffff  }
0x1a0: {  	[tilespmem:v12+s25+$0x0] =	vst.idx.msk $0xffff, v61;
	v56 =	vor.u32 v29, v51;
	v58 =	vld.idx.msk [tilespmem:v13+s17+$0x0], $0xffff;
	v49 =	vor.u32 v26, v35  }
0x1a1: {  	v23 =	vld [tilespmem:$0x1FEF0];
	v61 =	vor.u32 v26, v42  }
0x1a2: {  	v10 =	vor.u32 v29, v40;
	v60 =	vadd.f32 v6, v33;
	v8 =	vld.idx.msk [tilespmem:v8+s17+$0x0], $0xffff  }
0x1a3: {  	v3 =	vadd.f32 v3, v38;
	v9 =	vld.idx.msk [tilespmem:v9+s17+$0x0], $0xffff  }
0x1a4: {  	v15 =	vor.u32 v29, v48;
	v13 =	vor.u32 v29, v52;
	[tilespmem:v62+s25+$0x0] =	vst.idx.msk $0xffff, v60  }
0x1a5: {  	v12 =	vor.u32 v26, v39;
	v62 =	vadd.f32 v43, v37;
	[tilespmem:v56+s25+$0x0] =	vst.idx.msk $0xffff, v3;
	v0 =	vld.idx.msk [tilespmem:v49+s17+$0x0], $0xffff  }
0x1a6: {  	v14 =	vor.u32 v26, v47;
	v11 =	vor.u32 v23, v50;
	v43 =	vor.u32 v26, v45;
	v5 =	vld.idx.msk [tilespmem:v61+s17+$0x0], $0xffff  }
0x1a7: {  	v60 =	vor.u32 v23, v34;
	v26 =	vld [tilespmem:$0x1FE60];
	[tilespmem:v10+s25+$0x0] =	vst.idx.msk $0xffff, v62;
	v49 =	vadd.f32 v58, v44  }
0x1a8: {  	v58 =	vadd.f32 v8, v46;
	v61 =	vadd.f32 v9, v36;
	v9 =	vor.u32 v23, v51  }
0x1a9: {  	[tilespmem:v13+s25+$0x0] =	vst.idx.msk $0xffff, v49  }
0x1aa: {  	[tilespmem:v15+s25+$0x0] =	vst.idx.msk $0xffff, v58;
	v0 =	vadd.f32 v0, v33  }
0x1ab: {  	v8 =	vld.idx.msk [tilespmem:v12+s17+$0x0], $0xffff;
	v5 =	vadd.f32 v5, v38;
	[tilespmem:v11+s25+$0x0] =	vst.idx.msk $0xffff, v61  }
0x1ac: {  	v10 =	vld.idx.msk [tilespmem:v14+s17+$0x0], $0xffff;
	v56 =	vor.u32 v26, v41;
	[tilespmem:v60+s25+$0x0] =	vst.idx.msk $0xffff, v0  }
0x1ad: {  	v2 =	vld.idx.msk [tilespmem:v43+s17+$0x0], $0xffff;
	v62 =	vor.u32 v26, v35;
	[tilespmem:v9+s25+$0x0] =	vst.idx.msk $0xffff, v5  }
0x1ae: {  	v35 =	vor.u32 v26, v42;
	v41 =	vor.u32 v23, v40;
	v15 =	vld [tilespmem:$0x1FE70]  }
0x1af: {  	v12 =	vor.u32 v23, v52;
	v11 =	vor.u32 v26, v39  }
0x1b0: {  	v14 =	vor.u32 v23, v48;
	v13 =	vor.u32 v26, v47  }
0x1b1: {  	v43 =	vor.u32 v26, v45;
	v42 =	vadd.f32 v8, v37;
	v4 =	vld.idx.msk [tilespmem:v56+s17+$0x0], $0xffff  }
0x1b2: {  	v45 =	vadd.f32 v10, v44;
	v3 =	vld.idx.msk [tilespmem:v62+s17+$0x0], $0xffff  }
0x1b3: {  	v47 =	vadd.f32 v2, v46;
	v1 =	vld.idx.msk [tilespmem:v35+s17+$0x0], $0xffff;
	[tilespmem:v41+s25+$0x0] =	vst.idx.msk $0xffff, v42;
	v8 =	vor.u32 v15, v50  }
0x1b4: {  	[tilespmem:v12+s25+$0x0] =	vst.idx.msk $0xffff, v45;
	v7 =	vld.idx.msk [tilespmem:v11+s17+$0x0], $0xffff;
	v49 =	vor.u32 v15, v34  }
0x1b5: {  	[tilespmem:v14+s25+$0x0] =	vst.idx.msk $0xffff, v47;
	v10 =	vld.idx.msk [tilespmem:v13+s17+$0x0], $0xffff;
	v50 =	vadd.f32 v57, v32;
	v9 =	vor.u32 v15, v51  }
0x1b6: {  	[tilespmem:v55+s25+$0x0] =	vst.idx.msk $0xffff, v54;
	v6 =	vld.idx.msk [tilespmem:v43+s17+$0x0], $0xffff;
	v54 =	vadd.f32 v4, v36;
	v55 =	vor.u32 v15, v40  }
0x1b7: {  	v3 =	vadd.f32 v3, v33;
	v56 =	vor.u32 v15, v52;
	[tilespmem:v53+s25+$0x0] =	vst.idx.msk $0xffff, v50  }
0x1b8: {  	v57 =	vadd.f32 v1, v38;
	v58 =	vor.u32 v15, v48;
	[tilespmem:v8+s25+$0x0] =	vst.idx.msk $0xffff, v54  }
0x1b9: {  	v60 =	vadd.f32 v7, v37;
	[tilespmem:v49+s25+$0x0] =	vst.idx.msk $0xffff, v3  }
.Ltmp3:
0x1ba: {  	s8 =	sshll.u32 s10, $0x8;
	v61 =	vadd.f32 v10, v44;
	[tilespmem:v9+s25+$0x0] =	vst.idx.msk $0xffff, v57;
	(pc) =	sbr.rel @!p0 .LBB2_8-.Ltmp3, $4  }
0x1bb: {  	s8 =	sand.u32 $0xE00, s8;
	v62 =	vadd.f32 v6, v46;
	[tilespmem:v55+s25+$0x0] =	vst.idx.msk $0xffff, v60  }
0x1bc: {  	s9 =	sshll.u32 s13, $0xF;
	s8 =	sadd.s32 s3, s8;
	[tilespmem:v56+s25+$0x0] =	vst.idx.msk $0xffff, v61  }
0x1bd: {  	s10 =	sadd.s32 s5, s20;
	s8 =	sadd.s32 s9, s8;
	[tilespmem:v58+s25+$0x0] =	vst.idx.msk $0xffff, v62  }
0x1be: {  	v14 =	vmovc v63;
	v45 =	vmov v17;
	v10 =	vmov v31;
	v58 =	vmov v59;
	[hbm4b:s8+s26] =	stream.strided.scatter [tilespmem:s25], [sflag:$0x4], $0x4000, s28, s26, $0x38;
	[tilespmem:$0x1E600] =	vst v63  }
0x1bf: {  	_ =	swait.ge [sflag:s29], $0x4000  }
.Ltmp4:
0x1c0: {  	[sflag:s29] =	ssyncset.done $0x0;
	(pc) =	sbr.rel .LBB2_10-.Ltmp4, $4  }
0x1c1: {  	[sflag:s29] =	ssyncadd.s32 $0xFFFFC000  }
0x1c2: {  	_ =	swait.ge [sflag:s29], $0x4000  }
0x1c3: {  	[sflag:s29] =	ssyncset.done $0x0  }
0x1c4: {  	v7 =	vlaneseq.u32;
	v56 =	vmov v16;
	[sflag:s29] =	ssyncadd.s32 $0xFFFFC000  }
.LBB2_8:
0x1c5: {  	_ =	swait.ge [sflag:s15], $0x100  }
0x1c6: {  	[sflag:s15] =	ssyncset.done $0x0  }
0x1c7: {  	s8 =	sadd.s32 $0x2, s10;
	[sflag:s15] =	ssyncadd.s32 $0xFFFFFF00  }
0x1c8: {  	[tilespmem:s17], [sflag:$0x3] =	stream.indirect.gather [hbm4b:s6+s16], $0x80, s12, s16, $0xb8;
	[tilespmem:$0x1E600] =	vst v63  }
0x1c9: {  	s9 =	sshll.u32 s8, $0x8  }
0x1ca: {  	[tilespmem:s18], [sflag:$0x3] =	stream.indirect.gather [hbm4b:s6+s16], $0x80, s14, s16, $0xb8;
	[tilespmem:$0x1E600] =	vst v63  }
0x1cb: {  	s11 =	sshll.u32 s8, $0xB;
	s8 =	sshll.u32 s8, $0x3;
	_ =	swait.ge [sflag:s29], $0x4000  }
0x1cc: {  	s9 =	sand.u32 $0xFFFF8000, s9;
	s11 =	sand.u32 $0x7800, s11;
	[sflag:s29] =	ssyncset.done $0x0  }
0x1cd: {  	s8 =	sand.u32 $0x380, s8;
	s9 =	sor.u32 s11, s9;
	[sflag:s29] =	ssyncadd.s32 $0xFFFFC000  }
0x1ce: {  	s8 =	sor.u32 s8, s9;
	_ =	swait.ge [sflag:s29], $0x4000  }
.Ltmp5:
0x1cf: {  	s8 =	sshrl.u32 s8, $0x3;
	[sflag:s29] =	ssyncset.done $0x0;
	(pc) =	sbr.rel @p1 .LBB2_11-.Ltmp5, $4  }
0x1d0: {  	s8 =	sadd.s32 s1, s8;
	[sflag:s29] =	ssyncadd.s32 $0xFFFFC000  }
0x1d1: {  	[tilespmem:s19], [sflag:$0x2] =	stream.linear.gather [hbm4b:s8+s4], $0x80, $0x38;
	[tilespmem:$0x1E600] =	vst v63  }
0x1d2: {  	s8 =	sadd.s32 $0x80, s8  }
0x1d3: {  	v7 =	vlaneseq.u32;
	v56 =	vmov v16;
	[tilespmem:s21], [sflag:$0x2] =	stream.linear.gather [hbm4b:s8+s4], $0x80, $0x38;
	[tilespmem:$0x1E600] =	vst v63  }
.LBB2_10:
0x1d4: {  	_ =	swait.ge [sflag:s30], $0x4000  }
0x1d5: {  	[sflag:s30] =	ssyncset.done $0x0  }
0x1d6: {  	[sflag:s30] =	ssyncadd.s32 $0xFFFFC000  }
.LBB2_11:
0x1d7: {  	s8 =	simm.s32 $0x0  }
0x1d8: {  	s9 =	sand.u32 $0xE, s8  }
0x1d9: {  	s13 =	sshrl.u32 s10, $0x4;
	v0 =	vadd.s32 s9, v7  }
0x1da: {  	s11 =	sshll.u32 s13, $0x7;
	s8 =	sand.u32 $0x30, s8;
	s9 =	sor.u32 $0x1, s9;
	v1 =	vand.u32 $0xF, v0  }
0x1db: {  	v48 =	vmov s11;
	v2 =	vadd.s32 s9, v7;
	v52 =	vor.u32 s8, v1  }
0x1dc: {  	v1 =	vand.u32 $0xF, v2;
	v2 =	vor.u32 v48, v52  }
0x1dd: {  	v3 =	vor.u32 v56, v52  }
0x1de: {  	v51 =	vor.u32 s8, v1  }
0x1df: {  	v4 =	vor.u32 v48, v51  }
0x1e0: {  	v5 =	vor.u32 v56, v51  }
0x1e1: {  	v0 =	vshll.u32 v0, $0x7;
	v6 =	vshll.u32 v52, $0x8;
	v32 =	vld.idx.msk [tilespmem:v2+s4+$0x0], $0xffff  }
0x1e2: {  	v0 =	vand.u32 $0x380, v0;
	v2 =	vld.idx.msk [tilespmem:v3+s22+$0x0], $0xffff;
	v3 =	vand.u32 $0x3800, v6  }
0x1e3: {  	v44 =	vshll.u32 v1, $0x7;
	v1 =	vshll.u32 v51, $0x8;
	v53 =	vor.u32 v0, v3  }
0x1e4: {  	v55 =	vand.u32 $0x3800, v1;
	v54 =	vld.idx.msk [tilespmem:v4+s4+$0x0], $0xffff;
	v0 =	vand.u32 $0x380, v44;
	v3 =	vor.u32 v7, v53  }
0x1e5: {  	v1 =	vld.idx.msk [tilespmem:v5+s22+$0x0], $0xffff;
	v46 =	vor.u32 v0, v55;
	v0 =	vor.u32 v18, v52;
	_ =	sdelay $0x1  }
0x1e6: {  	v4 =	vor.u32 v7, v46;
	v2 =	vadd.f32 v2, v32  }
0x1e7: {  	v5 =	vor.u32 v18, v51  }
0x1e8: {  	[tilespmem:v3+s31+$0x0] =	vst.idx.msk $0xffff, v2  }
0x1e9: {  	s9 =	simm.s32 $0x2;
	v1 =	vadd.f32 v1, v54;
	v0 =	vld.idx.msk [tilespmem:v0+s22+$0x0], $0xffff  }
0x1ea: {  	s11 =	sand.u32 $0xE, s9  }
0x1eb: {  	v2 =	vor.u32 v19, v53;
	[tilespmem:v4+s31+$0x0] =	vst.idx.msk $0xffff, v1;
	v4 =	vadd.s32 s11, v7  }
0x1ec: {  	s8 =	sand.u32 $0x30, s9;
	v1 =	vld.idx.msk [tilespmem:v5+s22+$0x0], $0xffff;
	v6 =	vand.u32 $0xF, v4  }
0x1ed: {  	v3 =	vor.u32 v20, v52;
	v35 =	vor.u32 s8, v6  }
0x1ee: {  	v5 =	vor.u32 v19, v46;
	v6 =	vor.u32 v48, v35;
	v0 =	vadd.f32 v0, v32  }
0x1ef: {  	v7 =	vor.u32 v20, v51  }
0x1f0: {  	[tilespmem:v2+s31+$0x0] =	vst.idx.msk $0xffff, v0;
	v0 =	vor.u32 v56, v35  }
0x1f1: {  	v1 =	vadd.f32 v1, v54  }
0x1f2: {  	v2 =	vld.idx.msk [tilespmem:v3+s22+$0x0], $0xffff  }
0x1f3: {  	[tilespmem:v5+s31+$0x0] =	vst.idx.msk $0xffff, v1;
	v33 =	vld.idx.msk [tilespmem:v6+s4+$0x0], $0xffff  }
0x1f4: {  	v4 =	vshll.u32 v4, $0x7;
	v1 =	vld.idx.msk [tilespmem:v7+s22+$0x0], $0xffff;
	v7 =	vshll.u32 v35, $0x8  }
0x1f5: {  	v4 =	vand.u32 $0x380, v4;
	v3 =	vor.u32 v22, v53;
	v6 =	vand.u32 $0x3800, v7;
	v0 =	vld.idx.msk [tilespmem:v0+s22+$0x0], $0xffff  }
0x1f6: {  	v50 =	vlaneseq.u32;
	v7 =	vor.u32 v22, v46;
	v34 =	vor.u32 v4, v6  }
0x1f7: {  	v6 =	vor.u32 v50, v34  }
0x1f8: {  	v2 =	vadd.f32 v2, v32  }
0x1f9: {  	v1 =	vadd.f32 v1, v54  }
0x1fa: {  	v5 =	vor.u32 v28, v52;
	[tilespmem:v3+s31+$0x0] =	vst.idx.msk $0xffff, v2;
	v0 =	vadd.f32 v0, v33  }
0x1fb: {  	v4 =	vor.u32 v28, v51;
	[tilespmem:v7+s31+$0x0] =	vst.idx.msk $0xffff, v1  }
0x1fc: {  	v2 =	vor.u32 v18, v35;
	[tilespmem:v6+s31+$0x0] =	vst.idx.msk $0xffff, v0  }
0x1fd: {  	v63 =	vld [tilespmem:$0x1FE80];
	_ =	sdelay $0x1  }
0x1fe: {  	v3 =	vld.idx.msk [tilespmem:v5+s22+$0x0], $0xffff  }
0x1ff: {  	v1 =	vld.idx.msk [tilespmem:v4+s22+$0x0], $0xffff  }
0x200: {  	v4 =	vor.u32 v21, v53;
	v2 =	vld.idx.msk [tilespmem:v2+s22+$0x0], $0xffff  }
0x201: {  	s9 =	sor.u32 $0x1, s11;
	v5 =	vor.u32 v21, v46;
	v0 =	vor.u32 v63, v52  }
0x202: {  	v7 =	vor.u32 v19, v34;
	v6 =	vadd.s32 s9, v50;
	v8 =	vor.u32 v63, v51  }
0x203: {  	v6 =	vand.u32 $0xF, v6;
	v3 =	vadd.f32 v3, v32  }
0x204: {  	v9 =	vor.u32 v20, v35;
	v41 =	vor.u32 s8, v6;
	v1 =	vadd.f32 v1, v54  }
0x205: {  	[tilespmem:v4+s31+$0x0] =	vst.idx.msk $0xffff, v3;
	v3 =	vor.u32 v48, v41;
	v2 =	vadd.f32 v2, v33  }
0x206: {  	v4 =	vor.u32 v56, v41;
	[tilespmem:v5+s31+$0x0] =	vst.idx.msk $0xffff, v1;
	v0 =	vld.idx.msk [tilespmem:v0+s22+$0x0], $0xffff  }
0x207: {  	v5 =	vshll.u32 v41, $0x8;
	[tilespmem:v7+s31+$0x0] =	vst.idx.msk $0xffff, v2;
	v2 =	vld.idx.msk [tilespmem:v8+s22+$0x0], $0xffff;
	v8 =	vshll.u32 v6, $0x7  }
0x208: {  	v1 =	vor.u32 v45, v53;
	v13 =	vand.u32 $0x3800, v5;
	[tilespmem:$0x1FD70] =	vst v8  }
0x209: {  	v6 =	vor.u32 v58, v52;
	v7 =	vld.idx.msk [tilespmem:v9+s22+$0x0], $0xffff;
	[tilespmem:$0x1FD80] =	vst v13  }
0x20a: {  	v49 =	vor.u32 v58, v51;
	v36 =	vld.idx.msk [tilespmem:v3+s4+$0x0], $0xffff;
	v3 =	vor.u32 v45, v46  }
0x20b: {  	v5 =	vor.u32 v22, v34;
	v8 =	vand.u32 $0x380, v8;
	v4 =	vld.idx.msk [tilespmem:v4+s22+$0x0], $0xffff;
	v0 =	vadd.f32 v0, v32  }
0x20c: {  	v59 =	vor.u32 v8, v13;
	v8 =	vor.u32 v28, v35  }
0x20d: {  	[tilespmem:v1+s31+$0x0] =	vst.idx.msk $0xffff, v0;
	v0 =	vor.u32 v50, v59;
	v1 =	vadd.f32 v2, v54  }
0x20e: {  	v2 =	vld.idx.msk [tilespmem:v6+s22+$0x0], $0xffff;
	v6 =	vadd.f32 v7, v33  }
0x20f: {  	v7 =	vor.u32 v18, v41;
	[tilespmem:v3+s31+$0x0] =	vst.idx.msk $0xffff, v1  }
0x210: {  	v1 =	vadd.f32 v4, v36;
	v3 =	vor.u32 v10, v53;
	[tilespmem:v5+s31+$0x0] =	vst.idx.msk $0xffff, v6;
	v4 =	vld.idx.msk [tilespmem:v49+s22+$0x0], $0xffff  }
0x211: {  	v5 =	vor.u32 v25, v52;
	v6 =	vld.idx.msk [tilespmem:v8+s22+$0x0], $0xffff  }
0x212: {  	s20 =	simm.s32 $0x4;
	[tilespmem:v0+s31+$0x0] =	vst.idx.msk $0xffff, v1;
	v0 =	vor.u32 v10, v46  }
0x213: {  	s11 =	sand.u32 $0xE, s20;
	v8 =	vor.u32 v25, v51;
	v1 =	vadd.f32 v2, v32;
	v2 =	vor.u32 v21, v34  }
0x214: {  	v60 =	vadd.s32 s11, v50;
	s9 =	sor.u32 $0x1, s11;
	v57 =	vor.u32 v63, v35;
	v7 =	vld.idx.msk [tilespmem:v7+s22+$0x0], $0xffff  }
0x215: {  	s8 =	sand.u32 $0x30, s20;
	[tilespmem:v3+s31+$0x0] =	vst.idx.msk $0xffff, v1;
	v1 =	vand.u32 $0xF, v60;
	v3 =	vadd.s32 s9, v50;
	v4 =	vadd.f32 v4, v54  }
0x216: {  	v37 =	vmovc v14;
	v5 =	vld.idx.msk [tilespmem:v5+s22+$0x0], $0xffff;
	v6 =	vadd.f32 v6, v33;
	v39 =	vor.u32 s8, v1;
	v1 =	vand.u32 $0xF, v3  }
0x217: {  	v3 =	vor.u32 v19, v59;
	v11 =	vor.u32 v48, v39;
	v42 =	vor.u32 s8, v1;
	[tilespmem:v0+s31+$0x0] =	vst.idx.msk $0xffff, v4  }
0x218: {  	v12 =	vor.u32 v14, v52;
	[tilespmem:v2+s31+$0x0] =	vst.idx.msk $0xffff, v6;
	v2 =	vor.u32 v48, v42;
	v4 =	vld.idx.msk [tilespmem:v8+s22+$0x0], $0xffff  }
0x219: {  	v16 =	vor.u32 v37, v51;
	v6 =	vadd.f32 v7, v36;
	v7 =	vor.u32 v30, v53;
	v8 =	vld.idx.msk [tilespmem:v57+s22+$0x0], $0xffff  }
0x21a: {  	v29 =	vmovc v19;
	v40 =	vor.u32 v30, v46;
	v17 =	vshll.u32 v1, $0x7;
	v61 =	vor.u32 v56, v42  }
0x21b: {  	v15 =	vor.u32 v45, v34;
	v19 =	vmovc v37;
	v62 =	vor.u32 v56, v39;
	v1 =	vshll.u32 v42, $0x8;
	[tilespmem:$0x1FD90] =	vst v17  }
0x21c: {  	v43 =	vand.u32 $0x380, v17;
	v17 =	vand.u32 $0x3800, v1;
	v5 =	vadd.f32 v5, v32;
	[tilespmem:v3+s31+$0x0] =	vst.idx.msk $0xffff, v6;
	v37 =	vld.idx.msk [tilespmem:v11+s4+$0x0], $0xffff  }
0x21d: {  	v0 =	vor.u32 v20, v41;
	v38 =	vld.idx.msk [tilespmem:v2+s4+$0x0], $0xffff;
	v2 =	vadd.f32 v4, v54;
	[tilespmem:$0x1FDA0] =	vst v17  }
0x21e: {  	v47 =	vor.u32 v58, v35;
	v1 =	vadd.f32 v8, v33;
	[tilespmem:v7+s31+$0x0] =	vst.idx.msk $0xffff, v5  }
0x21f: {  	v26 =	vmov v22;
	v22 =	vmov v10;
	v9 =	vor.u32 v18, v39;
	v4 =	vld.idx.msk [tilespmem:v61+s22+$0x0], $0xffff;
	[tilespmem:v40+s31+$0x0] =	vst.idx.msk $0xffff, v2  }
0x220: {  	v10 =	vshll.u32 v60, $0x7;
	v49 =	vor.u32 v43, v17;
	v3 =	vshll.u32 v39, $0x8;
	v8 =	vld.idx.msk [tilespmem:v62+s22+$0x0], $0xffff;
	[tilespmem:v15+s31+$0x0] =	vst.idx.msk $0xffff, v1  }
0x221: {  	v23 =	vmovc v18;
	v6 =	vand.u32 $0x380, v10;
	v3 =	vand.u32 $0x3800, v3;
	v1 =	vor.u32 v18, v42;
	v18 =	vld [tilespmem:$0x1FE90]  }
0x222: {  	v0 =	vld.idx.msk [tilespmem:v0+s22+$0x0], $0xffff;
	v2 =	vor.u32 v50, v49;
	v40 =	vor.u32 v6, v3  }
0x223: {  	v5 =	vor.u32 v50, v40;
	v7 =	vld.idx.msk [tilespmem:v47+s22+$0x0], $0xffff  }
0x224: {  	v6 =	vor.u32 v26, v59;
	v3 =	vld.idx.msk [tilespmem:v16+s22+$0x0], $0xffff  }
0x225: {  	v11 =	vld.idx.msk [tilespmem:v12+s22+$0x0], $0xffff;
	v15 =	vor.u32 v22, v34;
	v4 =	vadd.f32 v4, v38  }
0x226: {  	v43 =	vld [tilespmem:$0x1FEA0];
	v8 =	vadd.f32 v8, v37;
	v10 =	vor.u32 v18, v46  }
0x227: {  	v0 =	vadd.f32 v0, v36;
	[tilespmem:v2+s31+$0x0] =	vst.idx.msk $0xffff, v4;
	v46 =	vor.u32 v18, v53  }
0x228: {  	[tilespmem:v5+s31+$0x0] =	vst.idx.msk $0xffff, v8;
	v4 =	vadd.f32 v7, v33  }
0x229: {  	v2 =	vadd.f32 v3, v54;
	[tilespmem:v6+s31+$0x0] =	vst.idx.msk $0xffff, v0  }
0x22a: {  	v16 =	vor.u32 v25, v35;
	v0 =	vadd.f32 v11, v32;
	[tilespmem:v15+s31+$0x0] =	vst.idx.msk $0xffff, v4  }
0x22b: {  	v47 =	vor.u32 v43, v51;
	[tilespmem:v10+s31+$0x0] =	vst.idx.msk $0xffff, v2  }
0x22c: {  	v1 =	vld.idx.msk [tilespmem:v1+s22+$0x0], $0xffff;
	[tilespmem:v46+s31+$0x0] =	vst.idx.msk $0xffff, v0  }
0x22d: {  	v12 =	vor.u32 v28, v41;
	v62 =	vld [tilespmem:$0x1FEB0]  }
0x22e: {  	v5 =	vld.idx.msk [tilespmem:v9+s22+$0x0], $0xffff  }
0x22f: {  	v0 =	vld.idx.msk [tilespmem:v16+s22+$0x0], $0xffff  }
0x230: {  	v2 =	vor.u32 v29, v49;
	v6 =	vld.idx.msk [tilespmem:v47+s22+$0x0], $0xffff  }
0x231: {  	v60 =	vor.u32 v44, v55;
	v8 =	vor.u32 v29, v40;
	v3 =	vor.u32 v43, v52;
	v61 =	vld [tilespmem:$0x1FEC0]  }
0x232: {  	v7 =	vld.idx.msk [tilespmem:v12+s22+$0x0], $0xffff;
	v10 =	vor.u32 v62, v60  }
0x233: {  	v44 =	vor.u32 v30, v34;
	v4 =	vor.u32 v20, v42;
	v1 =	vadd.f32 v1, v38  }
0x234: {  	v9 =	vor.u32 v20, v39;
	v12 =	vor.u32 v21, v59;
	v5 =	vadd.f32 v5, v37  }
0x235: {  	[tilespmem:v2+s31+$0x0] =	vst.idx.msk $0xffff, v1;
	v1 =	vadd.f32 v6, v54  }
0x236: {  	v3 =	vld.idx.msk [tilespmem:v3+s22+$0x0], $0xffff;
	[tilespmem:v8+s31+$0x0] =	vst.idx.msk $0xffff, v5;
	v0 =	vadd.f32 v0, v33;
	v47 =	vor.u32 v61, v51  }
0x237: {  	v46 =	vor.u32 v19, v35;
	[tilespmem:v10+s31+$0x0] =	vst.idx.msk $0xffff, v1;
	v1 =	vadd.f32 v7, v36  }
0x238: {  	v5 =	vor.u32 v63, v41;
	v2 =	vld.idx.msk [tilespmem:v4+s22+$0x0], $0xffff;
	v4 =	vor.u32 v62, v53;
	[tilespmem:v44+s31+$0x0] =	vst.idx.msk $0xffff, v0  }
0x239: {  	v8 =	vld.idx.msk [tilespmem:v9+s22+$0x0], $0xffff;
	[tilespmem:v12+s31+$0x0] =	vst.idx.msk $0xffff, v1  }
0x23a: {  	v27 =	vmovc v28;
	v6 =	vor.u32 v61, v52;
	v0 =	vor.u32 v28, v42;
	v44 =	vor.u32 v28, v39;
	v28 =	vld [tilespmem:$0x1FED0]  }
0x23b: {  	v3 =	vadd.f32 v3, v32;
	v7 =	vor.u32 v26, v49;
	v9 =	vld.idx.msk [tilespmem:v47+s22+$0x0], $0xffff  }
0x23c: {  	v1 =	vld.idx.msk [tilespmem:v46+s22+$0x0], $0xffff  }
0x23d: {  	[tilespmem:v4+s31+$0x0] =	vst.idx.msk $0xffff, v3;
	v3 =	vld.idx.msk [tilespmem:v5+s22+$0x0], $0xffff  }
0x23e: {  	v57 =	vmov v21;
	v2 =	vadd.f32 v2, v38;
	v47 =	vor.u32 v26, v40;
	v21 =	vld [tilespmem:$0x1FE10]  }
0x23f: {  	v5 =	vld.idx.msk [tilespmem:v6+s22+$0x0], $0xffff;
	v46 =	vor.u32 v28, v60  }
0x240: {  	[tilespmem:v7+s31+$0x0] =	vst.idx.msk $0xffff, v2;
	v2 =	vor.u32 v45, v59  }
0x241: {  	v6 =	vadd.f32 v8, v37;
	v8 =	vor.u32 v28, v53  }
0x242: {  	v7 =	vadd.f32 v9, v54  }
0x243: {  	[tilespmem:v47+s31+$0x0] =	vst.idx.msk $0xffff, v6;
	v3 =	vadd.f32 v3, v36  }
0x244: {  	v4 =	vor.u32 v21, v51;
	v5 =	vadd.f32 v5, v32;
	[tilespmem:v46+s31+$0x0] =	vst.idx.msk $0xffff, v7  }
0x245: {  	v55 =	vmov v19;
	v19 =	vld [tilespmem:$0x1FE30];
	[tilespmem:v2+s31+$0x0] =	vst.idx.msk $0xffff, v3  }
0x246: {  	v6 =	vor.u32 v58, v41;
	v11 =	vld.idx.msk [tilespmem:v44+s22+$0x0], $0xffff;
	[tilespmem:v8+s31+$0x0] =	vst.idx.msk $0xffff, v5  }
0x247: {  	v31 =	vmov v20;
	v47 =	vor.u32 v18, v34;
	v20 =	vld [tilespmem:$0x1FF90]  }
0x248: {  	v0 =	vld.idx.msk [tilespmem:v0+s22+$0x0], $0xffff;
	v9 =	vor.u32 v21, v52  }
0x249: {  	s9 =	simm.s32 $0x6;
	v44 =	vor.u32 v57, v40;
	v4 =	vld.idx.msk [tilespmem:v4+s22+$0x0], $0xffff  }
0x24a: {  	s8 =	sand.u32 $0xE, s9;
	v1 =	vadd.f32 v1, v33;
	v7 =	vor.u32 v57, v49  }
0x24b: {  	s20 =	sor.u32 $0x1, s8;
	v46 =	vor.u32 v63, v39;
	v2 =	vor.u32 v24, v60;
	v5 =	vld.idx.msk [tilespmem:v6+s22+$0x0], $0xffff  }
0x24c: {  	v11 =	vadd.f32 v11, v37;
	v63 =	vld [tilespmem:$0x1FFF0];
	[tilespmem:v47+s31+$0x0] =	vst.idx.msk $0xffff, v1;
	v47 =	vadd.s32 s20, v50;
	v6 =	vor.u32 v20, v51  }
0x24d: {  	v14 =	vor.u32 v45, v40;
	v0 =	vadd.f32 v0, v38;
	v8 =	vld.idx.msk [tilespmem:v9+s22+$0x0], $0xffff;
	s20 =	sand.u32 $0x30, s9;
	v10 =	vand.u32 $0xF, v47  }
0x24e: {  	v15 =	vor.u32 v25, v41;
	[tilespmem:v44+s31+$0x0] =	vst.idx.msk $0xffff, v11;
	v47 =	vor.u32 s20, v10;
	v4 =	vadd.f32 v4, v54  }
0x24f: {  	v1 =	vor.u32 v22, v59;
	v11 =	vadd.s32 s8, v50;
	[tilespmem:v7+s31+$0x0] =	vst.idx.msk $0xffff, v0;
	v7 =	vor.u32 v56, v47  }
0x250: {  	v16 =	vor.u32 v24, v53;
	v13 =	vld.idx.msk [tilespmem:v46+s22+$0x0], $0xffff;
	[tilespmem:v2+s31+$0x0] =	vst.idx.msk $0xffff, v4;
	v2 =	vand.u32 $0xF, v11  }
0x251: {  	v3 =	vor.u32 v20, v52;
	v4 =	vadd.f32 v5, v36;
	v45 =	vor.u32 s20, v2;
	v5 =	vld.idx.msk [tilespmem:v6+s22+$0x0], $0xffff  }
0x252: {  	v2 =	vadd.f32 v8, v32;
	v8 =	vshll.u32 v11, $0x7;
	v11 =	vor.u32 v48, v45  }
0x253: {  	v9 =	vor.u32 v63, v60;
	v6 =	vor.u32 v48, v47;
	[tilespmem:$0x1FD60] =	vst v48  }
0x254: {  	[tilespmem:v1+s31+$0x0] =	vst.idx.msk $0xffff, v4;
	v7 =	vld.idx.msk [tilespmem:v7+s22+$0x0], $0xffff  }
0x255: {  	v12 =	vor.u32 v19, v51;
	v13 =	vadd.f32 v13, v37;
	[tilespmem:v16+s31+$0x0] =	vst.idx.msk $0xffff, v2;
	v48 =	vld.idx.msk [tilespmem:v15+s22+$0x0], $0xffff  }
0x256: {  	v3 =	vld.idx.msk [tilespmem:v3+s22+$0x0], $0xffff;
	v15 =	vor.u32 v56, v45;
	v5 =	vadd.f32 v5, v54  }
0x257: {  	[tilespmem:v14+s31+$0x0] =	vst.idx.msk $0xffff, v13;
	v46 =	vld.idx.msk [tilespmem:v11+s4+$0x0], $0xffff  }
0x258: {  	v0 =	vshll.u32 v10, $0x7;
	v44 =	vld.idx.msk [tilespmem:v6+s4+$0x0], $0xffff;
	v6 =	vor.u32 v58, v39;
	[tilespmem:v9+s31+$0x0] =	vst.idx.msk $0xffff, v5  }
0x259: {  	v17 =	vmovc v22;
	v1 =	vand.u32 $0x380, v8;
	v4 =	vshll.u32 v47, $0x8;
	v8 =	vand.u32 $0x380, v0;
	v22 =	vld [tilespmem:$0x1FE40]  }
0x25a: {  	v2 =	vshll.u32 v45, $0x8;
	v16 =	vor.u32 v30, v59;
	v4 =	vand.u32 $0x3800, v4;
	v9 =	vld.idx.msk [tilespmem:v12+s22+$0x0], $0xffff  }
0x25b: {  	v2 =	vand.u32 $0x3800, v2;
	v11 =	vor.u32 v63, v53;
	v56 =	vor.u32 v8, v4;
	v12 =	vld.idx.msk [tilespmem:v15+s22+$0x0], $0xffff  }
0x25c: {  	v10 =	vor.u32 v50, v56;
	v8 =	vadd.f32 v48, v36;
	v48 =	vor.u32 v1, v2  }
0x25d: {  	v2 =	vld.idx.msk [tilespmem:v6+s22+$0x0], $0xffff;
	v6 =	vor.u32 v50, v48  }
0x25e: {  	v3 =	vadd.f32 v3, v32;
	v14 =	vor.u32 v22, v60  }
0x25f: {  	[tilespmem:v16+s31+$0x0] =	vst.idx.msk $0xffff, v8;
	v7 =	vadd.f32 v7, v44  }
0x260: {  	v5 =	vor.u32 v19, v52;
	v19 =	vld [tilespmem:$0x1FE50];
	[tilespmem:v11+s31+$0x0] =	vst.idx.msk $0xffff, v3;
	v12 =	vadd.f32 v12, v46  }
0x261: {  	v13 =	vor.u32 v55, v41;
	[tilespmem:v10+s31+$0x0] =	vst.idx.msk $0xffff, v7;
	v9 =	vadd.f32 v9, v54  }
0x262: {  	[tilespmem:v6+s31+$0x0] =	vst.idx.msk $0xffff, v12  }
0x263: {  	v1 =	vor.u32 v23, v47;
	[tilespmem:v14+s31+$0x0] =	vst.idx.msk $0xffff, v9  }
0x264: {  	v7 =	vor.u32 v17, v40;
	v15 =	vld [tilespmem:$0x1FD70]  }
0x265: {  	v16 =	vld [tilespmem:$0x1FD80]  }
0x266: {  	v3 =	vld.idx.msk [tilespmem:v13+s22+$0x0], $0xffff  }
0x267: {  	v11 =	vor.u32 v23, v45;
	v5 =	vld.idx.msk [tilespmem:v5+s22+$0x0], $0xffff;
	v2 =	vadd.f32 v2, v37  }
0x268: {  	v1 =	vld.idx.msk [tilespmem:v1+s22+$0x0], $0xffff;
	v8 =	vor.u32 v19, v51  }
0x269: {  	v13 =	vor.u32 v18, v59;
	v10 =	vor.u32 v25, v39;
	[tilespmem:v7+s31+$0x0] =	vst.idx.msk $0xffff, v2  }
0x26a: {  	v9 =	vor.u32 v22, v53;
	v14 =	vor.u32 v43, v41;
	v50 =	vor.u32 v15, v16;
	v15 =	vld [tilespmem:$0x1FF60];
	_ =	sdelay $0x1  }
0x26b: {  	v59 =	vor.u32 v29, v56;
	v3 =	vadd.f32 v3, v36;
	v11 =	vld.idx.msk [tilespmem:v11+s22+$0x0], $0xffff  }
0x26c: {  	v5 =	vadd.f32 v5, v32;
	v1 =	vadd.f32 v1, v44;
	v6 =	vld.idx.msk [tilespmem:v8+s22+$0x0], $0xffff  }
0x26d: {  	v8 =	vor.u32 v19, v52;
	v10 =	vld.idx.msk [tilespmem:v10+s22+$0x0], $0xffff;
	[tilespmem:v13+s31+$0x0] =	vst.idx.msk $0xffff, v3;
	v13 =	vor.u32 v29, v48  }
0x26e: {  	v7 =	vor.u32 v43, v35;
	[tilespmem:v9+s31+$0x0] =	vst.idx.msk $0xffff, v5;
	v14 =	vld.idx.msk [tilespmem:v14+s22+$0x0], $0xffff;
	v2 =	vor.u32 v15, v60  }
0x26f: {  	v5 =	vor.u32 v30, v40;
	v16 =	vld [tilespmem:$0x1FEE0]  }
0x270: {  	v11 =	vadd.f32 v11, v46;
	[tilespmem:v59+s31+$0x0] =	vst.idx.msk $0xffff, v1;
	v59 =	vor.u32 v62, v50  }
0x271: {  	v6 =	vadd.f32 v6, v54  }
0x272: {  	v3 =	vor.u32 v31, v47;
	v8 =	vld.idx.msk [tilespmem:v8+s22+$0x0], $0xffff;
	v10 =	vadd.f32 v10, v37;
	[tilespmem:v13+s31+$0x0] =	vst.idx.msk $0xffff, v11  }
0x273: {  	v1 =	vor.u32 v31, v45;
	v14 =	vadd.f32 v14, v36;
	[tilespmem:v2+s31+$0x0] =	vst.idx.msk $0xffff, v6;
	v2 =	vld.idx.msk [tilespmem:v7+s22+$0x0], $0xffff  }
0x274: {  	[tilespmem:v5+s31+$0x0] =	vst.idx.msk $0xffff, v10;
	v9 =	vor.u32 v16, v51;
	v6 =	vor.u32 v15, v53  }
0x275: {  	v62 =	vor.u32 v62, v34;
	[tilespmem:v59+s31+$0x0] =	vst.idx.msk $0xffff, v14  }
0x276: {  	v14 =	vld [tilespmem:$0x1FEF0]  }
0x277: {  	v3 =	vld.idx.msk [tilespmem:v3+s22+$0x0], $0xffff;
	v8 =	vadd.f32 v8, v32;
	v7 =	vor.u32 v55, v39  }
0x278: {  	v1 =	vld.idx.msk [tilespmem:v1+s22+$0x0], $0xffff;
	v2 =	vadd.f32 v2, v33  }
0x279: {  	v31 =	vmov v55;
	v55 =	vor.u32 v26, v56;
	v9 =	vld.idx.msk [tilespmem:v9+s22+$0x0], $0xffff;
	[tilespmem:v6+s31+$0x0] =	vst.idx.msk $0xffff, v8  }
0x27a: {  	v11 =	vor.u32 v61, v41;
	v8 =	vor.u32 v26, v48;
	[tilespmem:v62+s31+$0x0] =	vst.idx.msk $0xffff, v2  }
0x27b: {  	v59 =	vor.u32 v14, v60;
	v23 =	vld [tilespmem:$0x1FE80]  }
0x27c: {  	v3 =	vadd.f32 v3, v44;
	v7 =	vld.idx.msk [tilespmem:v7+s22+$0x0], $0xffff  }
0x27d: {  	v5 =	vor.u32 v16, v52;
	v1 =	vadd.f32 v1, v46;
	v6 =	vor.u32 v61, v35  }
0x27e: {  	v9 =	vadd.f32 v9, v54;
	v2 =	vor.u32 v18, v40;
	[tilespmem:v55+s31+$0x0] =	vst.idx.msk $0xffff, v3  }
0x27f: {  	v11 =	vld.idx.msk [tilespmem:v11+s22+$0x0], $0xffff;
	[tilespmem:v8+s31+$0x0] =	vst.idx.msk $0xffff, v1  }
0x280: {  	[tilespmem:v59+s31+$0x0] =	vst.idx.msk $0xffff, v9;
	v61 =	vor.u32 v23, v42  }
0x281: {  	v62 =	vor.u32 v28, v50;
	v7 =	vadd.f32 v7, v37;
	v17 =	vld [tilespmem:$0x1FE60]  }
0x282: {  	v5 =	vld.idx.msk [tilespmem:v5+s22+$0x0], $0xffff  }
0x283: {  	v6 =	vld.idx.msk [tilespmem:v6+s22+$0x0], $0xffff;
	[tilespmem:v2+s31+$0x0] =	vst.idx.msk $0xffff, v7  }
0x284: {  	v11 =	vadd.f32 v11, v36;
	v3 =	vor.u32 v27, v47;
	v59 =	vld [tilespmem:$0x1FD90]  }
0x285: {  	v8 =	vor.u32 v27, v45;
	v7 =	vld.idx.msk [tilespmem:v61+s22+$0x0], $0xffff  }
0x286: {  	v55 =	vor.u32 v14, v53;
	v1 =	vor.u32 v17, v51;
	v61 =	vld [tilespmem:$0x1FDA0];
	[tilespmem:v62+s31+$0x0] =	vst.idx.msk $0xffff, v11  }
0x287: {  	v26 =	vld [tilespmem:$0x1FF70]  }
0x288: {  	v2 =	vor.u32 v43, v39;
	v43 =	vor.u32 v28, v34  }
0x289: {  	v5 =	vadd.f32 v5, v32;
	v3 =	vld.idx.msk [tilespmem:v3+s22+$0x0], $0xffff  }
0x28a: {  	v15 =	vor.u32 v57, v56;
	v8 =	vld.idx.msk [tilespmem:v8+s22+$0x0], $0xffff;
	v11 =	vor.u32 v17, v52  }
0x28b: {  	v62 =	vor.u32 v21, v41;
	[tilespmem:v55+s31+$0x0] =	vst.idx.msk $0xffff, v5;
	v14 =	vld.idx.msk [tilespmem:v1+s22+$0x0], $0xffff;
	v1 =	vadd.f32 v6, v33  }
0x28c: {  	v9 =	vor.u32 v21, v35;
	v16 =	vld [tilespmem:$0x1FE70];
	v13 =	vor.u32 v26, v49  }
0x28d: {  	v52 =	vor.u32 v0, v4;
	v4 =	vor.u32 v58, v42;
	v58 =	vld.idx.msk [tilespmem:v2+s22+$0x0], $0xffff;
	[tilespmem:v43+s31+$0x0] =	vst.idx.msk $0xffff, v1  }
0x28e: {  	v2 =	vadd.f32 v3, v44;
	v3 =	vor.u32 v20, v41;
	v43 =	vld [tilespmem:$0x1FE30]  }
0x28f: {  	v5 =	vor.u32 v57, v48;
	v6 =	vor.u32 v23, v45;
	v0 =	vadd.f32 v7, v38;
	v57 =	vld.idx.msk [tilespmem:v11+s22+$0x0], $0xffff  }
0x290: {  	v51 =	vor.u32 v59, v61;
	v61 =	vor.u32 v63, v50;
	v1 =	vld.idx.msk [tilespmem:v62+s22+$0x0], $0xffff;
	[tilespmem:v15+s31+$0x0] =	vst.idx.msk $0xffff, v2  }
0x291: {  	v63 =	vadd.f32 v8, v46;
	v55 =	vor.u32 v16, v60;
	[tilespmem:v13+s31+$0x0] =	vst.idx.msk $0xffff, v0;
	v0 =	vld.idx.msk [tilespmem:v9+s22+$0x0], $0xffff  }
0x292: {  	v25 =	vmovc v19;
	v62 =	vor.u32 v20, v35;
	v53 =	vor.u32 v16, v53;
	v2 =	vor.u32 v24, v50;
	v28 =	vld [tilespmem:$0x1FF80]  }
0x293: {  	v23 =	vmovc v24;
	v24 =	vmov v21;
	v54 =	vadd.f32 v14, v54;
	v60 =	vor.u32 v43, v41;
	v4 =	vld.idx.msk [tilespmem:v4+s22+$0x0], $0xffff  }
.LBB2_12:
0x294: {  	v19 =	vld [tilespmem:$0x1FF40]  }
0x295: {  	s9 =	sadd.s32 $0x2, s9;
	v29 =	vld [tilespmem:$0x1FF70]  }
0x296: {  	v8 =	vor.u32 v23, v34;
	v59 =	vmov v47;
	v18 =	vlaneseq.u32;
	[tilespmem:v55+s31+$0x0] =	vst.idx.msk $0xffff, v54;
	s8 =	sand.u32 $0xE, s9;
	v55 =	vld [tilespmem:$0x1FD60]  }
0x297: {  	v14 =	vld [tilespmem:$0x1FFC0];
	v15 =	vmovc v34;
	v34 =	vmov v40;
	[tilespmem:v5+s31+$0x0] =	vst.idx.msk $0xffff, v63;
	v5 =	vor.u32 v28, v49;
	v9 =	vadd.s32 s8, v18  }
0x298: {  	v26 =	vld [tilespmem:$0x1FF30];
	v63 =	vmovc v50;
	v50 =	vmovc v51;
	s8 =	sor.u32 $0x1, s8;
	v1 =	vadd.f32 v1, v36;
	v12 =	vand.u32 $0xF, v9;
	v9 =	vshll.u32 v9, $0x7  }
0x299: {  	s11 =	sand.u32 $0x30, s9;
	v51 =	vmovc v52;
	v6 =	vld.idx.msk [tilespmem:v6+s22+$0x0], $0xffff;
	v13 =	vadd.s32 s8, v18;
	v11 =	vadd.f32 v57, v32;
	v4 =	vadd.f32 v4, v38  }
0x29a: {  	v27 =	vld [tilespmem:$0x1FFF0];
	v32 =	vmovc v33;
	v7 =	vor.u32 v19, v42;
	[tilespmem:v2+s31+$0x0] =	vst.idx.msk $0xffff, v1;
	v1 =	vor.u32 s11, v12;
	v2 =	vand.u32 $0xF, v13  }
0x29b: {  	v21 =	vld [tilespmem:$0x1FFB0];
	v0 =	vadd.f32 v0, v32;
	[tilespmem:v53+s31+$0x0] =	vst.idx.msk $0xffff, v11;
	v11 =	vor.u32 v55, v1;
	v47 =	vor.u32 s11, v2  }
0x29c: {  	v10 =	vor.u32 v29, v48;
	v3 =	vld.idx.msk [tilespmem:v3+s22+$0x0], $0xffff;
	[tilespmem:v5+s31+$0x0] =	vst.idx.msk $0xffff, v4;
	v12 =	vor.u32 v55, v47  }
0x29d: {  	v20 =	vld [tilespmem:$0x1FE90];
	v33 =	vmovc v37;
	v2 =	vshll.u32 v2, $0x7;
	v4 =	vand.u32 $0x380, v9;
	v57 =	vor.u32 v14, v47;
	[tilespmem:v8+s31+$0x0] =	vst.idx.msk $0xffff, v0  }
0x29e: {  	v37 =	vmovc v46;
	v53 =	vor.u32 v16, v15;
	v5 =	vshll.u32 v47, $0x8;
	v14 =	vor.u32 v14, v1;
	v8 =	vld.idx.msk [tilespmem:v62+s22+$0x0], $0xffff  }
0x29f: {  	v54 =	vmovc v36;
	v36 =	vmovc v38;
	v9 =	vand.u32 $0x380, v2;
	v6 =	vadd.f32 v6, v37;
	v5 =	vand.u32 $0x3800, v5;
	v7 =	vld.idx.msk [tilespmem:v7+s22+$0x0], $0xffff  }
0x2a0: {  	v38 =	vmovc v44;
	v0 =	vshll.u32 v1, $0x8;
	v52 =	vor.u32 v2, v5;
	v2 =	vor.u32 v30, v49;
	v46 =	vld.idx.msk [tilespmem:v11+s4+$0x0], $0xffff  }
0x2a1: {  	[tilespmem:v10+s31+$0x0] =	vst.idx.msk $0xffff, v6;
	v6 =	vor.u32 v26, v45;
	v3 =	vadd.f32 v3, v54;
	v44 =	vld.idx.msk [tilespmem:v12+s4+$0x0], $0xffff  }
0x2a2: {  	v55 =	vor.u32 v16, v63;
	v62 =	vor.u32 v43, v35;
	v11 =	vor.u32 v27, v15;
	v12 =	vld.idx.msk [tilespmem:v57+s22+$0x0], $0xffff  }
0x2a3: {  	v40 =	vmov v48;
	v0 =	vand.u32 $0x3800, v0;
	v5 =	vor.u32 v9, v5;
	v14 =	vld.idx.msk [tilespmem:v14+s22+$0x0], $0xffff;
	[tilespmem:v61+s31+$0x0] =	vst.idx.msk $0xffff, v3  }
0x2a4: {  	v48 =	vor.u32 v4, v0;
	v16 =	vor.u32 v18, v5;
	v3 =	vadd.f32 v7, v36;
	v7 =	vld.idx.msk [tilespmem:v60+s22+$0x0], $0xffff  }
0x2a5: {  	v10 =	vor.u32 v31, v42;
	v8 =	vadd.f32 v8, v32;
	v60 =	vor.u32 v19, v45;
	v19 =	vld [tilespmem:$0x1FEA0]  }
0x2a6: {  	v0 =	vor.u32 v21, v47;
	v6 =	vld.idx.msk [tilespmem:v6+s22+$0x0], $0xffff;
	[tilespmem:v2+s31+$0x0] =	vst.idx.msk $0xffff, v3;
	v3 =	vor.u32 v18, v48  }
0x2a7: {  	v9 =	vor.u32 v22, v63;
	[tilespmem:v11+s31+$0x0] =	vst.idx.msk $0xffff, v8;
	v11 =	vor.u32 v21, v1;
	v21 =	vld [tilespmem:$0x1FFD0]  }
0x2a8: {  	v13 =	vor.u32 v28, v40;
	v4 =	vld.idx.msk [tilespmem:v62+s22+$0x0], $0xffff;
	v12 =	vadd.f32 v12, v44  }
0x2a9: {  	v61 =	vor.u32 v20, v49;
	v14 =	vadd.f32 v14, v46;
	v62 =	vld [tilespmem:$0x1FFE0]  }
0x2aa: {  	v49 =	vmov v56;
	v56 =	vmov v5;
	v2 =	vld.idx.msk [tilespmem:v10+s22+$0x0], $0xffff;
	[tilespmem:v16+s31+$0x0] =	vst.idx.msk $0xffff, v12;
	v7 =	vadd.f32 v7, v54  }
0x2ab: {  	v10 =	vor.u32 v25, v41;
	v0 =	vld.idx.msk [tilespmem:v0+s22+$0x0], $0xffff;
	v5 =	vadd.f32 v6, v37;
	[tilespmem:v3+s31+$0x0] =	vst.idx.msk $0xffff, v14  }
0x2ac: {  	v8 =	vor.u32 v22, v15;
	[tilespmem:v9+s31+$0x0] =	vst.idx.msk $0xffff, v7;
	v9 =	vld.idx.msk [tilespmem:v11+s22+$0x0], $0xffff  }
0x2ad: {  	[tilespmem:v13+s31+$0x0] =	vst.idx.msk $0xffff, v5;
	v13 =	vld [tilespmem:$0x1FEE0]  }
0x2ae: {  	v18 =	vld [tilespmem:$0x1FEC0]  }
0x2af: {  	v16 =	vld [tilespmem:$0x1FF60];
	v4 =	vadd.f32 v4, v32  }
0x2b0: {  	v12 =	vor.u32 v19, v42;
	v6 =	vor.u32 v25, v35;
	v2 =	vadd.f32 v2, v36;
	v3 =	vld.idx.msk [tilespmem:v10+s22+$0x0], $0xffff  }
0x2b1: {  	v7 =	vor.u32 v17, v41;
	v10 =	vor.u32 v62, v56;
	v11 =	vld.idx.msk [tilespmem:v60+s22+$0x0], $0xffff;
	[tilespmem:v8+s31+$0x0] =	vst.idx.msk $0xffff, v4  }
0x2b2: {  	v8 =	vor.u32 v62, v48;
	[tilespmem:v61+s31+$0x0] =	vst.idx.msk $0xffff, v2;
	v5 =	vor.u32 v13, v35  }
0x2b3: {  	v2 =	vor.u32 v13, v41;
	v13 =	vor.u32 v21, v47;
	v41 =	vor.u32 v21, v1;
	v21 =	vld [tilespmem:$0x1FEB0]  }
0x2b4: {  	v57 =	vor.u32 v17, v35  }
0x2b5: {  	v14 =	vor.u32 v18, v39;
	v4 =	vor.u32 v16, v63;
	v0 =	vadd.f32 v0, v44;
	v12 =	vld.idx.msk [tilespmem:v12+s22+$0x0], $0xffff  }
0x2b6: {  	v60 =	vor.u32 v30, v40;
	v61 =	vor.u32 v31, v45;
	v6 =	vld.idx.msk [tilespmem:v6+s22+$0x0], $0xffff;
	v9 =	vadd.f32 v9, v46  }
0x2b7: {  	v35 =	vmov v39;
	v3 =	vadd.f32 v3, v54;
	[tilespmem:v10+s31+$0x0] =	vst.idx.msk $0xffff, v0;
	v0 =	vor.u32 v18, v42;
	v18 =	vld [tilespmem:$0x1FEF0]  }
0x2b8: {  	v39 =	vmov v45;
	v45 =	vmov v1;
	[tilespmem:v8+s31+$0x0] =	vst.idx.msk $0xffff, v9;
	v62 =	vor.u32 v21, v50;
	v1 =	vld.idx.msk [tilespmem:v13+s22+$0x0], $0xffff  }
0x2b9: {  	v13 =	vadd.f32 v11, v37;
	v8 =	vld.idx.msk [tilespmem:v41+s22+$0x0], $0xffff  }
0x2ba: {  	v16 =	vor.u32 v16, v15;
	v11 =	vor.u32 v21, v34;
	[tilespmem:v4+s31+$0x0] =	vst.idx.msk $0xffff, v3;
	v21 =	vld [tilespmem:$0x1FE80]  }
0x2bb: {  	v4 =	vadd.f32 v12, v36;
	[tilespmem:v60+s31+$0x0] =	vst.idx.msk $0xffff, v13;
	v60 =	vld [tilespmem:$0x1FF00]  }
0x2bc: {  	v2 =	vld.idx.msk [tilespmem:v2+s22+$0x0], $0xffff  }
0x2bd: {  	v6 =	vadd.f32 v6, v32;
	[tilespmem:v62+s31+$0x0] =	vst.idx.msk $0xffff, v4;
	v4 =	vor.u32 v18, v63;
	v63 =	vld [tilespmem:$0x1FF10];
	_ =	sdelay $0x1  }
0x2be: {  	v3 =	vadd.f32 v58, v33;
	v12 =	vld.idx.msk [tilespmem:v61+s22+$0x0], $0xffff;
	[tilespmem:v16+s31+$0x0] =	vst.idx.msk $0xffff, v6  }
0x2bf: {  	v6 =	vor.u32 v18, v15;
	v9 =	vor.u32 v21, v59;
	v18 =	vld [tilespmem:$0x1FED0];
	v10 =	vor.u32 v60, v56  }
0x2c0: {  	v15 =	vor.u32 v60, v48  }
0x2c1: {  	[tilespmem:v11+s31+$0x0] =	vst.idx.msk $0xffff, v3;
	v0 =	vld.idx.msk [tilespmem:v0+s22+$0x0], $0xffff;
	v13 =	vor.u32 v63, v47  }
0x2c2: {  	v1 =	vadd.f32 v1, v44;
	v5 =	vld.idx.msk [tilespmem:v5+s22+$0x0], $0xffff;
	v11 =	vor.u32 v63, v45  }
0x2c3: {  	v16 =	vor.u32 v20, v40;
	v8 =	vadd.f32 v8, v46;
	v14 =	vld.idx.msk [tilespmem:v14+s22+$0x0], $0xffff  }
0x2c4: {  	v9 =	vld.idx.msk [tilespmem:v9+s22+$0x0], $0xffff;
	v60 =	vor.u32 v18, v50;
	[tilespmem:v10+s31+$0x0] =	vst.idx.msk $0xffff, v1  }
0x2c5: {  	v58 =	vor.u32 v19, v39;
	v2 =	vadd.f32 v2, v54;
	[tilespmem:v15+s31+$0x0] =	vst.idx.msk $0xffff, v8;
	v15 =	vld [tilespmem:$0x1FF20]  }
0x2c6: {  	v12 =	vadd.f32 v12, v37;
	v1 =	vor.u32 v24, v42;
	v10 =	vld.idx.msk [tilespmem:v13+s22+$0x0], $0xffff;
	v13 =	vor.u32 v18, v34  }
0x2c7: {  	v3 =	vor.u32 v24, v35;
	v0 =	vadd.f32 v0, v36;
	[tilespmem:v4+s31+$0x0] =	vst.idx.msk $0xffff, v2;
	v8 =	vld.idx.msk [tilespmem:v11+s22+$0x0], $0xffff  }
0x2c8: {  	v41 =	vmov v42;
	v5 =	vadd.f32 v5, v32;
	v2 =	vor.u32 v29, v49;
	[tilespmem:v16+s31+$0x0] =	vst.idx.msk $0xffff, v12;
	v12 =	vld [tilespmem:$0x1FF90]  }
0x2c9: {  	v42 =	vadd.f32 v14, v33;
	v4 =	vor.u32 v26, v59;
	v7 =	vld.idx.msk [tilespmem:v7+s22+$0x0], $0xffff;
	[tilespmem:v60+s31+$0x0] =	vst.idx.msk $0xffff, v0  }
0x2ca: {  	p0 =	slt.u32 s9, $0x3E;
	v58 =	vld.idx.msk [tilespmem:v58+s22+$0x0], $0xffff;
	[tilespmem:v6+s31+$0x0] =	vst.idx.msk $0xffff, v5;
	v11 =	vor.u32 v15, v56  }
.Ltmp6:
0x2cb: {  	v0 =	vadd.f32 v9, v38;
	v1 =	vld.idx.msk [tilespmem:v1+s22+$0x0], $0xffff;
	[tilespmem:v13+s31+$0x0] =	vst.idx.msk $0xffff, v42;
	v42 =	vadd.f32 v10, v44;
	(pc) =	sbr.rel @p0 .LBB2_12-.Ltmp6, $4  }
0x2cc: {  	v61 =	vor.u32 v27, v50;
	v60 =	vor.u32 v43, v41;
	v57 =	vld.idx.msk [tilespmem:v57+s22+$0x0], $0xffff  }
0x2cd: {  	v6 =	vor.u32 v21, v45;
	v5 =	vor.u32 v15, v48;
	[tilespmem:v2+s31+$0x0] =	vst.idx.msk $0xffff, v0;
	v0 =	vld.idx.msk [tilespmem:v3+s22+$0x0], $0xffff  }
0x2ce: {  	v62 =	vor.u32 v12, v35;
	v2 =	vor.u32 v23, v50;
	v63 =	vadd.f32 v8, v46;
	v4 =	vld.idx.msk [tilespmem:v4+s22+$0x0], $0xffff  }
0x2cf: {  	v16 =	vld [tilespmem:$0x1FE70];
	v54 =	vadd.f32 v7, v54;
	v3 =	vor.u32 v12, v41;
	[tilespmem:v11+s31+$0x0] =	vst.idx.msk $0xffff, v42;
	v42 =	vmov v59  }
0x2d0: {  	v7 =	vld [tilespmem:$0x1FE80];
	_ =	sdelay $0x4  }
0x2d1: {  	[tilespmem:v5+s31+$0x0] =	vst.idx.msk $0xffff, v63;
	v7 =	vor.u32 v7, v47  }
0x2d2: {  	v26 =	vld [tilespmem:$0x1FF70];
	_ =	sdelay $0x2  }
0x2d3: {  	v6 =	vld.idx.msk [tilespmem:v6+s22+$0x0], $0xffff  }
0x2d4: {  	v5 =	vld.idx.msk [tilespmem:v7+s22+$0x0], $0xffff  }
0x2d5: {  	v8 =	vor.u32 v26, v48  }
0x2d6: {  	v27 =	vld [tilespmem:$0x1FF30];
	v7 =	vor.u32 v26, v56;
	_ =	sdelay $0x1  }
0x2d7: {  	v6 =	vadd.f32 v6, v46  }
0x2d8: {  	v5 =	vadd.f32 v5, v44  }
0x2d9: {  	[tilespmem:v8+s31+$0x0] =	vst.idx.msk $0xffff, v6  }
0x2da: {  	v9 =	vor.u32 v27, v47;
	[tilespmem:v7+s31+$0x0] =	vst.idx.msk $0xffff, v5  }
0x2db: {  	v10 =	vor.u32 v27, v45;
	v29 =	vld [tilespmem:$0x1FF40];
	_ =	sdelay $0x3  }
0x2dc: {  	v5 =	vor.u32 v28, v49;
	v6 =	vld.idx.msk [tilespmem:v9+s22+$0x0], $0xffff  }
0x2dd: {  	v8 =	vld.idx.msk [tilespmem:v10+s22+$0x0], $0xffff;
	v7 =	vor.u32 v29, v42  }
0x2de: {  	v9 =	vor.u32 v28, v56  }
0x2df: {  	v4 =	vadd.f32 v4, v38;
	v10 =	vor.u32 v28, v48;
	v11 =	vor.u32 v29, v47;
	_ =	sdelay $0x1  }
0x2e0: {  	[tilespmem:v5+s31+$0x0] =	vst.idx.msk $0xffff, v4;
	v4 =	vadd.f32 v6, v44  }
0x2e1: {  	v6 =	vadd.f32 v8, v46;
	v5 =	vld.idx.msk [tilespmem:v7+s22+$0x0], $0xffff  }
0x2e2: {  	[tilespmem:v9+s31+$0x0] =	vst.idx.msk $0xffff, v4  }
0x2e3: {  	v4 =	vor.u32 v30, v49;
	[tilespmem:v10+s31+$0x0] =	vst.idx.msk $0xffff, v6;
	v6 =	vld.idx.msk [tilespmem:v11+s22+$0x0], $0xffff  }
0x2e4: {  	v12 =	vor.u32 v29, v45  }
0x2e5: {  	v9 =	vor.u32 v30, v56  }
0x2e6: {  	v5 =	vadd.f32 v5, v38;
	_ =	sdelay $0x1  }
0x2e7: {  	[tilespmem:v4+s31+$0x0] =	vst.idx.msk $0xffff, v5;
	v4 =	vadd.f32 v6, v44  }
0x2e8: {  	v7 =	vor.u32 v31, v42;
	v8 =	vld.idx.msk [tilespmem:v12+s22+$0x0], $0xffff  }
0x2e9: {  	[tilespmem:v9+s31+$0x0] =	vst.idx.msk $0xffff, v4  }
0x2ea: {  	v10 =	vor.u32 v30, v48;
	v11 =	vor.u32 v31, v47;
	v63 =	vld [tilespmem:$0x1FE90];
	_ =	sdelay $0x2  }
0x2eb: {  	v6 =	vadd.f32 v8, v46;
	v5 =	vld.idx.msk [tilespmem:v7+s22+$0x0], $0xffff;
	_ =	sdelay $0x1  }
0x2ec: {  	[tilespmem:v10+s31+$0x0] =	vst.idx.msk $0xffff, v6;
	v6 =	vld.idx.msk [tilespmem:v11+s22+$0x0], $0xffff;
	v4 =	vor.u32 v63, v49  }
0x2ed: {  	v12 =	vor.u32 v31, v45;
	v59 =	vld [tilespmem:$0x1FEA0]  }
0x2ee: {  	v9 =	vor.u32 v63, v56  }
0x2ef: {  	v5 =	vadd.f32 v5, v38;
	_ =	sdelay $0x1  }
0x2f0: {  	[tilespmem:v4+s31+$0x0] =	vst.idx.msk $0xffff, v5;
	v4 =	vadd.f32 v6, v44  }
0x2f1: {  	v8 =	vld.idx.msk [tilespmem:v12+s22+$0x0], $0xffff;
	v7 =	vor.u32 v59, v42  }
0x2f2: {  	[tilespmem:v9+s31+$0x0] =	vst.idx.msk $0xffff, v4  }
0x2f3: {  	v10 =	vor.u32 v63, v48;
	v11 =	vor.u32 v59, v47;
	v56 =	vld [tilespmem:$0x1FEB0];
	_ =	sdelay $0x2  }
0x2f4: {  	v6 =	vadd.f32 v8, v46;
	v5 =	vld.idx.msk [tilespmem:v7+s22+$0x0], $0xffff;
	_ =	sdelay $0x1  }
0x2f5: {  	[tilespmem:v10+s31+$0x0] =	vst.idx.msk $0xffff, v6;
	v6 =	vld.idx.msk [tilespmem:v11+s22+$0x0], $0xffff;
	v4 =	vor.u32 v56, v51  }
0x2f6: {  	v12 =	vor.u32 v59, v45;
	v49 =	vld [tilespmem:$0x1FEC0];
	v8 =	vor.u32 v56, v40  }
0x2f7: {  	v11 =	vor.u32 v56, v52  }
0x2f8: {  	v5 =	vadd.f32 v5, v38  }
0x2f9: {  	v14 =	vadd.f32 v58, v37  }
0x2fa: {  	[tilespmem:v4+s31+$0x0] =	vst.idx.msk $0xffff, v5;
	v4 =	vadd.f32 v6, v44  }
0x2fb: {  	v9 =	vld.idx.msk [tilespmem:v12+s22+$0x0], $0xffff;
	v7 =	vor.u32 v49, v42;
	[tilespmem:v8+s31+$0x0] =	vst.idx.msk $0xffff, v14  }
0x2fc: {  	v10 =	vor.u32 v49, v39;
	[tilespmem:v11+s31+$0x0] =	vst.idx.msk $0xffff, v4  }
0x2fd: {  	v13 =	vor.u32 v56, v48;
	v12 =	vor.u32 v49, v47;
	v58 =	vld [tilespmem:$0x1FED0]  }
0x2fe: {  	v15 =	vor.u32 v49, v45;
	_ =	sdelay $0x1  }
0x2ff: {  	v6 =	vadd.f32 v9, v46;
	v5 =	vld.idx.msk [tilespmem:v7+s22+$0x0], $0xffff  }
0x300: {  	v1 =	vadd.f32 v1, v36;
	v7 =	vor.u32 v23, v34;
	v8 =	vld.idx.msk [tilespmem:v10+s22+$0x0], $0xffff  }
0x301: {  	v9 =	vld.idx.msk [tilespmem:v12+s22+$0x0], $0xffff;
	[tilespmem:v13+s31+$0x0] =	vst.idx.msk $0xffff, v6;
	v4 =	vor.u32 v58, v51  }
0x302: {  	[tilespmem:v2+s31+$0x0] =	vst.idx.msk $0xffff, v1;
	v6 =	vld.idx.msk [tilespmem:v15+s22+$0x0], $0xffff;
	v2 =	vor.u32 v58, v40  }
0x303: {  	v0 =	vadd.f32 v0, v33;
	v3 =	vld.idx.msk [tilespmem:v3+s22+$0x0], $0xffff;
	v11 =	vor.u32 v58, v52  }
0x304: {  	v5 =	vadd.f32 v5, v38;
	v13 =	vor.u32 v58, v48  }
0x305: {  	[tilespmem:v7+s31+$0x0] =	vst.idx.msk $0xffff, v0;
	v0 =	vadd.f32 v8, v37  }
0x306: {  	[tilespmem:v4+s31+$0x0] =	vst.idx.msk $0xffff, v5;
	v4 =	vadd.f32 v9, v44  }
0x307: {  	v8 =	vld.idx.msk [tilespmem:v62+s22+$0x0], $0xffff;
	[tilespmem:v2+s31+$0x0] =	vst.idx.msk $0xffff, v0;
	v0 =	vadd.f32 v6, v46  }
0x308: {  	v1 =	vor.u32 v24, v42;
	v2 =	vadd.f32 v3, v36;
	v62 =	vld [tilespmem:$0x1FFF0];
	[tilespmem:v11+s31+$0x0] =	vst.idx.msk $0xffff, v4  }
0x309: {  	v10 =	vor.u32 v24, v39;
	[tilespmem:v13+s31+$0x0] =	vst.idx.msk $0xffff, v0  }
0x30a: {  	[tilespmem:v61+s31+$0x0] =	vst.idx.msk $0xffff, v2  }
0x30b: {  	v12 =	vor.u32 v24, v47;
	v61 =	vld [tilespmem:$0x1FF90];
	_ =	sdelay $0x1  }
0x30c: {  	v1 =	vld.idx.msk [tilespmem:v1+s22+$0x0], $0xffff  }
0x30d: {  	v7 =	vor.u32 v24, v45;
	v5 =	vld.idx.msk [tilespmem:v10+s22+$0x0], $0xffff;
	v3 =	vor.u32 v62, v34  }
0x30e: {  	v4 =	vor.u32 v23, v51  }
0x30f: {  	v2 =	vor.u32 v23, v40;
	v6 =	vld.idx.msk [tilespmem:v12+s22+$0x0], $0xffff;
	v0 =	vor.u32 v61, v42  }
0x310: {  	v8 =	vadd.f32 v8, v33;
	v9 =	vor.u32 v61, v39  }
0x311: {  	v10 =	vor.u32 v23, v52;
	v1 =	vadd.f32 v1, v38  }
0x312: {  	v7 =	vld.idx.msk [tilespmem:v7+s22+$0x0], $0xffff;
	[tilespmem:v3+s31+$0x0] =	vst.idx.msk $0xffff, v8;
	v3 =	vadd.f32 v5, v37  }
0x313: {  	v13 =	vld.idx.msk [tilespmem:v60+s22+$0x0], $0xffff;
	v11 =	vor.u32 v61, v47;
	[tilespmem:v4+s31+$0x0] =	vst.idx.msk $0xffff, v1  }
0x314: {  	v12 =	vor.u32 v23, v48;
	v60 =	vadd.f32 v6, v44;
	v0 =	vld.idx.msk [tilespmem:v0+s22+$0x0], $0xffff;
	[tilespmem:v2+s31+$0x0] =	vst.idx.msk $0xffff, v3  }
0x315: {  	v5 =	vor.u32 v61, v45;
	v3 =	vor.u32 v22, v50;
	v4 =	vld.idx.msk [tilespmem:v9+s22+$0x0], $0xffff  }
0x316: {  	v6 =	vor.u32 v62, v51;
	[tilespmem:v10+s31+$0x0] =	vst.idx.msk $0xffff, v60;
	v8 =	vor.u32 v43, v35  }
0x317: {  	v60 =	vor.u32 v25, v41;
	v10 =	vor.u32 v62, v40;
	v2 =	vadd.f32 v7, v46  }
0x318: {  	v7 =	vld.idx.msk [tilespmem:v11+s22+$0x0], $0xffff;
	v11 =	vadd.f32 v13, v36  }
0x319: {  	v15 =	vor.u32 v62, v48;
	[tilespmem:v12+s31+$0x0] =	vst.idx.msk $0xffff, v2;
	v0 =	vadd.f32 v0, v38  }
0x31a: {  	v13 =	vor.u32 v62, v52;
	v5 =	vld.idx.msk [tilespmem:v5+s22+$0x0], $0xffff;
	[tilespmem:v3+s31+$0x0] =	vst.idx.msk $0xffff, v11;
	v62 =	vadd.f32 v4, v37  }
0x31b: {  	v8 =	vld.idx.msk [tilespmem:v8+s22+$0x0], $0xffff;
	[tilespmem:v6+s31+$0x0] =	vst.idx.msk $0xffff, v0  }
0x31c: {  	v1 =	vld.idx.msk [tilespmem:v60+s22+$0x0], $0xffff;
	[tilespmem:v10+s31+$0x0] =	vst.idx.msk $0xffff, v62  }
0x31d: {  	v60 =	vld [tilespmem:$0x1FF60]  }
0x31e: {  	v9 =	vor.u32 v43, v42;
	_ =	sdelay $0x1  }
0x31f: {  	v14 =	vor.u32 v43, v47;
	v12 =	vor.u32 v43, v39  }
0x320: {  	v2 =	vor.u32 v22, v34;
	v4 =	vor.u32 v43, v45;
	v0 =	vadd.f32 v7, v44  }
0x321: {  	v43 =	vadd.f32 v5, v46;
	v5 =	vadd.f32 v8, v33;
	v8 =	vor.u32 v60, v50  }
0x322: {  	v7 =	vld.idx.msk [tilespmem:v9+s22+$0x0], $0xffff  }
0x323: {  	v6 =	vor.u32 v25, v35;
	[tilespmem:v13+s31+$0x0] =	vst.idx.msk $0xffff, v0  }
0x324: {  	v9 =	vld.idx.msk [tilespmem:v12+s22+$0x0], $0xffff;
	v0 =	vor.u32 v22, v51;
	[tilespmem:v15+s31+$0x0] =	vst.idx.msk $0xffff, v43;
	v1 =	vadd.f32 v1, v36  }
0x325: {  	[tilespmem:v2+s31+$0x0] =	vst.idx.msk $0xffff, v5;
	v43 =	vor.u32 v25, v42;
	v4 =	vld.idx.msk [tilespmem:v4+s22+$0x0], $0xffff  }
0x326: {  	v11 =	vor.u32 v22, v52;
	v10 =	vld.idx.msk [tilespmem:v14+s22+$0x0], $0xffff;
	v2 =	vor.u32 v22, v40;
	[tilespmem:v8+s31+$0x0] =	vst.idx.msk $0xffff, v1  }
0x327: {  	v12 =	vor.u32 v22, v48;
	v5 =	vor.u32 v25, v39;
	v7 =	vadd.f32 v7, v38;
	v22 =	vld [tilespmem:$0x1FEE0]  }
0x328: {  	v8 =	vor.u32 v25, v45  }
0x329: {  	v6 =	vld.idx.msk [tilespmem:v6+s22+$0x0], $0xffff;
	v62 =	vadd.f32 v9, v37;
	[tilespmem:v0+s31+$0x0] =	vst.idx.msk $0xffff, v7  }
0x32a: {  	v3 =	vld.idx.msk [tilespmem:v43+s22+$0x0], $0xffff;
	v43 =	vadd.f32 v4, v46  }
0x32b: {  	v13 =	vor.u32 v25, v47;
	v0 =	vadd.f32 v10, v44;
	[tilespmem:v2+s31+$0x0] =	vst.idx.msk $0xffff, v62  }
0x32c: {  	v62 =	vor.u32 v60, v34;
	v4 =	vld.idx.msk [tilespmem:v5+s22+$0x0], $0xffff;
	[tilespmem:v12+s31+$0x0] =	vst.idx.msk $0xffff, v43;
	v9 =	vor.u32 v22, v41  }
0x32d: {  	v5 =	vor.u32 v60, v51;
	[tilespmem:v11+s31+$0x0] =	vst.idx.msk $0xffff, v0;
	v8 =	vld.idx.msk [tilespmem:v8+s22+$0x0], $0xffff;
	v0 =	vor.u32 v22, v35  }
0x32e: {  	v10 =	vor.u32 v60, v40;
	v25 =	vld [tilespmem:$0x1FEF0]  }
0x32f: {  	v43 =	vadd.f32 v6, v33;
	v6 =	vor.u32 v22, v42  }
0x330: {  	v15 =	vor.u32 v60, v48;
	v7 =	vld.idx.msk [tilespmem:v13+s22+$0x0], $0xffff;
	v13 =	vor.u32 v60, v52;
	v3 =	vadd.f32 v3, v38  }
0x331: {  	[tilespmem:v62+s31+$0x0] =	vst.idx.msk $0xffff, v43;
	v43 =	vor.u32 v22, v45;
	v62 =	vadd.f32 v4, v37;
	v9 =	vld.idx.msk [tilespmem:v9+s22+$0x0], $0xffff  }
0x332: {  	v12 =	vor.u32 v22, v39;
	v14 =	vor.u32 v22, v47;
	[tilespmem:v5+s31+$0x0] =	vst.idx.msk $0xffff, v3;
	v0 =	vld.idx.msk [tilespmem:v0+s22+$0x0], $0xffff  }
0x333: {  	[tilespmem:v10+s31+$0x0] =	vst.idx.msk $0xffff, v62;
	v11 =	vor.u32 v25, v50;
	v62 =	vadd.f32 v8, v46  }
0x334: {  	v5 =	vld.idx.msk [tilespmem:v6+s22+$0x0], $0xffff;
	v6 =	vor.u32 v25, v34  }
0x335: {  	v60 =	vadd.f32 v7, v44;
	[tilespmem:v15+s31+$0x0] =	vst.idx.msk $0xffff, v62  }
0x336: {  	v4 =	vor.u32 v17, v41;
	v41 =	vor.u32 v17, v35;
	v2 =	vld.idx.msk [tilespmem:v43+s22+$0x0], $0xffff;
	v7 =	vadd.f32 v9, v36  }
0x337: {  	v8 =	vld.idx.msk [tilespmem:v12+s22+$0x0], $0xffff;
	[tilespmem:v13+s31+$0x0] =	vst.idx.msk $0xffff, v60;
	v9 =	vor.u32 v25, v51;
	v0 =	vadd.f32 v0, v33  }
0x338: {  	v42 =	vor.u32 v17, v42;
	v10 =	vld.idx.msk [tilespmem:v14+s22+$0x0], $0xffff;
	v14 =	vor.u32 v25, v48;
	[tilespmem:v11+s31+$0x0] =	vst.idx.msk $0xffff, v7  }
0x339: {  	v7 =	vor.u32 v25, v40;
	[tilespmem:v6+s31+$0x0] =	vst.idx.msk $0xffff, v0;
	v6 =	vor.u32 v17, v45  }
0x33a: {  	v12 =	vor.u32 v25, v52;
	v5 =	vadd.f32 v5, v38;
	v11 =	vor.u32 v17, v39  }
0x33b: {  	v13 =	vor.u32 v17, v47;
	v47 =	vadd.f32 v2, v46;
	v4 =	vld.idx.msk [tilespmem:v4+s22+$0x0], $0xffff  }
0x33c: {  	v43 =	vadd.f32 v8, v37;
	v3 =	vld.idx.msk [tilespmem:v41+s22+$0x0], $0xffff;
	[tilespmem:v9+s31+$0x0] =	vst.idx.msk $0xffff, v5  }
0x33d: {  	v8 =	vor.u32 v16, v50;
	[tilespmem:v14+s31+$0x0] =	vst.idx.msk $0xffff, v47;
	v5 =	vadd.f32 v10, v44;
	v1 =	vld.idx.msk [tilespmem:v42+s22+$0x0], $0xffff  }
0x33e: {  	v50 =	vor.u32 v16, v34;
	[tilespmem:v7+s31+$0x0] =	vst.idx.msk $0xffff, v43;
	v6 =	vld.idx.msk [tilespmem:v6+s22+$0x0], $0xffff  }
0x33f: {  	v9 =	vor.u32 v16, v51;
	[tilespmem:v12+s31+$0x0] =	vst.idx.msk $0xffff, v5;
	v5 =	vadd.f32 v57, v32;
	v7 =	vld.idx.msk [tilespmem:v11+s22+$0x0], $0xffff  }
0x340: {  	[tilespmem:v55+s31+$0x0] =	vst.idx.msk $0xffff, v54;
	v55 =	vor.u32 v16, v48;
	v10 =	vld.idx.msk [tilespmem:v13+s22+$0x0], $0xffff;
	v51 =	vadd.f32 v4, v36  }
0x341: {  	v4 =	vor.u32 v16, v40;
	v3 =	vadd.f32 v3, v33;
	[tilespmem:v53+s31+$0x0] =	vst.idx.msk $0xffff, v5  }
0x342: {  	v5 =	vor.u32 v16, v52;
	[tilespmem:v8+s31+$0x0] =	vst.idx.msk $0xffff, v51;
	v54 =	vadd.f32 v1, v38  }
0x343: {  	[tilespmem:v50+s31+$0x0] =	vst.idx.msk $0xffff, v3;
	v62 =	vadd.f32 v6, v46  }
0x344: {  	v57 =	vadd.f32 v7, v37;
	[tilespmem:v9+s31+$0x0] =	vst.idx.msk $0xffff, v54  }
0x345: {  	v60 =	vadd.f32 v10, v44;
	[tilespmem:v55+s31+$0x0] =	vst.idx.msk $0xffff, v62  }
0x346: {  	[tilespmem:v4+s31+$0x0] =	vst.idx.msk $0xffff, v57  }
0x347: {  	[tilespmem:v5+s31+$0x0] =	vst.idx.msk $0xffff, v60  }
0x348: {  	v16 =	vld [tilespmem:$0x1FFC0]  }
0x349: {  	s7 =	sadd.s32 $0x1, s7;
	v18 =	vld [tilespmem:$0x1FFB0]  }
0x34a: {  	p0 =	sne.s32 s7, $0x32;
	v19 =	vld [tilespmem:$0x1FFE0]  }
.Ltmp7:
0x34b: {  	s8 =	sshll.u32 s10, $0x8;
	v20 =	vld [tilespmem:$0x1FFD0];
	(pc) =	sbr.rel @p0 .LBB2_2-.Ltmp7, $4  }
0x34c: {  	s8 =	sand.u32 $0xF00, s8;
	v8 =	vld [tilespmem:$0x1FF00]  }
0x34d: {  	s9 =	sshll.u32 s13, $0xF;
	s8 =	sadd.s32 s3, s8;
	v24 =	vmov v58;
	v17 =	vmov v56;
	v10 =	vld [tilespmem:$0x1FF10]  }
0x34e: {  	s8 =	sadd.s32 s9, s8;
	v14 =	vmovc v26;
	v26 =	vmovc v28;
	v28 =	vmov v61;
	v12 =	vmov v29;
	v29 =	vmov v63;
	v21 =	vld [tilespmem:$0x1FF20]  }
0x34f: {  	v11 =	vmovc v59;
	v13 =	vmovc v49;
	v7 =	vlaneseq.u32;
	v9 =	vmov v27;
	v27 =	vmov v30;
	[hbm4b:s8+s26] =	stream.strided.scatter [tilespmem:s31], [sflag:$0x5], $0x4000, s28, s26, $0x38;
	v15 =	vld [tilespmem:$0x1FE80]  }
0x350: {  	_ =	swait.ge [sflag:s2], $0x4000  }
0x351: {  	[sflag:s2] =	ssyncset.done $0x0  }
0x352: {  	[sflag:s2] =	ssyncadd.s32 $0xFFFFC000  }
0x353: {  	_ =	swait.ge [sflag:s30], $0x4000  }
0x354: {  	s0 =	sadd.s32 $0x1, s0;
	s7 =	rddreg [dreg:$0x7]  }
0x355: {  	p0 =	sne.s32 s0, s7  }
.Ltmp8:
0x356: {  	_ = 	snop;
	(pc) =	sbr.rel @p0 .LBB2_1-.Ltmp8, $3  }
0x357: {  	_ =	sdelay $0x1  }
0x358: {  	[sflag:s30] =	ssyncset.done $0x0  }
0x359: {  	[sflag:s30] =	ssyncadd.s32 $0xFFFFC000  }
0x35a: {  	_ =	sfence.sel $0x180000  }
0x35b: {  	[bflag:$0x0] =	sbarrier.arrive $0xFFFF  }
0x35c: {  	_ =	strace $0x9000004A  }
0x35d: {  	s0 =	stileid.u32;
	[bflag:$0x2] =	sbarrier.arrive $0xFFFF  }
0x35e: {  	p0 =	sne.s32 s0, $0x0;
	s0 =	rddreg [dreg:$0x3]  }
0x35f: {  	s0 =	sadd.s32 @!p0 $0x100000, s0  }
0x360: {  	[sflag:s0] =	ssyncadd.tile.s32 @!p0 $0x1;
	_ =	shalt  }
.Lfunc_end2:
_tile_overlayer_lowered:
.L_overlay_start_2:
0x361: {  	(tag) =	ssettag $0x2  }
0x362: {  	s0 =	rddreg [dreg:$0x0];
	s2 =	stileid.u32  }
0x363: {  	s1 =	rddreg [dreg:$0x1];
	p0 =	sne.s32 s2, $0x0  }
0x364: {  	s3 =	rddreg [dreg:$0x2];
	[bflag:$0x3] =	sbarrier.arrive $0xFFFF;
	s2 =	simm.s32 @!p0 $0x1C06  }
0x365: {  	[timem:s3], [sflag:s2] =	dma.local @!p0 [hbm:s0], s1  }
0x366: {  	s0 =	simm.s32 @!p0 $0x6  }
0x367: {  	_ =	swait.ge @!p0 [sflag:s0], s1  }
0x368: {  	s1 =	ssub.s32 @!p0 $0x0, s1;
	[sflag:s0] =	ssyncset.done @!p0 $0x0  }
0x369: {  	[sflag:s0] =	ssyncadd.s32 @!p0 s1  }
0x36a: {  	[bflag:$0x3] =	sbarrier.arrive $0xFFFF  }
0x36b: {  	_ =	shalt  }

</sc_bundles>
